<compile_context>
chip_gen: v7x
topology: tpu7x:2x2x1
jax: 0.10.2.dev20260603
libtpu: 0.0.44.dev20260713+nightly
codegen_flags: <defaults>
</compile_context>

<pallas_src>
import functools

import numpy as np
import jax
import jax.numpy as jnp
from jax import lax
from jax.experimental import pallas as pl
from jax.experimental.pallas import tpu as pltpu
from jax.experimental.pallas import tpu_sc as plsc

T = 2048
DM = 2048
H = 32
DH = 128
ROPE = 64
TOPK = 512
EPS = 1e-6
HI = lax.Precision.HIGHEST

BT = 128

_NEG = np.float32(-1e9).view(np.int32)
C_NEG = int(_NEG ^ (0x7FFFFFFF & (_NEG >> 31)))
C_BASE = C_NEG - 2048

NC, NS, L = 2, 16, 16
NW = NC * NS
ROWS_PER_W = T // NW


BF = jnp.bfloat16


def _rne16(x):
    i = lax.bitcast_convert_type(x, jnp.int32)
    i2 = i + jnp.int32(0x7FFF) + ((i >> 16) & 1)
    return lax.bitcast_convert_type(i2 & jnp.int32(-65536), jnp.float32)


def _bf(x):
    return _rne16(x).astype(BF)


def _dotbf(a, b, dims):
    return lax.dot_general(_bf(a), _bf(b), dims,
                           preferred_element_type=jnp.float32)


def _prep_kernel(x_ref, wk_ref, wproj_ref, g_ref, b_ref, cos_ref, sin_ref,
                 k_out, w_out):
    x = x_ref[...]
    k = _dotbf(x, wk_ref[...], (((1,), (0,)), ((), ())))
    mu = jnp.mean(k, axis=-1, keepdims=True)
    var = jnp.mean((k - mu) ** 2, axis=-1, keepdims=True)
    k = (k - mu) / jnp.sqrt(var + EPS) * g_ref[...] + b_ref[...]
    kr = k[:, :ROPE]
    k1 = kr[:, :ROPE // 2]
    k2 = kr[:, ROPE // 2:]
    rot = jnp.concatenate([-k2, k1], axis=-1)
    kr = kr * cos_ref[...] + rot * sin_ref[...]
    k_out[...] = jnp.concatenate([kr, k[:, ROPE:]], axis=-1)
    w_out[...] = _dotbf(x, wproj_ref[...], (((1,), (0,)), ((), ()))) * (H ** -0.5)


def _scores_kernel(q_ref, k_ref, w_ref, out_ref):
    pid = pl.program_id(0)
    q = q_ref[...]
    kb = _bf(k_ref[...])
    w = w_ref[...]
    wb = _rne16(w)
    scale = DH ** -0.5
    acc = jnp.zeros((BT, T), jnp.float32)
    for h in range(H):
        qh = q[:, h * DH:(h + 1) * DH]
        logit = lax.dot_general(_bf(qh), kb, (((1,), (1,)), ((), ())),
                                preferred_element_type=jnp.float32)
        r = jnp.maximum(logit * scale, 0.0)
        acc = acc + _rne16(r) * wb[:, h:h + 1]
    row = pid * BT + lax.broadcasted_iota(jnp.int32, (BT, T), 0)
    col = lax.broadcasted_iota(jnp.int32, (BT, T), 1)
    sc = jnp.where(col <= row, acc, jnp.float32(-1e9))
    si = lax.bitcast_convert_type(sc, jnp.int32)
    out_ref[...] = si ^ (jnp.int32(0x7FFFFFFF) & (si >> 31))


def _masked_scores_xs(x, wq_b, wk, w_proj, knorm_g, knorm_b):
    pos = jnp.arange(T, dtype=jnp.float32)
    inv_freq = 1.0 / (10000.0 ** (jnp.arange(0, ROPE, 2, dtype=jnp.float32) / ROPE))
    freqs = pos[:, None] * inv_freq[None, :]
    cos = jnp.concatenate([jnp.cos(freqs), jnp.cos(freqs)], axis=-1)
    sin = jnp.concatenate([jnp.sin(freqs), jnp.sin(freqs)], axis=-1)

    k = x @ wk
    mu = jnp.mean(k, axis=-1, keepdims=True)
    var = jnp.var(k, axis=-1, keepdims=True)
    k = (k - mu) / jnp.sqrt(var + EPS) * knorm_g + knorm_b
    k_rope = k[:, :ROPE]
    rot = jnp.concatenate([-k_rope[:, ROPE // 2:], k_rope[:, :ROPE // 2]],
                          axis=-1)
    k_rope = k_rope * cos + rot * sin
    k_rt = jnp.concatenate([k_rope, k[:, ROPE:]], axis=-1)
    w = (x @ w_proj) * (H ** -0.5)

    q = (x @ wq_b).reshape(T, H, DH)
    q_rope = q[..., :ROPE]
    qrot = jnp.concatenate([-q_rope[..., ROPE // 2:], q_rope[..., :ROPE // 2]],
                           axis=-1)
    q_rope = q_rope * cos[:, None, :] + qrot * sin[:, None, :]
    q_rt = jnp.concatenate([q_rope, q[..., ROPE:]], axis=-1).reshape(T, H * DH)

    grid = (T // BT,)
    xs = pl.pallas_call(
        _scores_kernel,
        grid=grid,
        in_specs=[
            pl.BlockSpec((BT, H * DH), lambda i: (i, 0)),
            pl.BlockSpec((T, DH), lambda i: (0, 0)),
            pl.BlockSpec((BT, H), lambda i: (i, 0)),
        ],
        out_specs=pl.BlockSpec((BT, T), lambda i: (i, 0)),
        out_shape=jax.ShapeDtypeStruct((T, T), jnp.int32),
    )(q_rt, k_rt, w)
    return xs


def _sc_topk_body(xs_hbm, sco_hbm, idx_hbm, ku, idv, so, io):
    wid = lax.axis_index("s") * NC + lax.axis_index("c")
    lane = lax.iota(jnp.int32, L)
    logL = 4

    def cmpex_pair(p, size, dlog):
        d_vr = jnp.int32(1) << (dlog - 4)
        mask = d_vr - 1
        v1 = ((p & ~mask) << 1) | (p & mask)
        o1 = v1 * L
        o2 = o1 + d_vr * L
        ka = ku[pl.ds(o1, L)]
        kb = ku[pl.ds(o2, L)]
        ia = idv[pl.ds(o1, L)]
        ib = idv[pl.ds(o2, L)]
        ev = lane + o1
        descm = (ev & size) == 0
        win = ka > kb
        sel = win == descm
        ku[pl.ds(o1, L)] = jnp.where(sel, ka, kb)
        ku[pl.ds(o2, L)] = jnp.where(sel, kb, ka)
        idv[pl.ds(o1, L)] = jnp.where(sel, ia, ib)
        idv[pl.ds(o2, L)] = jnp.where(sel, ib, ia)

    def vreg_sort(v, size):
        off = v * L
        ev = lane + off
        descm = (ev & size) == 0
        kv = ku[pl.ds(off, L)]
        iv = idv[pl.ds(off, L)]
        kf = jnp.where(descm, kv, ~kv)
        ks, is_ = plsc.sort_key_val(kf, iv, descending=True)
        ku[pl.ds(off, L)] = jnp.where(descm, ks, ~ks)
        idv[pl.ds(off, L)] = is_

    def make_do_row(P):
        logP = P.bit_length() - 1

        def do_row(j, _):
            row = wid + NW * j
            pltpu.sync_copy(xs_hbm.at[row, pl.ds(0, P)], ku.at[pl.ds(0, P)])

            def prep(v, c):
                off = v * L
                ids = lane + off
                idv[pl.ds(off, L)] = ids
                kraw = ku[pl.ds(off, L)]
                ku[pl.ds(off, L)] = jnp.where(kraw == C_NEG,
                                              C_BASE + (2047 - ids), kraw)
                return c
            lax.fori_loop(0, P // L, prep, 0)

            def blockA(v, c):
                vreg_sort(v, jnp.int32(L))
                return c
            lax.fori_loop(0, P // L, blockA, 0)

            def phase(k, c):
                size = jnp.int32(1) << k

                def stage(i, c2):
                    dlog = k - 1 - i

                    def pair(p, c3):
                        cmpex_pair(p, size, dlog)
                        return c3
                    lax.fori_loop(0, P // (2 * L), pair, 0)
                    return c2
                lax.fori_loop(0, k - 4, stage, 0)

                def intra(v, c2):
                    vreg_sort(v, size)
                    return c2
                lax.fori_loop(0, P // L, intra, 0)
                return c
            lax.fori_loop(5, logP + 1, phase, 0)

            def emit(v, c):
                off = v * L
                kf = ku[pl.ds(off, L)]
                sc = lax.bitcast_convert_type(
                    kf ^ (jnp.int32(0x7FFFFFFF) & (kf >> 31)), jnp.float32)
                so[pl.ds(off, L)] = jnp.where(kf < C_NEG, jnp.float32(-1e9), sc)
                io[pl.ds(off, L)] = idv[pl.ds(off, L)]
                return c
            lax.fori_loop(0, TOPK // L, emit, 0)

            pltpu.sync_copy(so, sco_hbm.at[row])
            pltpu.sync_copy(io, idx_hbm.at[row])
            return _

        return do_row

    lax.fori_loop(0, 16, make_do_row(512), 0)
    lax.fori_loop(16, 32, make_do_row(1024), 0)
    lax.fori_loop(32, ROWS_PER_W, make_do_row(2048), 0)


@functools.partial(
    pl.kernel,
    out_type=(jax.ShapeDtypeStruct((T, TOPK), jnp.float32),
              jax.ShapeDtypeStruct((T, TOPK), jnp.int32)),
    mesh=plsc.VectorSubcoreMesh(core_axis_name="c", subcore_axis_name="s",
                                num_cores=NC, num_subcores=NS),
    scratch_types=[
        pltpu.VMEM((T,), jnp.int32),
        pltpu.VMEM((T,), jnp.int32),
        pltpu.VMEM((TOPK,), jnp.float32),
        pltpu.VMEM((TOPK,), jnp.int32),
    ],
    compiler_params=pltpu.CompilerParams(needs_layout_passes=False),
)
def _sc_topk(xs_hbm, sco_hbm, idx_hbm, ku, idv, so, io):
    _sc_topk_body(xs_hbm, sco_hbm, idx_hbm, ku, idv, so, io)


def kernel(x, wq_b, wk, w_proj, knorm_g, knorm_b):
    xs = _masked_scores_xs(x, wq_b, wk, w_proj, knorm_g, knorm_b)
    return _sc_topk(xs)

# --- scband reference (transcript-rebuilt; emitter-appended) ---
"""Pipeline reference for scband-indexer-35313221107908 (READ-ONLY COPY).

The authoritative reference and input builder live on the scoring server;
editing this copy changes nothing except your own understanding.
"""

import jax, jax.numpy as jnp
import numpy as np

T = 2048
D_MODEL = 2048
H = 32
DH = 128
ROPE = 64
TOPK = 512
EPS = 1e-6


def _apply_rope(v, cos, sin):
    # v: [..., ROPE]; rotate-half RoPE
    v1, v2 = jnp.split(v, 2, axis=-1)
    rot = jnp.concatenate([-v2, v1], axis=-1)
    return v * cos + rot * sin


def setup_inputs(seed: int = 0) -> dict:
    key = jax.random.key(seed)
    ks = jax.random.split(key, 6)
    x = jax.random.normal(ks[0], (T, D_MODEL), dtype=jnp.float32)
    wq_b = jax.random.normal(ks[1], (D_MODEL, H * DH), dtype=jnp.float32) * (D_MODEL ** -0.5)
    wk = jax.random.normal(ks[2], (D_MODEL, DH), dtype=jnp.float32) * (D_MODEL ** -0.5)
    w_proj = jax.random.normal(ks[3], (D_MODEL, H), dtype=jnp.float32) * (D_MODEL ** -0.5)
    knorm_g = jnp.ones((DH,), dtype=jnp.float32)
    knorm_b = jnp.zeros((DH,), dtype=jnp.float32)
    return {"x": x, "wq_b": wq_b, "wk": wk, "w_proj": w_proj,
            "knorm_g": knorm_g, "knorm_b": knorm_b}


def reference(x, wq_b, wk, w_proj, knorm_g, knorm_b):
    Tn = x.shape[0]
    # q projection: wq_b -> [T, H, DH]
    q = (x @ wq_b).reshape(Tn, H, DH)
    # k projection + layernorm (k_norm)
    k = x @ wk
    mu = jnp.mean(k, axis=-1, keepdims=True)
    var = jnp.var(k, axis=-1, keepdims=True)
    k = (k - mu) / jnp.sqrt(var + EPS) * knorm_g + knorm_b
    # RoPE on first ROPE dims of q and k
    pos = jnp.arange(Tn)
    inv_freq = 1.0 / (10000.0 ** (jnp.arange(0, ROPE, 2, dtype=jnp.float32) / ROPE))
    freqs = pos[:, None].astype(jnp.float32) * inv_freq[None, :]
    cos = jnp.concatenate([jnp.cos(freqs), jnp.cos(freqs)], axis=-1)
    sin = jnp.concatenate([jnp.sin(freqs), jnp.sin(freqs)], axis=-1)
    q_rope = _apply_rope(q[..., :ROPE], cos[:, None, :], sin[:, None, :])
    q = jnp.concatenate([q_rope, q[..., ROPE:]], axis=-1)
    k_rope = _apply_rope(k[..., :ROPE], cos, sin)
    k = jnp.concatenate([k_rope, k[..., ROPE:]], axis=-1)
    # per-head weights (weights_proj) with weights_scale = H^-0.5
    w = (x @ w_proj) * (H ** -0.5)
    # index score: I[t,s] = sum_h w[t,h] * relu(q[t,h] . k[s]) * softmax_scale
    logits = jnp.einsum('thd,sd->ths', q, k) * (DH ** -0.5)
    scores = jnp.einsum('ths,th->ts', jax.nn.relu(logits), w)
    # causal mask then top-k sparse selection
    mask = pos[None, :] <= pos[:, None]
    scores = jnp.where(mask, scores, -1e9)
    topk_scores, topk_idx = jax.lax.top_k(scores, TOPK)
    return topk_scores, topk_idx

if __name__ == "__main__":
    import jax
    _d = setup_inputs()
    print(jax.jit(kernel)(*tuple(_d.values())))

</pallas_src>

<mosaic_0001>
#map = affine_map<(d0, d1) -> (0, 0)>
module attributes {stable_mosaic.version = 14 : i64} {
  func.func @_sc_topk(%arg0: i32, %arg1: i32, %arg2: memref<2048x2048xi32, #tpu.memory_space<hbm>>, %arg3: memref<2048x512xf32, #tpu.memory_space<hbm>>, %arg4: memref<2048x512xi32, #tpu.memory_space<hbm>>, %arg5: memref<2048xi32, #tpu.memory_space<vmem>>, %arg6: memref<2048xi32, #tpu.memory_space<vmem>>, %arg7: memref<512xf32, #tpu.memory_space<vmem>>, %arg8: memref<512xi32, #tpu.memory_space<vmem>>) attributes {dimension_semantics = [#tpu.dimension_semantics<core_parallel>, #tpu.dimension_semantics<subcore_parallel>], iteration_bounds = array<i64: 2, 16>, scalar_prefetch = 0 : i64, scratch_operands = 4 : i64, tpu.core_type = #tpu.core_type<sc_vector_subcore>, window_params = [{transform_indices = #map}, {transform_indices = #map}, {transform_indices = #map}]} {
    %mul3A = arith.constant 2 : i32
    %mul3A_0 = arith.muli %arg1, %mul3A : i32
    %add3A = arith.addi %mul3A_0, %arg0 : i32
    %iota3A = tpu.iota {dimensions = array<i32: 0>} : vector<16xi32>
    %scan3A = arith.constant 0 : i32
    %scan3A_1 = arith.constant 0 : i32
    %scan3A_2 = arith.constant 16 : i32
    %scan3A_3 = arith.addi %scan3A_1, %scan3A_2 : i32
    %scan3A_4 = arith.constant 1 : i32
    scf.for %scan3A_18 = %scan3A_1 to %scan3A_3 step %scan3A_4  : i32 {
      %mul3A_19 = arith.constant 32 : i32
      %mul3A_20 = arith.muli %mul3A_19, %scan3A_18 : i32
      %add3A_21 = arith.addi %add3A, %mul3A_20 : i32
      "tpu.region"() ({
        %run_scoped3A = tpu.sem_alloc : memref<!tpu.dma_semaphore, #tpu.memory_space<semaphore_mem>>
        %dma_start3A = arith.constant 0 : i32
        %dma_start3A_46 = tpu.memref_slice %arg5[%dma_start3A] : memref<2048xi32, #tpu.memory_space<vmem>> -> memref<512xi32, #tpu.memory_space<vmem>>
        %dma_start3A_47 = arith.constant 0 : i32
        %dma_start3A_48 = tpu.memref_slice %arg2[%add3A_21, %dma_start3A_47] : memref<2048x2048xi32, #tpu.memory_space<hbm>> -> memref<1x512xi32, #tpu.memory_space<hbm>>
        %dma_start3A_49 = tpu.memref_squeeze %dma_start3A_48 : memref<1x512xi32, #tpu.memory_space<hbm>> -> memref<512xi32, #tpu.memory_space<hbm>>
        %dma_start3A_50 = arith.constant 0 : i32
        %dma_start3A_51 = tpu.memref_slice %arg5[%dma_start3A_50] : memref<2048xi32, #tpu.memory_space<vmem>> -> memref<512xi32, #tpu.memory_space<vmem>>
        %dma_start3A_52 = arith.constant 0 : i32
        %dma_start3A_53 = tpu.memref_slice %arg2[%add3A_21, %dma_start3A_52] : memref<2048x2048xi32, #tpu.memory_space<hbm>> -> memref<1x512xi32, #tpu.memory_space<hbm>>
        %dma_start3A_54 = tpu.memref_squeeze %dma_start3A_53 : memref<1x512xi32, #tpu.memory_space<hbm>> -> memref<512xi32, #tpu.memory_space<hbm>>
        tpu.enqueue_dma source(%dma_start3A_54 : memref<512xi32, #tpu.memory_space<hbm>>) target(%dma_start3A_51 : memref<512xi32, #tpu.memory_space<vmem>>) target_semaphore(%run_scoped3A : memref<!tpu.dma_semaphore, #tpu.memory_space<semaphore_mem>>)
        %dma_wait3A = arith.constant 0 : i32
        %dma_wait3A_55 = tpu.memref_slice %arg5[%dma_wait3A] : memref<2048xi32, #tpu.memory_space<vmem>> -> memref<512xi32, #tpu.memory_space<vmem>>
        %dma_wait3A_56 = arith.constant 0 : i32
        %dma_wait3A_57 = tpu.memref_slice %arg2[%add3A_21, %dma_wait3A_56] : memref<2048x2048xi32, #tpu.memory_space<hbm>> -> memref<1x512xi32, #tpu.memory_space<hbm>>
        %dma_wait3A_58 = tpu.memref_squeeze %dma_wait3A_57 : memref<1x512xi32, #tpu.memory_space<hbm>> -> memref<512xi32, #tpu.memory_space<hbm>>
        %dma_wait3A_59 = arith.constant 0 : i32
        %dma_wait3A_60 = tpu.memref_slice %arg5[%dma_wait3A_59] : memref<2048xi32, #tpu.memory_space<vmem>> -> memref<512xi32, #tpu.memory_space<vmem>>
        %dma_wait3A_61 = arith.constant 0 : i32
        %dma_wait3A_62 = tpu.memref_slice %arg2[%add3A_21, %dma_wait3A_61] : memref<2048x2048xi32, #tpu.memory_space<hbm>> -> memref<1x512xi32, #tpu.memory_space<hbm>>
        %dma_wait3A_63 = tpu.memref_squeeze %dma_wait3A_62 : memref<1x512xi32, #tpu.memory_space<hbm>> -> memref<512xi32, #tpu.memory_space<hbm>>
        tpu.wait_dma2 semaphore(%run_scoped3A : memref<!tpu.dma_semaphore, #tpu.memory_space<semaphore_mem>>) src(%dma_wait3A_63 : memref<512xi32, #tpu.memory_space<hbm>>) dst(%dma_wait3A_60 : memref<512xi32, #tpu.memory_space<vmem>>)
        tpu.yield
      }) : () -> ()
      %scan3A_22 = arith.constant 0 : i32
      %scan3A_23 = arith.constant 0 : i32
      %scan3A_24 = arith.constant 32 : i32
      %scan3A_25 = arith.addi %scan3A_23, %scan3A_24 : i32
      %scan3A_26 = arith.constant 1 : i32
      scf.for %scan3A_46 = %scan3A_23 to %scan3A_25 step %scan3A_26  : i32 {
        %mul3A_47 = arith.constant 16 : i32
        %mul3A_48 = arith.muli %scan3A_46, %mul3A_47 : i32
        %add3A_49 = vector.broadcast %mul3A_48 : i32 to vector<16xi32>
        %add3A_50 = arith.addi %iota3A, %add3A_49 : vector<16xi32>
        %swap3A = arith.index_cast %mul3A_48 : i32 to index
        %swap3A_51 = tpu.vector_load %arg6[%swap3A] {strides = array<i32>} : memref<2048xi32, #tpu.memory_space<vmem>>, vector<16xi32>,
        tpu.vector_store %arg6[%swap3A], %add3A_50 {strides = array<i32>} : memref<2048xi32, #tpu.memory_space<vmem>>, vector<16xi32>,
        %get3A = arith.index_cast %mul3A_48 : i32 to index
        %get3A_52 = tpu.vector_load %arg5[%get3A] {strides = array<i32>} : memref<2048xi32, #tpu.memory_space<vmem>>, vector<16xi32>,
        %eq3A = arith.constant -1315859241 : i32
        %eq3A_53 = vector.broadcast %eq3A : i32 to vector<16xi32>
        %eq3A_54 = arith.cmpi eq, %get3A_52, %eq3A_53 : vector<16xi32>
        %sub3A = arith.constant 2047 : i32
        %sub3A_55 = vector.broadcast %sub3A : i32 to vector<16xi32>
        %sub3A_56 = arith.subi %sub3A_55, %add3A_50 : vector<16xi32>
        %add3A_57 = arith.constant -1315861289 : i32
        %add3A_58 = vector.broadcast %add3A_57 : i32 to vector<16xi32>
        %add3A_59 = arith.addi %add3A_58, %sub3A_56 : vector<16xi32>
        %select_n3A = arith.select %eq3A_54, %add3A_59, %get3A_52 : vector<16xi1>, vector<16xi32>
        %swap3A_60 = arith.index_cast %mul3A_48 : i32 to index
        %swap3A_61 = tpu.vector_load %arg5[%swap3A_60] {strides = array<i32>} : memref<2048xi32, #tpu.memory_space<vmem>>, vector<16xi32>,
        tpu.vector_store %arg5[%swap3A_60], %select_n3A {strides = array<i32>} : memref<2048xi32, #tpu.memory_space<vmem>>, vector<16xi32>,
      }
      %scan3A_27 = arith.constant 32 : i32
      %scan3A_28 = arith.constant 0 : i32
      %scan3A_29 = arith.constant 0 : i32
      %scan3A_30 = arith.constant 32 : i32
      %scan3A_31 = arith.addi %scan3A_29, %scan3A_30 : i32
      %scan3A_32 = arith.constant 1 : i32
      scf.for %scan3A_46 = %scan3A_29 to %scan3A_31 step %scan3A_32  : i32 {
        %mul3A_47 = arith.constant 16 : i32
        %mul3A_48 = arith.muli %scan3A_46, %mul3A_47 : i32
        %add3A_49 = vector.broadcast %mul3A_48 : i32 to vector<16xi32>
        %add3A_50 = arith.addi %iota3A, %add3A_49 : vector<16xi32>
        %and3A = arith.constant 16 : i32
        %and3A_51 = vector.broadcast %and3A : i32 to vector<16xi32>
        %and3A_52 = arith.andi %add3A_50, %and3A_51 : vector<16xi32>
        %eq3A = arith.constant 0 : i32
        %eq3A_53 = vector.broadcast %eq3A : i32 to vector<16xi32>
        %eq3A_54 = arith.cmpi eq, %and3A_52, %eq3A_53 : vector<16xi32>
        %get3A = arith.index_cast %mul3A_48 : i32 to index
        %get3A_55 = tpu.vector_load %arg5[%get3A] {strides = array<i32>} : memref<2048xi32, #tpu.memory_space<vmem>>, vector<16xi32>,
        %get3A_56 = arith.index_cast %mul3A_48 : i32 to index
        %get3A_57 = tpu.vector_load %arg6[%get3A_56] {strides = array<i32>} : memref<2048xi32, #tpu.memory_space<vmem>>, vector<16xi32>,
        %not3A = arith.constant dense<-1> : vector<16xi32>
        %not3A_58 = arith.xori %get3A_55, %not3A : vector<16xi32>
        %select_n3A = arith.select %eq3A_54, %get3A_55, %not3A_58 : vector<16xi1>, vector<16xi32>
        %masked_sort3A = arith.constant dense<true> : vector<16xi1>
        %masked_sort3A_59 = arith.constant -2147483648 : i32
        %masked_sort3A_60 = vector.broadcast %masked_sort3A_59 : i32 to vector<16xi32>
        %masked_sort3A_61 = arith.xori %select_n3A, %masked_sort3A_60 : vector<16xi32>
        %masked_sort3A_62, %masked_sort3A_63, %masked_sort3A_64 = tpu.sort %masked_sort3A_61, %get3A_57 masked %masked_sort3A {descending = true} : (vector<16xi32>, vector<16xi32>, vector<16xi1>) -> (vector<16xi1>, vector<16xi32>, vector<16xi32>)
        %masked_sort3A_65 = arith.xori %masked_sort3A_63, %masked_sort3A_60 : vector<16xi32>
        %not3A_66 = arith.constant dense<-1> : vector<16xi32>
        %not3A_67 = arith.xori %masked_sort3A_65, %not3A_66 : vector<16xi32>
        %select_n3A_68 = arith.select %eq3A_54, %masked_sort3A_65, %not3A_67 : vector<16xi1>, vector<16xi32>
        %swap3A = arith.index_cast %mul3A_48 : i32 to index
        %swap3A_69 = tpu.vector_load %arg5[%swap3A] {strides = array<i32>} : memref<2048xi32, #tpu.memory_space<vmem>>, vector<16xi32>,
        tpu.vector_store %arg5[%swap3A], %select_n3A_68 {strides = array<i32>} : memref<2048xi32, #tpu.memory_space<vmem>>, vector<16xi32>,
        %swap3A_70 = arith.index_cast %mul3A_48 : i32 to index
        %swap3A_71 = tpu.vector_load %arg6[%swap3A_70] {strides = array<i32>} : memref<2048xi32, #tpu.memory_space<vmem>>, vector<16xi32>,
        tpu.vector_store %arg6[%swap3A_70], %masked_sort3A_64 {strides = array<i32>} : memref<2048xi32, #tpu.memory_space<vmem>>, vector<16xi32>,
      }
      %scan3A_33 = arith.constant 32 : i32
      %scan3A_34 = arith.constant 0 : i32
      %scan3A_35 = arith.constant 5 : i32
      %scan3A_36 = arith.constant 5 : i32
      %scan3A_37 = arith.addi %scan3A_35, %scan3A_36 : i32
      %scan3A_38 = arith.constant 1 : i32
      scf.for %scan3A_46 = %scan3A_35 to %scan3A_37 step %scan3A_38  : i32 {
        %shift_left3A = arith.constant 1 : i32
        %shift_left3A_47 = arith.shli %shift_left3A, %scan3A_46 : i32
        %sub3A = arith.constant 4 : i32
        %sub3A_48 = arith.subi %scan3A_46, %sub3A : i32
        %while3A = arith.constant 0 : i32
        %while3A_49 = arith.constant 0 : i32
        %while3A_50 = arith.subi %sub3A_48, %while3A_49 : i32
        %while3A_51 = arith.addi %while3A_49, %while3A_50 : i32
        %while3A_52 = arith.constant 1 : i32
        %while3A_53 = arith.divsi %while3A_50, %while3A_52 : i32
        %while3A_54 = arith.muli %while3A_53, %while3A_52 : i32
        %while3A_55 = arith.addi %while3A_49, %while3A_54 : i32
        %while3A_56 = arith.constant 1 : i32
        scf.for %while3A_64 = %while3A_49 to %while3A_55 step %while3A_56  : i32 {
          %sub3A_65 = arith.constant 1 : i32
          %sub3A_66 = arith.subi %scan3A_46, %sub3A_65 : i32
          %sub3A_67 = arith.subi %sub3A_66, %while3A_64 : i32
          %scan3A_68 = arith.constant 0 : i32
          %scan3A_69 = arith.constant 0 : i32
          %scan3A_70 = arith.constant 16 : i32
          %scan3A_71 = arith.addi %scan3A_69, %scan3A_70 : i32
          %scan3A_72 = arith.constant 1 : i32
          scf.for %scan3A_74 = %scan3A_69 to %scan3A_71 step %scan3A_72  : i32 {
            %sub3A_75 = arith.constant 4 : i32
            %sub3A_76 = arith.subi %sub3A_67, %sub3A_75 : i32
            %shift_left3A_77 = arith.constant 1 : i32
            %shift_left3A_78 = arith.shli %shift_left3A_77, %sub3A_76 : i32
            %sub3A_79 = arith.constant 1 : i32
            %sub3A_80 = arith.subi %shift_left3A_78, %sub3A_79 : i32
            %not3A = arith.constant -1 : i32
            %not3A_81 = arith.xori %sub3A_80, %not3A : i32
            %and3A = arith.andi %scan3A_74, %not3A_81 : i32
            %shift_left3A_82 = arith.constant 1 : i32
            %shift_left3A_83 = arith.shli %and3A, %shift_left3A_82 : i32
            %and3A_84 = arith.andi %scan3A_74, %sub3A_80 : i32
            %or3A = arith.ori %shift_left3A_83, %and3A_84 : i32
            %mul3A_85 = arith.constant 16 : i32
            %mul3A_86 = arith.muli %or3A, %mul3A_85 : i32
            %mul3A_87 = arith.constant 16 : i32
            %mul3A_88 = arith.muli %shift_left3A_78, %mul3A_87 : i32
            %add3A_89 = arith.addi %mul3A_86, %mul3A_88 : i32
            %get3A = arith.index_cast %mul3A_86 : i32 to index
            %get3A_90 = tpu.vector_load %arg5[%get3A] {strides = array<i32>} : memref<2048xi32, #tpu.memory_space<vmem>>, vector<16xi32>,
            %get3A_91 = arith.index_cast %add3A_89 : i32 to index
            %get3A_92 = tpu.vector_load %arg5[%get3A_91] {strides = array<i32>} : memref<2048xi32, #tpu.memory_space<vmem>>, vector<16xi32>,
            %get3A_93 = arith.index_cast %mul3A_86 : i32 to index
            %get3A_94 = tpu.vector_load %arg6[%get3A_93] {strides = array<i32>} : memref<2048xi32, #tpu.memory_space<vmem>>, vector<16xi32>,
            %get3A_95 = arith.index_cast %add3A_89 : i32 to index
            %get3A_96 = tpu.vector_load %arg6[%get3A_95] {strides = array<i32>} : memref<2048xi32, #tpu.memory_space<vmem>>, vector<16xi32>,
            %add3A_97 = vector.broadcast %mul3A_86 : i32 to vector<16xi32>
            %add3A_98 = arith.addi %iota3A, %add3A_97 : vector<16xi32>
            %and3A_99 = vector.broadcast %shift_left3A_47 : i32 to vector<16xi32>
            %and3A_100 = arith.andi %add3A_98, %and3A_99 : vector<16xi32>
            %eq3A = arith.constant 0 : i32
            %eq3A_101 = vector.broadcast %eq3A : i32 to vector<16xi32>
            %eq3A_102 = arith.cmpi eq, %and3A_100, %eq3A_101 : vector<16xi32>
            %gt3A = arith.cmpi sgt, %get3A_90, %get3A_92 : vector<16xi32>
            %eq3A_103 = arith.xori %gt3A, %eq3A_102 : vector<16xi1>
            %eq3A_104 = arith.constant dense<true> : vector<16xi1>
            %eq3A_105 = arith.xori %eq3A_103, %eq3A_104 : vector<16xi1>
            %select_n3A = arith.select %eq3A_105, %get3A_90, %get3A_92 : vector<16xi1>, vector<16xi32>
            %swap3A = arith.index_cast %mul3A_86 : i32 to index
            %swap3A_106 = tpu.vector_load %arg5[%swap3A] {strides = array<i32>} : memref<2048xi32, #tpu.memory_space<vmem>>, vector<16xi32>,
            tpu.vector_store %arg5[%swap3A], %select_n3A {strides = array<i32>} : memref<2048xi32, #tpu.memory_space<vmem>>, vector<16xi32>,
            %select_n3A_107 = arith.select %eq3A_105, %get3A_92, %get3A_90 : vector<16xi1>, vector<16xi32>
            %swap3A_108 = arith.index_cast %add3A_89 : i32 to index
            %swap3A_109 = tpu.vector_load %arg5[%swap3A_108] {strides = array<i32>} : memref<2048xi32, #tpu.memory_space<vmem>>, vector<16xi32>,
            tpu.vector_store %arg5[%swap3A_108], %select_n3A_107 {strides = array<i32>} : memref<2048xi32, #tpu.memory_space<vmem>>, vector<16xi32>,
            %select_n3A_110 = arith.select %eq3A_105, %get3A_94, %get3A_96 : vector<16xi1>, vector<16xi32>
            %swap3A_111 = arith.index_cast %mul3A_86 : i32 to index
            %swap3A_112 = tpu.vector_load %arg6[%swap3A_111] {strides = array<i32>} : memref<2048xi32, #tpu.memory_space<vmem>>, vector<16xi32>,
            tpu.vector_store %arg6[%swap3A_111], %select_n3A_110 {strides = array<i32>} : memref<2048xi32, #tpu.memory_space<vmem>>, vector<16xi32>,
            %select_n3A_113 = arith.select %eq3A_105, %get3A_96, %get3A_94 : vector<16xi1>, vector<16xi32>
            %swap3A_114 = arith.index_cast %add3A_89 : i32 to index
            %swap3A_115 = tpu.vector_load %arg6[%swap3A_114] {strides = array<i32>} : memref<2048xi32, #tpu.memory_space<vmem>>, vector<16xi32>,
            tpu.vector_store %arg6[%swap3A_114], %select_n3A_113 {strides = array<i32>} : memref<2048xi32, #tpu.memory_space<vmem>>, vector<16xi32>,
          }
          %scan3A_73 = arith.constant 16 : i32
        }
        %while3A_57 = arith.constant 1 : i32
        scf.for %while3A_64 = %while3A_55 to %while3A_51 step %while3A_57  : i32 {
          %sub3A_65 = arith.constant 1 : i32
          %sub3A_66 = arith.subi %scan3A_46, %sub3A_65 : i32
          %sub3A_67 = arith.subi %sub3A_66, %while3A_64 : i32
          %scan3A_68 = arith.constant 0 : i32
          %scan3A_69 = arith.constant 0 : i32
          %scan3A_70 = arith.constant 16 : i32
          %scan3A_71 = arith.addi %scan3A_69, %scan3A_70 : i32
          %scan3A_72 = arith.constant 1 : i32
          scf.for %scan3A_74 = %scan3A_69 to %scan3A_71 step %scan3A_72  : i32 {
            %sub3A_75 = arith.constant 4 : i32
            %sub3A_76 = arith.subi %sub3A_67, %sub3A_75 : i32
            %shift_left3A_77 = arith.constant 1 : i32
            %shift_left3A_78 = arith.shli %shift_left3A_77, %sub3A_76 : i32
            %sub3A_79 = arith.constant 1 : i32
            %sub3A_80 = arith.subi %shift_left3A_78, %sub3A_79 : i32
            %not3A = arith.constant -1 : i32
            %not3A_81 = arith.xori %sub3A_80, %not3A : i32
            %and3A = arith.andi %scan3A_74, %not3A_81 : i32
            %shift_left3A_82 = arith.constant 1 : i32
            %shift_left3A_83 = arith.shli %and3A, %shift_left3A_82 : i32
            %and3A_84 = arith.andi %scan3A_74, %sub3A_80 : i32
            %or3A = arith.ori %shift_left3A_83, %and3A_84 : i32
            %mul3A_85 = arith.constant 16 : i32
            %mul3A_86 = arith.muli %or3A, %mul3A_85 : i32
            %mul3A_87 = arith.constant 16 : i32
            %mul3A_88 = arith.muli %shift_left3A_78, %mul3A_87 : i32
            %add3A_89 = arith.addi %mul3A_86, %mul3A_88 : i32
            %get3A = arith.index_cast %mul3A_86 : i32 to index
            %get3A_90 = tpu.vector_load %arg5[%get3A] {strides = array<i32>} : memref<2048xi32, #tpu.memory_space<vmem>>, vector<16xi32>,
            %get3A_91 = arith.index_cast %add3A_89 : i32 to index
            %get3A_92 = tpu.vector_load %arg5[%get3A_91] {strides = array<i32>} : memref<2048xi32, #tpu.memory_space<vmem>>, vector<16xi32>,
            %get3A_93 = arith.index_cast %mul3A_86 : i32 to index
            %get3A_94 = tpu.vector_load %arg6[%get3A_93] {strides = array<i32>} : memref<2048xi32, #tpu.memory_space<vmem>>, vector<16xi32>,
            %get3A_95 = arith.index_cast %add3A_89 : i32 to index
            %get3A_96 = tpu.vector_load %arg6[%get3A_95] {strides = array<i32>} : memref<2048xi32, #tpu.memory_space<vmem>>, vector<16xi32>,
            %add3A_97 = vector.broadcast %mul3A_86 : i32 to vector<16xi32>
            %add3A_98 = arith.addi %iota3A, %add3A_97 : vector<16xi32>
            %and3A_99 = vector.broadcast %shift_left3A_47 : i32 to vector<16xi32>
            %and3A_100 = arith.andi %add3A_98, %and3A_99 : vector<16xi32>
            %eq3A = arith.constant 0 : i32
            %eq3A_101 = vector.broadcast %eq3A : i32 to vector<16xi32>
            %eq3A_102 = arith.cmpi eq, %and3A_100, %eq3A_101 : vector<16xi32>
            %gt3A = arith.cmpi sgt, %get3A_90, %get3A_92 : vector<16xi32>
            %eq3A_103 = arith.xori %gt3A, %eq3A_102 : vector<16xi1>
            %eq3A_104 = arith.constant dense<true> : vector<16xi1>
            %eq3A_105 = arith.xori %eq3A_103, %eq3A_104 : vector<16xi1>
            %select_n3A = arith.select %eq3A_105, %get3A_90, %get3A_92 : vector<16xi1>, vector<16xi32>
            %swap3A = arith.index_cast %mul3A_86 : i32 to index
            %swap3A_106 = tpu.vector_load %arg5[%swap3A] {strides = array<i32>} : memref<2048xi32, #tpu.memory_space<vmem>>, vector<16xi32>,
            tpu.vector_store %arg5[%swap3A], %select_n3A {strides = array<i32>} : memref<2048xi32, #tpu.memory_space<vmem>>, vector<16xi32>,
            %select_n3A_107 = arith.select %eq3A_105, %get3A_92, %get3A_90 : vector<16xi1>, vector<16xi32>
            %swap3A_108 = arith.index_cast %add3A_89 : i32 to index
            %swap3A_109 = tpu.vector_load %arg5[%swap3A_108] {strides = array<i32>} : memref<2048xi32, #tpu.memory_space<vmem>>, vector<16xi32>,
            tpu.vector_store %arg5[%swap3A_108], %select_n3A_107 {strides = array<i32>} : memref<2048xi32, #tpu.memory_space<vmem>>, vector<16xi32>,
            %select_n3A_110 = arith.select %eq3A_105, %get3A_94, %get3A_96 : vector<16xi1>, vector<16xi32>
            %swap3A_111 = arith.index_cast %mul3A_86 : i32 to index
            %swap3A_112 = tpu.vector_load %arg6[%swap3A_111] {strides = array<i32>} : memref<2048xi32, #tpu.memory_space<vmem>>, vector<16xi32>,
            tpu.vector_store %arg6[%swap3A_111], %select_n3A_110 {strides = array<i32>} : memref<2048xi32, #tpu.memory_space<vmem>>, vector<16xi32>,
            %select_n3A_113 = arith.select %eq3A_105, %get3A_96, %get3A_94 : vector<16xi1>, vector<16xi32>
            %swap3A_114 = arith.index_cast %add3A_89 : i32 to index
            %swap3A_115 = tpu.vector_load %arg6[%swap3A_114] {strides = array<i32>} : memref<2048xi32, #tpu.memory_space<vmem>>, vector<16xi32>,
            tpu.vector_store %arg6[%swap3A_114], %select_n3A_113 {strides = array<i32>} : memref<2048xi32, #tpu.memory_space<vmem>>, vector<16xi32>,
          }
          %scan3A_73 = arith.constant 16 : i32
        }
        %scan3A_58 = arith.constant 0 : i32
        %scan3A_59 = arith.constant 0 : i32
        %scan3A_60 = arith.constant 32 : i32
        %scan3A_61 = arith.addi %scan3A_59, %scan3A_60 : i32
        %scan3A_62 = arith.constant 1 : i32
        scf.for %scan3A_64 = %scan3A_59 to %scan3A_61 step %scan3A_62  : i32 {
          %mul3A_65 = arith.constant 16 : i32
          %mul3A_66 = arith.muli %scan3A_64, %mul3A_65 : i32
          %add3A_67 = vector.broadcast %mul3A_66 : i32 to vector<16xi32>
          %add3A_68 = arith.addi %iota3A, %add3A_67 : vector<16xi32>
          %and3A = vector.broadcast %shift_left3A_47 : i32 to vector<16xi32>
          %and3A_69 = arith.andi %add3A_68, %and3A : vector<16xi32>
          %eq3A = arith.constant 0 : i32
          %eq3A_70 = vector.broadcast %eq3A : i32 to vector<16xi32>
          %eq3A_71 = arith.cmpi eq, %and3A_69, %eq3A_70 : vector<16xi32>
          %get3A = arith.index_cast %mul3A_66 : i32 to index
          %get3A_72 = tpu.vector_load %arg5[%get3A] {strides = array<i32>} : memref<2048xi32, #tpu.memory_space<vmem>>, vector<16xi32>,
          %get3A_73 = arith.index_cast %mul3A_66 : i32 to index
          %get3A_74 = tpu.vector_load %arg6[%get3A_73] {strides = array<i32>} : memref<2048xi32, #tpu.memory_space<vmem>>, vector<16xi32>,
          %not3A = arith.constant dense<-1> : vector<16xi32>
          %not3A_75 = arith.xori %get3A_72, %not3A : vector<16xi32>
          %select_n3A = arith.select %eq3A_71, %get3A_72, %not3A_75 : vector<16xi1>, vector<16xi32>
          %masked_sort3A = arith.constant dense<true> : vector<16xi1>
          %masked_sort3A_76 = arith.constant -2147483648 : i32
          %masked_sort3A_77 = vector.broadcast %masked_sort3A_76 : i32 to vector<16xi32>
          %masked_sort3A_78 = arith.xori %select_n3A, %masked_sort3A_77 : vector<16xi32>
          %masked_sort3A_79, %masked_sort3A_80, %masked_sort3A_81 = tpu.sort %masked_sort3A_78, %get3A_74 masked %masked_sort3A {descending = true} : (vector<16xi32>, vector<16xi32>, vector<16xi1>) -> (vector<16xi1>, vector<16xi32>, vector<16xi32>)
          %masked_sort3A_82 = arith.xori %masked_sort3A_80, %masked_sort3A_77 : vector<16xi32>
          %not3A_83 = arith.constant dense<-1> : vector<16xi32>
          %not3A_84 = arith.xori %masked_sort3A_82, %not3A_83 : vector<16xi32>
          %select_n3A_85 = arith.select %eq3A_71, %masked_sort3A_82, %not3A_84 : vector<16xi1>, vector<16xi32>
          %swap3A = arith.index_cast %mul3A_66 : i32 to index
          %swap3A_86 = tpu.vector_load %arg5[%swap3A] {strides = array<i32>} : memref<2048xi32, #tpu.memory_space<vmem>>, vector<16xi32>,
          tpu.vector_store %arg5[%swap3A], %select_n3A_85 {strides = array<i32>} : memref<2048xi32, #tpu.memory_space<vmem>>, vector<16xi32>,
          %swap3A_87 = arith.index_cast %mul3A_66 : i32 to index
          %swap3A_88 = tpu.vector_load %arg6[%swap3A_87] {strides = array<i32>} : memref<2048xi32, #tpu.memory_space<vmem>>, vector<16xi32>,
          tpu.vector_store %arg6[%swap3A_87], %masked_sort3A_81 {strides = array<i32>} : memref<2048xi32, #tpu.memory_space<vmem>>, vector<16xi32>,
        }
        %scan3A_63 = arith.constant 32 : i32
      }
      %scan3A_39 = arith.constant 5 : i32
      %scan3A_40 = arith.constant 0 : i32
      %scan3A_41 = arith.constant 0 : i32
      %scan3A_42 = arith.constant 32 : i32
      %scan3A_43 = arith.addi %scan3A_41, %scan3A_42 : i32
      %scan3A_44 = arith.constant 1 : i32
      scf.for %scan3A_46 = %scan3A_41 to %scan3A_43 step %scan3A_44  : i32 {
        %mul3A_47 = arith.constant 16 : i32
        %mul3A_48 = arith.muli %scan3A_46, %mul3A_47 : i32
        %get3A = arith.index_cast %mul3A_48 : i32 to index
        %get3A_49 = tpu.vector_load %arg5[%get3A] {strides = array<i32>} : memref<2048xi32, #tpu.memory_space<vmem>>, vector<16xi32>,
        %shift_right_arithmetic3A = arith.constant 31 : i32
        %shift_right_arithmetic3A_50 = vector.broadcast %shift_right_arithmetic3A : i32 to vector<16xi32>
        %shift_right_arithmetic3A_51 = arith.shrsi %get3A_49, %shift_right_arithmetic3A_50 : vector<16xi32>
        %and3A = arith.constant 2147483647 : i32
        %and3A_52 = vector.broadcast %and3A : i32 to vector<16xi32>
        %and3A_53 = arith.andi %and3A_52, %shift_right_arithmetic3A_51 : vector<16xi32>
        %xor3A = arith.xori %get3A_49, %and3A_53 : vector<16xi32>
        %bitcast_convert_type3A = tpu.bitcast %xor3A : vector<16xi32> -> vector<16xf32>
        %lt3A = arith.constant -1315859241 : i32
        %lt3A_54 = vector.broadcast %lt3A : i32 to vector<16xi32>
        %lt3A_55 = arith.cmpi slt, %get3A_49, %lt3A_54 : vector<16xi32>
        %jit3A = arith.constant -1.000000e+09 : f32
        %broadcast_in_dim3A = vector.broadcast %jit3A : f32 to vector<16xf32>
        %select_n3A = arith.select %lt3A_55, %broadcast_in_dim3A, %bitcast_convert_type3A : vector<16xi1>, vector<16xf32>
        %swap3A = arith.index_cast %mul3A_48 : i32 to index
        %swap3A_56 = tpu.vector_load %arg7[%swap3A] {strides = array<i32>} : memref<512xf32, #tpu.memory_space<vmem>>, vector<16xf32>,
        tpu.vector_store %arg7[%swap3A], %select_n3A {strides = array<i32>} : memref<512xf32, #tpu.memory_space<vmem>>, vector<16xf32>,
        %get3A_57 = arith.index_cast %mul3A_48 : i32 to index
        %get3A_58 = tpu.vector_load %arg6[%get3A_57] {strides = array<i32>} : memref<2048xi32, #tpu.memory_space<vmem>>, vector<16xi32>,
        %swap3A_59 = arith.index_cast %mul3A_48 : i32 to index
        %swap3A_60 = tpu.vector_load %arg8[%swap3A_59] {strides = array<i32>} : memref<512xi32, #tpu.memory_space<vmem>>, vector<16xi32>,
        tpu.vector_store %arg8[%swap3A_59], %get3A_58 {strides = array<i32>} : memref<512xi32, #tpu.memory_space<vmem>>, vector<16xi32>,
      }
      %scan3A_45 = arith.constant 32 : i32
      "tpu.region"() ({
        %run_scoped3A = tpu.sem_alloc : memref<!tpu.dma_semaphore, #tpu.memory_space<semaphore_mem>>
        %dma_start3A = arith.constant 0 : i32
        %dma_start3A_46 = tpu.memref_slice %arg3[%add3A_21, %dma_start3A] : memref<2048x512xf32, #tpu.memory_space<hbm>> -> memref<1x512xf32, #tpu.memory_space<hbm>>
        %dma_start3A_47 = tpu.memref_squeeze %dma_start3A_46 : memref<1x512xf32, #tpu.memory_space<hbm>> -> memref<512xf32, #tpu.memory_space<hbm>>
        %dma_start3A_48 = arith.constant 0 : i32
        %dma_start3A_49 = tpu.memref_slice %arg3[%add3A_21, %dma_start3A_48] : memref<2048x512xf32, #tpu.memory_space<hbm>> -> memref<1x512xf32, #tpu.memory_space<hbm>>
        %dma_start3A_50 = tpu.memref_squeeze %dma_start3A_49 : memref<1x512xf32, #tpu.memory_space<hbm>> -> memref<512xf32, #tpu.memory_space<hbm>>
        tpu.enqueue_dma source(%arg7 : memref<512xf32, #tpu.memory_space<vmem>>) target(%dma_start3A_50 : memref<512xf32, #tpu.memory_space<hbm>>) target_semaphore(%run_scoped3A : memref<!tpu.dma_semaphore, #tpu.memory_space<semaphore_mem>>)
        %dma_wait3A = arith.constant 0 : i32
        %dma_wait3A_51 = tpu.memref_slice %arg3[%add3A_21, %dma_wait3A] : memref<2048x512xf32, #tpu.memory_space<hbm>> -> memref<1x512xf32, #tpu.memory_space<hbm>>
        %dma_wait3A_52 = tpu.memref_squeeze %dma_wait3A_51 : memref<1x512xf32, #tpu.memory_space<hbm>> -> memref<512xf32, #tpu.memory_space<hbm>>
        %dma_wait3A_53 = arith.constant 0 : i32
        %dma_wait3A_54 = tpu.memref_slice %arg3[%add3A_21, %dma_wait3A_53] : memref<2048x512xf32, #tpu.memory_space<hbm>> -> memref<1x512xf32, #tpu.memory_space<hbm>>
        %dma_wait3A_55 = tpu.memref_squeeze %dma_wait3A_54 : memref<1x512xf32, #tpu.memory_space<hbm>> -> memref<512xf32, #tpu.memory_space<hbm>>
        tpu.wait_dma2 semaphore(%run_scoped3A : memref<!tpu.dma_semaphore, #tpu.memory_space<semaphore_mem>>) src(%arg7 : memref<512xf32, #tpu.memory_space<vmem>>) dst(%dma_wait3A_55 : memref<512xf32, #tpu.memory_space<hbm>>)
        tpu.yield
      }) : () -> ()
      "tpu.region"() ({
        %run_scoped3A = tpu.sem_alloc : memref<!tpu.dma_semaphore, #tpu.memory_space<semaphore_mem>>
        %dma_start3A = arith.constant 0 : i32
        %dma_start3A_46 = tpu.memref_slice %arg4[%add3A_21, %dma_start3A] : memref<2048x512xi32, #tpu.memory_space<hbm>> -> memref<1x512xi32, #tpu.memory_space<hbm>>
        %dma_start3A_47 = tpu.memref_squeeze %dma_start3A_46 : memref<1x512xi32, #tpu.memory_space<hbm>> -> memref<512xi32, #tpu.memory_space<hbm>>
        %dma_start3A_48 = arith.constant 0 : i32
        %dma_start3A_49 = tpu.memref_slice %arg4[%add3A_21, %dma_start3A_48] : memref<2048x512xi32, #tpu.memory_space<hbm>> -> memref<1x512xi32, #tpu.memory_space<hbm>>
        %dma_start3A_50 = tpu.memref_squeeze %dma_start3A_49 : memref<1x512xi32, #tpu.memory_space<hbm>> -> memref<512xi32, #tpu.memory_space<hbm>>
        tpu.enqueue_dma source(%arg8 : memref<512xi32, #tpu.memory_space<vmem>>) target(%dma_start3A_50 : memref<512xi32, #tpu.memory_space<hbm>>) target_semaphore(%run_scoped3A : memref<!tpu.dma_semaphore, #tpu.memory_space<semaphore_mem>>)
        %dma_wait3A = arith.constant 0 : i32
        %dma_wait3A_51 = tpu.memref_slice %arg4[%add3A_21, %dma_wait3A] : memref<2048x512xi32, #tpu.memory_space<hbm>> -> memref<1x512xi32, #tpu.memory_space<hbm>>
        %dma_wait3A_52 = tpu.memref_squeeze %dma_wait3A_51 : memref<1x512xi32, #tpu.memory_space<hbm>> -> memref<512xi32, #tpu.memory_space<hbm>>
        %dma_wait3A_53 = arith.constant 0 : i32
        %dma_wait3A_54 = tpu.memref_slice %arg4[%add3A_21, %dma_wait3A_53] : memref<2048x512xi32, #tpu.memory_space<hbm>> -> memref<1x512xi32, #tpu.memory_space<hbm>>
        %dma_wait3A_55 = tpu.memref_squeeze %dma_wait3A_54 : memref<1x512xi32, #tpu.memory_space<hbm>> -> memref<512xi32, #tpu.memory_space<hbm>>
        tpu.wait_dma2 semaphore(%run_scoped3A : memref<!tpu.dma_semaphore, #tpu.memory_space<semaphore_mem>>) src(%arg8 : memref<512xi32, #tpu.memory_space<vmem>>) dst(%dma_wait3A_55 : memref<512xi32, #tpu.memory_space<hbm>>)
        tpu.yield
      }) : () -> ()
    }
    %scan3A_5 = arith.constant 16 : i32
    %scan3A_6 = arith.constant 0 : i32
    %scan3A_7 = arith.constant 16 : i32
    %scan3A_8 = arith.constant 16 : i32
    %scan3A_9 = arith.addi %scan3A_7, %scan3A_8 : i32
    %scan3A_10 = arith.constant 1 : i32
    scf.for %scan3A_18 = %scan3A_7 to %scan3A_9 step %scan3A_10  : i32 {
      %mul3A_19 = arith.constant 32 : i32
      %mul3A_20 = arith.muli %mul3A_19, %scan3A_18 : i32
      %add3A_21 = arith.addi %add3A, %mul3A_20 : i32
      "tpu.region"() ({
        %run_scoped3A = tpu.sem_alloc : memref<!tpu.dma_semaphore, #tpu.memory_space<semaphore_mem>>
        %dma_start3A = arith.constant 0 : i32
        %dma_start3A_46 = tpu.memref_slice %arg5[%dma_start3A] : memref<2048xi32, #tpu.memory_space<vmem>> -> memref<1024xi32, #tpu.memory_space<vmem>>
        %dma_start3A_47 = arith.constant 0 : i32
        %dma_start3A_48 = tpu.memref_slice %arg2[%add3A_21, %dma_start3A_47] : memref<2048x2048xi32, #tpu.memory_space<hbm>> -> memref<1x1024xi32, #tpu.memory_space<hbm>>
        %dma_start3A_49 = tpu.memref_squeeze %dma_start3A_48 : memref<1x1024xi32, #tpu.memory_space<hbm>> -> memref<1024xi32, #tpu.memory_space<hbm>>
        %dma_start3A_50 = arith.constant 0 : i32
        %dma_start3A_51 = tpu.memref_slice %arg5[%dma_start3A_50] : memref<2048xi32, #tpu.memory_space<vmem>> -> memref<1024xi32, #tpu.memory_space<vmem>>
        %dma_start3A_52 = arith.constant 0 : i32
        %dma_start3A_53 = tpu.memref_slice %arg2[%add3A_21, %dma_start3A_52] : memref<2048x2048xi32, #tpu.memory_space<hbm>> -> memref<1x1024xi32, #tpu.memory_space<hbm>>
        %dma_start3A_54 = tpu.memref_squeeze %dma_start3A_53 : memref<1x1024xi32, #tpu.memory_space<hbm>> -> memref<1024xi32, #tpu.memory_space<hbm>>
        tpu.enqueue_dma source(%dma_start3A_54 : memref<1024xi32, #tpu.memory_space<hbm>>) target(%dma_start3A_51 : memref<1024xi32, #tpu.memory_space<vmem>>) target_semaphore(%run_scoped3A : memref<!tpu.dma_semaphore, #tpu.memory_space<semaphore_mem>>)
        %dma_wait3A = arith.constant 0 : i32
        %dma_wait3A_55 = tpu.memref_slice %arg5[%dma_wait3A] : memref<2048xi32, #tpu.memory_space<vmem>> -> memref<1024xi32, #tpu.memory_space<vmem>>
        %dma_wait3A_56 = arith.constant 0 : i32
        %dma_wait3A_57 = tpu.memref_slice %arg2[%add3A_21, %dma_wait3A_56] : memref<2048x2048xi32, #tpu.memory_space<hbm>> -> memref<1x1024xi32, #tpu.memory_space<hbm>>
        %dma_wait3A_58 = tpu.memref_squeeze %dma_wait3A_57 : memref<1x1024xi32, #tpu.memory_space<hbm>> -> memref<1024xi32, #tpu.memory_space<hbm>>
        %dma_wait3A_59 = arith.constant 0 : i32
        %dma_wait3A_60 = tpu.memref_slice %arg5[%dma_wait3A_59] : memref<2048xi32, #tpu.memory_space<vmem>> -> memref<1024xi32, #tpu.memory_space<vmem>>
        %dma_wait3A_61 = arith.constant 0 : i32
        %dma_wait3A_62 = tpu.memref_slice %arg2[%add3A_21, %dma_wait3A_61] : memref<2048x2048xi32, #tpu.memory_space<hbm>> -> memref<1x1024xi32, #tpu.memory_space<hbm>>
        %dma_wait3A_63 = tpu.memref_squeeze %dma_wait3A_62 : memref<1x1024xi32, #tpu.memory_space<hbm>> -> memref<1024xi32, #tpu.memory_space<hbm>>
        tpu.wait_dma2 semaphore(%run_scoped3A : memref<!tpu.dma_semaphore, #tpu.memory_space<semaphore_mem>>) src(%dma_wait3A_63 : memref<1024xi32, #tpu.memory_space<hbm>>) dst(%dma_wait3A_60 : memref<1024xi32, #tpu.memory_space<vmem>>)
        tpu.yield
      }) : () -> ()
      %scan3A_22 = arith.constant 0 : i32
      %scan3A_23 = arith.constant 0 : i32
      %scan3A_24 = arith.constant 64 : i32
      %scan3A_25 = arith.addi %scan3A_23, %scan3A_24 : i32
      %scan3A_26 = arith.constant 1 : i32
      scf.for %scan3A_46 = %scan3A_23 to %scan3A_25 step %scan3A_26  : i32 {
        %mul3A_47 = arith.constant 16 : i32
        %mul3A_48 = arith.muli %scan3A_46, %mul3A_47 : i32
        %add3A_49 = vector.broadcast %mul3A_48 : i32 to vector<16xi32>
        %add3A_50 = arith.addi %iota3A, %add3A_49 : vector<16xi32>
        %swap3A = arith.index_cast %mul3A_48 : i32 to index
        %swap3A_51 = tpu.vector_load %arg6[%swap3A] {strides = array<i32>} : memref<2048xi32, #tpu.memory_space<vmem>>, vector<16xi32>,
        tpu.vector_store %arg6[%swap3A], %add3A_50 {strides = array<i32>} : memref<2048xi32, #tpu.memory_space<vmem>>, vector<16xi32>,
        %get3A = arith.index_cast %mul3A_48 : i32 to index
        %get3A_52 = tpu.vector_load %arg5[%get3A] {strides = array<i32>} : memref<2048xi32, #tpu.memory_space<vmem>>, vector<16xi32>,
        %eq3A = arith.constant -1315859241 : i32
        %eq3A_53 = vector.broadcast %eq3A : i32 to vector<16xi32>
        %eq3A_54 = arith.cmpi eq, %get3A_52, %eq3A_53 : vector<16xi32>
        %sub3A = arith.constant 2047 : i32
        %sub3A_55 = vector.broadcast %sub3A : i32 to vector<16xi32>
        %sub3A_56 = arith.subi %sub3A_55, %add3A_50 : vector<16xi32>
        %add3A_57 = arith.constant -1315861289 : i32
        %add3A_58 = vector.broadcast %add3A_57 : i32 to vector<16xi32>
        %add3A_59 = arith.addi %add3A_58, %sub3A_56 : vector<16xi32>
        %select_n3A = arith.select %eq3A_54, %add3A_59, %get3A_52 : vector<16xi1>, vector<16xi32>
        %swap3A_60 = arith.index_cast %mul3A_48 : i32 to index
        %swap3A_61 = tpu.vector_load %arg5[%swap3A_60] {strides = array<i32>} : memref<2048xi32, #tpu.memory_space<vmem>>, vector<16xi32>,
        tpu.vector_store %arg5[%swap3A_60], %select_n3A {strides = array<i32>} : memref<2048xi32, #tpu.memory_space<vmem>>, vector<16xi32>,
      }
      %scan3A_27 = arith.constant 64 : i32
      %scan3A_28 = arith.constant 0 : i32
      %scan3A_29 = arith.constant 0 : i32
      %scan3A_30 = arith.constant 64 : i32
      %scan3A_31 = arith.addi %scan3A_29, %scan3A_30 : i32
      %scan3A_32 = arith.constant 1 : i32
      scf.for %scan3A_46 = %scan3A_29 to %scan3A_31 step %scan3A_32  : i32 {
        %mul3A_47 = arith.constant 16 : i32
        %mul3A_48 = arith.muli %scan3A_46, %mul3A_47 : i32
        %add3A_49 = vector.broadcast %mul3A_48 : i32 to vector<16xi32>
        %add3A_50 = arith.addi %iota3A, %add3A_49 : vector<16xi32>
        %and3A = arith.constant 16 : i32
        %and3A_51 = vector.broadcast %and3A : i32 to vector<16xi32>
        %and3A_52 = arith.andi %add3A_50, %and3A_51 : vector<16xi32>
        %eq3A = arith.constant 0 : i32
        %eq3A_53 = vector.broadcast %eq3A : i32 to vector<16xi32>
        %eq3A_54 = arith.cmpi eq, %and3A_52, %eq3A_53 : vector<16xi32>
        %get3A = arith.index_cast %mul3A_48 : i32 to index
        %get3A_55 = tpu.vector_load %arg5[%get3A] {strides = array<i32>} : memref<2048xi32, #tpu.memory_space<vmem>>, vector<16xi32>,
        %get3A_56 = arith.index_cast %mul3A_48 : i32 to index
        %get3A_57 = tpu.vector_load %arg6[%get3A_56] {strides = array<i32>} : memref<2048xi32, #tpu.memory_space<vmem>>, vector<16xi32>,
        %not3A = arith.constant dense<-1> : vector<16xi32>
        %not3A_58 = arith.xori %get3A_55, %not3A : vector<16xi32>
        %select_n3A = arith.select %eq3A_54, %get3A_55, %not3A_58 : vector<16xi1>, vector<16xi32>
        %masked_sort3A = arith.constant dense<true> : vector<16xi1>
        %masked_sort3A_59 = arith.constant -2147483648 : i32
        %masked_sort3A_60 = vector.broadcast %masked_sort3A_59 : i32 to vector<16xi32>
        %masked_sort3A_61 = arith.xori %select_n3A, %masked_sort3A_60 : vector<16xi32>
        %masked_sort3A_62, %masked_sort3A_63, %masked_sort3A_64 = tpu.sort %masked_sort3A_61, %get3A_57 masked %masked_sort3A {descending = true} : (vector<16xi32>, vector<16xi32>, vector<16xi1>) -> (vector<16xi1>, vector<16xi32>, vector<16xi32>)
        %masked_sort3A_65 = arith.xori %masked_sort3A_63, %masked_sort3A_60 : vector<16xi32>
        %not3A_66 = arith.constant dense<-1> : vector<16xi32>
        %not3A_67 = arith.xori %masked_sort3A_65, %not3A_66 : vector<16xi32>
        %select_n3A_68 = arith.select %eq3A_54, %masked_sort3A_65, %not3A_67 : vector<16xi1>, vector<16xi32>
        %swap3A = arith.index_cast %mul3A_48 : i32 to index
        %swap3A_69 = tpu.vector_load %arg5[%swap3A] {strides = array<i32>} : memref<2048xi32, #tpu.memory_space<vmem>>, vector<16xi32>,
        tpu.vector_store %arg5[%swap3A], %select_n3A_68 {strides = array<i32>} : memref<2048xi32, #tpu.memory_space<vmem>>, vector<16xi32>,
        %swap3A_70 = arith.index_cast %mul3A_48 : i32 to index
        %swap3A_71 = tpu.vector_load %arg6[%swap3A_70] {strides = array<i32>} : memref<2048xi32, #tpu.memory_space<vmem>>, vector<16xi32>,
        tpu.vector_store %arg6[%swap3A_70], %masked_sort3A_64 {strides = array<i32>} : memref<2048xi32, #tpu.memory_space<vmem>>, vector<16xi32>,
      }
      %scan3A_33 = arith.constant 64 : i32
      %scan3A_34 = arith.constant 0 : i32
      %scan3A_35 = arith.constant 5 : i32
      %scan3A_36 = arith.constant 6 : i32
      %scan3A_37 = arith.addi %scan3A_35, %scan3A_36 : i32
      %scan3A_38 = arith.constant 1 : i32
      scf.for %scan3A_46 = %scan3A_35 to %scan3A_37 step %scan3A_38  : i32 {
        %shift_left3A = arith.constant 1 : i32
        %shift_left3A_47 = arith.shli %shift_left3A, %scan3A_46 : i32
        %sub3A = arith.constant 4 : i32
        %sub3A_48 = arith.subi %scan3A_46, %sub3A : i32
        %while3A = arith.constant 0 : i32
        %while3A_49 = arith.constant 0 : i32
        %while3A_50 = arith.subi %sub3A_48, %while3A_49 : i32
        %while3A_51 = arith.addi %while3A_49, %while3A_50 : i32
        %while3A_52 = arith.constant 1 : i32
        %while3A_53 = arith.divsi %while3A_50, %while3A_52 : i32
        %while3A_54 = arith.muli %while3A_53, %while3A_52 : i32
        %while3A_55 = arith.addi %while3A_49, %while3A_54 : i32
        %while3A_56 = arith.constant 1 : i32
        scf.for %while3A_64 = %while3A_49 to %while3A_55 step %while3A_56  : i32 {
          %sub3A_65 = arith.constant 1 : i32
          %sub3A_66 = arith.subi %scan3A_46, %sub3A_65 : i32
          %sub3A_67 = arith.subi %sub3A_66, %while3A_64 : i32
          %scan3A_68 = arith.constant 0 : i32
          %scan3A_69 = arith.constant 0 : i32
          %scan3A_70 = arith.constant 32 : i32
          %scan3A_71 = arith.addi %scan3A_69, %scan3A_70 : i32
          %scan3A_72 = arith.constant 1 : i32
          scf.for %scan3A_74 = %scan3A_69 to %scan3A_71 step %scan3A_72  : i32 {
            %sub3A_75 = arith.constant 4 : i32
            %sub3A_76 = arith.subi %sub3A_67, %sub3A_75 : i32
            %shift_left3A_77 = arith.constant 1 : i32
            %shift_left3A_78 = arith.shli %shift_left3A_77, %sub3A_76 : i32
            %sub3A_79 = arith.constant 1 : i32
            %sub3A_80 = arith.subi %shift_left3A_78, %sub3A_79 : i32
            %not3A = arith.constant -1 : i32
            %not3A_81 = arith.xori %sub3A_80, %not3A : i32
            %and3A = arith.andi %scan3A_74, %not3A_81 : i32
            %shift_left3A_82 = arith.constant 1 : i32
            %shift_left3A_83 = arith.shli %and3A, %shift_left3A_82 : i32
            %and3A_84 = arith.andi %scan3A_74, %sub3A_80 : i32
            %or3A = arith.ori %shift_left3A_83, %and3A_84 : i32
            %mul3A_85 = arith.constant 16 : i32
            %mul3A_86 = arith.muli %or3A, %mul3A_85 : i32
            %mul3A_87 = arith.constant 16 : i32
            %mul3A_88 = arith.muli %shift_left3A_78, %mul3A_87 : i32
            %add3A_89 = arith.addi %mul3A_86, %mul3A_88 : i32
            %get3A = arith.index_cast %mul3A_86 : i32 to index
            %get3A_90 = tpu.vector_load %arg5[%get3A] {strides = array<i32>} : memref<2048xi32, #tpu.memory_space<vmem>>, vector<16xi32>,
            %get3A_91 = arith.index_cast %add3A_89 : i32 to index
            %get3A_92 = tpu.vector_load %arg5[%get3A_91] {strides = array<i32>} : memref<2048xi32, #tpu.memory_space<vmem>>, vector<16xi32>,
            %get3A_93 = arith.index_cast %mul3A_86 : i32 to index
            %get3A_94 = tpu.vector_load %arg6[%get3A_93] {strides = array<i32>} : memref<2048xi32, #tpu.memory_space<vmem>>, vector<16xi32>,
            %get3A_95 = arith.index_cast %add3A_89 : i32 to index
            %get3A_96 = tpu.vector_load %arg6[%get3A_95] {strides = array<i32>} : memref<2048xi32, #tpu.memory_space<vmem>>, vector<16xi32>,
            %add3A_97 = vector.broadcast %mul3A_86 : i32 to vector<16xi32>
            %add3A_98 = arith.addi %iota3A, %add3A_97 : vector<16xi32>
            %and3A_99 = vector.broadcast %shift_left3A_47 : i32 to vector<16xi32>
            %and3A_100 = arith.andi %add3A_98, %and3A_99 : vector<16xi32>
            %eq3A = arith.constant 0 : i32
            %eq3A_101 = vector.broadcast %eq3A : i32 to vector<16xi32>
            %eq3A_102 = arith.cmpi eq, %and3A_100, %eq3A_101 : vector<16xi32>
            %gt3A = arith.cmpi sgt, %get3A_90, %get3A_92 : vector<16xi32>
            %eq3A_103 = arith.xori %gt3A, %eq3A_102 : vector<16xi1>
            %eq3A_104 = arith.constant dense<true> : vector<16xi1>
            %eq3A_105 = arith.xori %eq3A_103, %eq3A_104 : vector<16xi1>
            %select_n3A = arith.select %eq3A_105, %get3A_90, %get3A_92 : vector<16xi1>, vector<16xi32>
            %swap3A = arith.index_cast %mul3A_86 : i32 to index
            %swap3A_106 = tpu.vector_load %arg5[%swap3A] {strides = array<i32>} : memref<2048xi32, #tpu.memory_space<vmem>>, vector<16xi32>,
            tpu.vector_store %arg5[%swap3A], %select_n3A {strides = array<i32>} : memref<2048xi32, #tpu.memory_space<vmem>>, vector<16xi32>,
            %select_n3A_107 = arith.select %eq3A_105, %get3A_92, %get3A_90 : vector<16xi1>, vector<16xi32>
            %swap3A_108 = arith.index_cast %add3A_89 : i32 to index
            %swap3A_109 = tpu.vector_load %arg5[%swap3A_108] {strides = array<i32>} : memref<2048xi32, #tpu.memory_space<vmem>>, vector<16xi32>,
            tpu.vector_store %arg5[%swap3A_108], %select_n3A_107 {strides = array<i32>} : memref<2048xi32, #tpu.memory_space<vmem>>, vector<16xi32>,
            %select_n3A_110 = arith.select %eq3A_105, %get3A_94, %get3A_96 : vector<16xi1>, vector<16xi32>
            %swap3A_111 = arith.index_cast %mul3A_86 : i32 to index
            %swap3A_112 = tpu.vector_load %arg6[%swap3A_111] {strides = array<i32>} : memref<2048xi32, #tpu.memory_space<vmem>>, vector<16xi32>,
            tpu.vector_store %arg6[%swap3A_111], %select_n3A_110 {strides = array<i32>} : memref<2048xi32, #tpu.memory_space<vmem>>, vector<16xi32>,
            %select_n3A_113 = arith.select %eq3A_105, %get3A_96, %get3A_94 : vector<16xi1>, vector<16xi32>
            %swap3A_114 = arith.index_cast %add3A_89 : i32 to index
            %swap3A_115 = tpu.vector_load %arg6[%swap3A_114] {strides = array<i32>} : memref<2048xi32, #tpu.memory_space<vmem>>, vector<16xi32>,
            tpu.vector_store %arg6[%swap3A_114], %select_n3A_113 {strides = array<i32>} : memref<2048xi32, #tpu.memory_space<vmem>>, vector<16xi32>,
          }
          %scan3A_73 = arith.constant 32 : i32
        }
        %while3A_57 = arith.constant 1 : i32
        scf.for %while3A_64 = %while3A_55 to %while3A_51 step %while3A_57  : i32 {
          %sub3A_65 = arith.constant 1 : i32
          %sub3A_66 = arith.subi %scan3A_46, %sub3A_65 : i32
          %sub3A_67 = arith.subi %sub3A_66, %while3A_64 : i32
          %scan3A_68 = arith.constant 0 : i32
          %scan3A_69 = arith.constant 0 : i32
          %scan3A_70 = arith.constant 32 : i32
          %scan3A_71 = arith.addi %scan3A_69, %scan3A_70 : i32
          %scan3A_72 = arith.constant 1 : i32
          scf.for %scan3A_74 = %scan3A_69 to %scan3A_71 step %scan3A_72  : i32 {
            %sub3A_75 = arith.constant 4 : i32
            %sub3A_76 = arith.subi %sub3A_67, %sub3A_75 : i32
            %shift_left3A_77 = arith.constant 1 : i32
            %shift_left3A_78 = arith.shli %shift_left3A_77, %sub3A_76 : i32
            %sub3A_79 = arith.constant 1 : i32
            %sub3A_80 = arith.subi %shift_left3A_78, %sub3A_79 : i32
            %not3A = arith.constant -1 : i32
            %not3A_81 = arith.xori %sub3A_80, %not3A : i32
            %and3A = arith.andi %scan3A_74, %not3A_81 : i32
            %shift_left3A_82 = arith.constant 1 : i32
            %shift_left3A_83 = arith.shli %and3A, %shift_left3A_82 : i32
            %and3A_84 = arith.andi %scan3A_74, %sub3A_80 : i32
            %or3A = arith.ori %shift_left3A_83, %and3A_84 : i32
            %mul3A_85 = arith.constant 16 : i32
            %mul3A_86 = arith.muli %or3A, %mul3A_85 : i32
            %mul3A_87 = arith.constant 16 : i32
            %mul3A_88 = arith.muli %shift_left3A_78, %mul3A_87 : i32
            %add3A_89 = arith.addi %mul3A_86, %mul3A_88 : i32
            %get3A = arith.index_cast %mul3A_86 : i32 to index
            %get3A_90 = tpu.vector_load %arg5[%get3A] {strides = array<i32>} : memref<2048xi32, #tpu.memory_space<vmem>>, vector<16xi32>,
            %get3A_91 = arith.index_cast %add3A_89 : i32 to index
            %get3A_92 = tpu.vector_load %arg5[%get3A_91] {strides = array<i32>} : memref<2048xi32, #tpu.memory_space<vmem>>, vector<16xi32>,
            %get3A_93 = arith.index_cast %mul3A_86 : i32 to index
            %get3A_94 = tpu.vector_load %arg6[%get3A_93] {strides = array<i32>} : memref<2048xi32, #tpu.memory_space<vmem>>, vector<16xi32>,
            %get3A_95 = arith.index_cast %add3A_89 : i32 to index
            %get3A_96 = tpu.vector_load %arg6[%get3A_95] {strides = array<i32>} : memref<2048xi32, #tpu.memory_space<vmem>>, vector<16xi32>,
            %add3A_97 = vector.broadcast %mul3A_86 : i32 to vector<16xi32>
            %add3A_98 = arith.addi %iota3A, %add3A_97 : vector<16xi32>
            %and3A_99 = vector.broadcast %shift_left3A_47 : i32 to vector<16xi32>
            %and3A_100 = arith.andi %add3A_98, %and3A_99 : vector<16xi32>
            %eq3A = arith.constant 0 : i32
            %eq3A_101 = vector.broadcast %eq3A : i32 to vector<16xi32>
            %eq3A_102 = arith.cmpi eq, %and3A_100, %eq3A_101 : vector<16xi32>
            %gt3A = arith.cmpi sgt, %get3A_90, %get3A_92 : vector<16xi32>
            %eq3A_103 = arith.xori %gt3A, %eq3A_102 : vector<16xi1>
            %eq3A_104 = arith.constant dense<true> : vector<16xi1>
            %eq3A_105 = arith.xori %eq3A_103, %eq3A_104 : vector<16xi1>
            %select_n3A = arith.select %eq3A_105, %get3A_90, %get3A_92 : vector<16xi1>, vector<16xi32>
            %swap3A = arith.index_cast %mul3A_86 : i32 to index
            %swap3A_106 = tpu.vector_load %arg5[%swap3A] {strides = array<i32>} : memref<2048xi32, #tpu.memory_space<vmem>>, vector<16xi32>,
            tpu.vector_store %arg5[%swap3A], %select_n3A {strides = array<i32>} : memref<2048xi32, #tpu.memory_space<vmem>>, vector<16xi32>,
            %select_n3A_107 = arith.select %eq3A_105, %get3A_92, %get3A_90 : vector<16xi1>, vector<16xi32>
            %swap3A_108 = arith.index_cast %add3A_89 : i32 to index
            %swap3A_109 = tpu.vector_load %arg5[%swap3A_108] {strides = array<i32>} : memref<2048xi32, #tpu.memory_space<vmem>>, vector<16xi32>,
            tpu.vector_store %arg5[%swap3A_108], %select_n3A_107 {strides = array<i32>} : memref<2048xi32, #tpu.memory_space<vmem>>, vector<16xi32>,
            %select_n3A_110 = arith.select %eq3A_105, %get3A_94, %get3A_96 : vector<16xi1>, vector<16xi32>
            %swap3A_111 = arith.index_cast %mul3A_86 : i32 to index
            %swap3A_112 = tpu.vector_load %arg6[%swap3A_111] {strides = array<i32>} : memref<2048xi32, #tpu.memory_space<vmem>>, vector<16xi32>,
            tpu.vector_store %arg6[%swap3A_111], %select_n3A_110 {strides = array<i32>} : memref<2048xi32, #tpu.memory_space<vmem>>, vector<16xi32>,
            %select_n3A_113 = arith.select %eq3A_105, %get3A_96, %get3A_94 : vector<16xi1>, vector<16xi32>
            %swap3A_114 = arith.index_cast %add3A_89 : i32 to index
            %swap3A_115 = tpu.vector_load %arg6[%swap3A_114] {strides = array<i32>} : memref<2048xi32, #tpu.memory_space<vmem>>, vector<16xi32>,
            tpu.vector_store %arg6[%swap3A_114], %select_n3A_113 {strides = array<i32>} : memref<2048xi32, #tpu.memory_space<vmem>>, vector<16xi32>,
          }
          %scan3A_73 = arith.constant 32 : i32
        }
        %scan3A_58 = arith.constant 0 : i32
        %scan3A_59 = arith.constant 0 : i32
        %scan3A_60 = arith.constant 64 : i32
        %scan3A_61 = arith.addi %scan3A_59, %scan3A_60 : i32
        %scan3A_62 = arith.constant 1 : i32
        scf.for %scan3A_64 = %scan3A_59 to %scan3A_61 step %scan3A_62  : i32 {
          %mul3A_65 = arith.constant 16 : i32
          %mul3A_66 = arith.muli %scan3A_64, %mul3A_65 : i32
          %add3A_67 = vector.broadcast %mul3A_66 : i32 to vector<16xi32>
          %add3A_68 = arith.addi %iota3A, %add3A_67 : vector<16xi32>
          %and3A = vector.broadcast %shift_left3A_47 : i32 to vector<16xi32>
          %and3A_69 = arith.andi %add3A_68, %and3A : vector<16xi32>
          %eq3A = arith.constant 0 : i32
          %eq3A_70 = vector.broadcast %eq3A : i32 to vector<16xi32>
          %eq3A_71 = arith.cmpi eq, %and3A_69, %eq3A_70 : vector<16xi32>
          %get3A = arith.index_cast %mul3A_66 : i32 to index
          %get3A_72 = tpu.vector_load %arg5[%get3A] {strides = array<i32>} : memref<2048xi32, #tpu.memory_space<vmem>>, vector<16xi32>,
          %get3A_73 = arith.index_cast %mul3A_66 : i32 to index
          %get3A_74 = tpu.vector_load %arg6[%get3A_73] {strides = array<i32>} : memref<2048xi32, #tpu.memory_space<vmem>>, vector<16xi32>,
          %not3A = arith.constant dense<-1> : vector<16xi32>
          %not3A_75 = arith.xori %get3A_72, %not3A : vector<16xi32>
          %select_n3A = arith.select %eq3A_71, %get3A_72, %not3A_75 : vector<16xi1>, vector<16xi32>
          %masked_sort3A = arith.constant dense<true> : vector<16xi1>
          %masked_sort3A_76 = arith.constant -2147483648 : i32
          %masked_sort3A_77 = vector.broadcast %masked_sort3A_76 : i32 to vector<16xi32>
          %masked_sort3A_78 = arith.xori %select_n3A, %masked_sort3A_77 : vector<16xi32>
          %masked_sort3A_79, %masked_sort3A_80, %masked_sort3A_81 = tpu.sort %masked_sort3A_78, %get3A_74 masked %masked_sort3A {descending = true} : (vector<16xi32>, vector<16xi32>, vector<16xi1>) -> (vector<16xi1>, vector<16xi32>, vector<16xi32>)
          %masked_sort3A_82 = arith.xori %masked_sort3A_80, %masked_sort3A_77 : vector<16xi32>
          %not3A_83 = arith.constant dense<-1> : vector<16xi32>
          %not3A_84 = arith.xori %masked_sort3A_82, %not3A_83 : vector<16xi32>
          %select_n3A_85 = arith.select %eq3A_71, %masked_sort3A_82, %not3A_84 : vector<16xi1>, vector<16xi32>
          %swap3A = arith.index_cast %mul3A_66 : i32 to index
          %swap3A_86 = tpu.vector_load %arg5[%swap3A] {strides = array<i32>} : memref<2048xi32, #tpu.memory_space<vmem>>, vector<16xi32>,
          tpu.vector_store %arg5[%swap3A], %select_n3A_85 {strides = array<i32>} : memref<2048xi32, #tpu.memory_space<vmem>>, vector<16xi32>,
          %swap3A_87 = arith.index_cast %mul3A_66 : i32 to index
          %swap3A_88 = tpu.vector_load %arg6[%swap3A_87] {strides = array<i32>} : memref<2048xi32, #tpu.memory_space<vmem>>, vector<16xi32>,
          tpu.vector_store %arg6[%swap3A_87], %masked_sort3A_81 {strides = array<i32>} : memref<2048xi32, #tpu.memory_space<vmem>>, vector<16xi32>,
        }
        %scan3A_63 = arith.constant 64 : i32
      }
      %scan3A_39 = arith.constant 6 : i32
      %scan3A_40 = arith.constant 0 : i32
      %scan3A_41 = arith.constant 0 : i32
      %scan3A_42 = arith.constant 32 : i32
      %scan3A_43 = arith.addi %scan3A_41, %scan3A_42 : i32
      %scan3A_44 = arith.constant 1 : i32
      scf.for %scan3A_46 = %scan3A_41 to %scan3A_43 step %scan3A_44  : i32 {
        %mul3A_47 = arith.constant 16 : i32
        %mul3A_48 = arith.muli %scan3A_46, %mul3A_47 : i32
        %get3A = arith.index_cast %mul3A_48 : i32 to index
        %get3A_49 = tpu.vector_load %arg5[%get3A] {strides = array<i32>} : memref<2048xi32, #tpu.memory_space<vmem>>, vector<16xi32>,
        %shift_right_arithmetic3A = arith.constant 31 : i32
        %shift_right_arithmetic3A_50 = vector.broadcast %shift_right_arithmetic3A : i32 to vector<16xi32>
        %shift_right_arithmetic3A_51 = arith.shrsi %get3A_49, %shift_right_arithmetic3A_50 : vector<16xi32>
        %and3A = arith.constant 2147483647 : i32
        %and3A_52 = vector.broadcast %and3A : i32 to vector<16xi32>
        %and3A_53 = arith.andi %and3A_52, %shift_right_arithmetic3A_51 : vector<16xi32>
        %xor3A = arith.xori %get3A_49, %and3A_53 : vector<16xi32>
        %bitcast_convert_type3A = tpu.bitcast %xor3A : vector<16xi32> -> vector<16xf32>
        %lt3A = arith.constant -1315859241 : i32
        %lt3A_54 = vector.broadcast %lt3A : i32 to vector<16xi32>
        %lt3A_55 = arith.cmpi slt, %get3A_49, %lt3A_54 : vector<16xi32>
        %jit3A = arith.constant -1.000000e+09 : f32
        %broadcast_in_dim3A = vector.broadcast %jit3A : f32 to vector<16xf32>
        %select_n3A = arith.select %lt3A_55, %broadcast_in_dim3A, %bitcast_convert_type3A : vector<16xi1>, vector<16xf32>
        %swap3A = arith.index_cast %mul3A_48 : i32 to index
        %swap3A_56 = tpu.vector_load %arg7[%swap3A] {strides = array<i32>} : memref<512xf32, #tpu.memory_space<vmem>>, vector<16xf32>,
        tpu.vector_store %arg7[%swap3A], %select_n3A {strides = array<i32>} : memref<512xf32, #tpu.memory_space<vmem>>, vector<16xf32>,
        %get3A_57 = arith.index_cast %mul3A_48 : i32 to index
        %get3A_58 = tpu.vector_load %arg6[%get3A_57] {strides = array<i32>} : memref<2048xi32, #tpu.memory_space<vmem>>, vector<16xi32>,
        %swap3A_59 = arith.index_cast %mul3A_48 : i32 to index
        %swap3A_60 = tpu.vector_load %arg8[%swap3A_59] {strides = array<i32>} : memref<512xi32, #tpu.memory_space<vmem>>, vector<16xi32>,
        tpu.vector_store %arg8[%swap3A_59], %get3A_58 {strides = array<i32>} : memref<512xi32, #tpu.memory_space<vmem>>, vector<16xi32>,
      }
      %scan3A_45 = arith.constant 32 : i32
      "tpu.region"() ({
        %run_scoped3A = tpu.sem_alloc : memref<!tpu.dma_semaphore, #tpu.memory_space<semaphore_mem>>
        %dma_start3A = arith.constant 0 : i32
        %dma_start3A_46 = tpu.memref_slice %arg3[%add3A_21, %dma_start3A] : memref<2048x512xf32, #tpu.memory_space<hbm>> -> memref<1x512xf32, #tpu.memory_space<hbm>>
        %dma_start3A_47 = tpu.memref_squeeze %dma_start3A_46 : memref<1x512xf32, #tpu.memory_space<hbm>> -> memref<512xf32, #tpu.memory_space<hbm>>
        %dma_start3A_48 = arith.constant 0 : i32
        %dma_start3A_49 = tpu.memref_slice %arg3[%add3A_21, %dma_start3A_48] : memref<2048x512xf32, #tpu.memory_space<hbm>> -> memref<1x512xf32, #tpu.memory_space<hbm>>
        %dma_start3A_50 = tpu.memref_squeeze %dma_start3A_49 : memref<1x512xf32, #tpu.memory_space<hbm>> -> memref<512xf32, #tpu.memory_space<hbm>>
        tpu.enqueue_dma source(%arg7 : memref<512xf32, #tpu.memory_space<vmem>>) target(%dma_start3A_50 : memref<512xf32, #tpu.memory_space<hbm>>) target_semaphore(%run_scoped3A : memref<!tpu.dma_semaphore, #tpu.memory_space<semaphore_mem>>)
        %dma_wait3A = arith.constant 0 : i32
        %dma_wait3A_51 = tpu.memref_slice %arg3[%add3A_21, %dma_wait3A] : memref<2048x512xf32, #tpu.memory_space<hbm>> -> memref<1x512xf32, #tpu.memory_space<hbm>>
        %dma_wait3A_52 = tpu.memref_squeeze %dma_wait3A_51 : memref<1x512xf32, #tpu.memory_space<hbm>> -> memref<512xf32, #tpu.memory_space<hbm>>
        %dma_wait3A_53 = arith.constant 0 : i32
        %dma_wait3A_54 = tpu.memref_slice %arg3[%add3A_21, %dma_wait3A_53] : memref<2048x512xf32, #tpu.memory_space<hbm>> -> memref<1x512xf32, #tpu.memory_space<hbm>>
        %dma_wait3A_55 = tpu.memref_squeeze %dma_wait3A_54 : memref<1x512xf32, #tpu.memory_space<hbm>> -> memref<512xf32, #tpu.memory_space<hbm>>
        tpu.wait_dma2 semaphore(%run_scoped3A : memref<!tpu.dma_semaphore, #tpu.memory_space<semaphore_mem>>) src(%arg7 : memref<512xf32, #tpu.memory_space<vmem>>) dst(%dma_wait3A_55 : memref<512xf32, #tpu.memory_space<hbm>>)
        tpu.yield
      }) : () -> ()
      "tpu.region"() ({
        %run_scoped3A = tpu.sem_alloc : memref<!tpu.dma_semaphore, #tpu.memory_space<semaphore_mem>>
        %dma_start3A = arith.constant 0 : i32
        %dma_start3A_46 = tpu.memref_slice %arg4[%add3A_21, %dma_start3A] : memref<2048x512xi32, #tpu.memory_space<hbm>> -> memref<1x512xi32, #tpu.memory_space<hbm>>
        %dma_start3A_47 = tpu.memref_squeeze %dma_start3A_46 : memref<1x512xi32, #tpu.memory_space<hbm>> -> memref<512xi32, #tpu.memory_space<hbm>>
        %dma_start3A_48 = arith.constant 0 : i32
        %dma_start3A_49 = tpu.memref_slice %arg4[%add3A_21, %dma_start3A_48] : memref<2048x512xi32, #tpu.memory_space<hbm>> -> memref<1x512xi32, #tpu.memory_space<hbm>>
        %dma_start3A_50 = tpu.memref_squeeze %dma_start3A_49 : memref<1x512xi32, #tpu.memory_space<hbm>> -> memref<512xi32, #tpu.memory_space<hbm>>
        tpu.enqueue_dma source(%arg8 : memref<512xi32, #tpu.memory_space<vmem>>) target(%dma_start3A_50 : memref<512xi32, #tpu.memory_space<hbm>>) target_semaphore(%run_scoped3A : memref<!tpu.dma_semaphore, #tpu.memory_space<semaphore_mem>>)
        %dma_wait3A = arith.constant 0 : i32
        %dma_wait3A_51 = tpu.memref_slice %arg4[%add3A_21, %dma_wait3A] : memref<2048x512xi32, #tpu.memory_space<hbm>> -> memref<1x512xi32, #tpu.memory_space<hbm>>
        %dma_wait3A_52 = tpu.memref_squeeze %dma_wait3A_51 : memref<1x512xi32, #tpu.memory_space<hbm>> -> memref<512xi32, #tpu.memory_space<hbm>>
        %dma_wait3A_53 = arith.constant 0 : i32
        %dma_wait3A_54 = tpu.memref_slice %arg4[%add3A_21, %dma_wait3A_53] : memref<2048x512xi32, #tpu.memory_space<hbm>> -> memref<1x512xi32, #tpu.memory_space<hbm>>
        %dma_wait3A_55 = tpu.memref_squeeze %dma_wait3A_54 : memref<1x512xi32, #tpu.memory_space<hbm>> -> memref<512xi32, #tpu.memory_space<hbm>>
        tpu.wait_dma2 semaphore(%run_scoped3A : memref<!tpu.dma_semaphore, #tpu.memory_space<semaphore_mem>>) src(%arg8 : memref<512xi32, #tpu.memory_space<vmem>>) dst(%dma_wait3A_55 : memref<512xi32, #tpu.memory_space<hbm>>)
        tpu.yield
      }) : () -> ()
    }
    %scan3A_11 = arith.constant 16 : i32
    %scan3A_12 = arith.constant 0 : i32
    %scan3A_13 = arith.constant 32 : i32
    %scan3A_14 = arith.constant 32 : i32
    %scan3A_15 = arith.addi %scan3A_13, %scan3A_14 : i32
    %scan3A_16 = arith.constant 1 : i32
    scf.for %scan3A_18 = %scan3A_13 to %scan3A_15 step %scan3A_16  : i32 {
      %mul3A_19 = arith.constant 32 : i32
      %mul3A_20 = arith.muli %mul3A_19, %scan3A_18 : i32
      %add3A_21 = arith.addi %add3A, %mul3A_20 : i32
      "tpu.region"() ({
        %run_scoped3A = tpu.sem_alloc : memref<!tpu.dma_semaphore, #tpu.memory_space<semaphore_mem>>
        %dma_start3A = arith.constant 0 : i32
        %dma_start3A_46 = tpu.memref_slice %arg5[%dma_start3A] : memref<2048xi32, #tpu.memory_space<vmem>> -> memref<2048xi32, #tpu.memory_space<vmem>>
        %dma_start3A_47 = arith.constant 0 : i32
        %dma_start3A_48 = tpu.memref_slice %arg2[%add3A_21, %dma_start3A_47] : memref<2048x2048xi32, #tpu.memory_space<hbm>> -> memref<1x2048xi32, #tpu.memory_space<hbm>>
        %dma_start3A_49 = tpu.memref_squeeze %dma_start3A_48 : memref<1x2048xi32, #tpu.memory_space<hbm>> -> memref<2048xi32, #tpu.memory_space<hbm>>
        %dma_start3A_50 = arith.constant 0 : i32
        %dma_start3A_51 = tpu.memref_slice %arg5[%dma_start3A_50] : memref<2048xi32, #tpu.memory_space<vmem>> -> memref<2048xi32, #tpu.memory_space<vmem>>
        %dma_start3A_52 = arith.constant 0 : i32
        %dma_start3A_53 = tpu.memref_slice %arg2[%add3A_21, %dma_start3A_52] : memref<2048x2048xi32, #tpu.memory_space<hbm>> -> memref<1x2048xi32, #tpu.memory_space<hbm>>
        %dma_start3A_54 = tpu.memref_squeeze %dma_start3A_53 : memref<1x2048xi32, #tpu.memory_space<hbm>> -> memref<2048xi32, #tpu.memory_space<hbm>>
        tpu.enqueue_dma source(%dma_start3A_54 : memref<2048xi32, #tpu.memory_space<hbm>>) target(%dma_start3A_51 : memref<2048xi32, #tpu.memory_space<vmem>>) target_semaphore(%run_scoped3A : memref<!tpu.dma_semaphore, #tpu.memory_space<semaphore_mem>>)
        %dma_wait3A = arith.constant 0 : i32
        %dma_wait3A_55 = tpu.memref_slice %arg5[%dma_wait3A] : memref<2048xi32, #tpu.memory_space<vmem>> -> memref<2048xi32, #tpu.memory_space<vmem>>
        %dma_wait3A_56 = arith.constant 0 : i32
        %dma_wait3A_57 = tpu.memref_slice %arg2[%add3A_21, %dma_wait3A_56] : memref<2048x2048xi32, #tpu.memory_space<hbm>> -> memref<1x2048xi32, #tpu.memory_space<hbm>>
        %dma_wait3A_58 = tpu.memref_squeeze %dma_wait3A_57 : memref<1x2048xi32, #tpu.memory_space<hbm>> -> memref<2048xi32, #tpu.memory_space<hbm>>
        %dma_wait3A_59 = arith.constant 0 : i32
        %dma_wait3A_60 = tpu.memref_slice %arg5[%dma_wait3A_59] : memref<2048xi32, #tpu.memory_space<vmem>> -> memref<2048xi32, #tpu.memory_space<vmem>>
        %dma_wait3A_61 = arith.constant 0 : i32
        %dma_wait3A_62 = tpu.memref_slice %arg2[%add3A_21, %dma_wait3A_61] : memref<2048x2048xi32, #tpu.memory_space<hbm>> -> memref<1x2048xi32, #tpu.memory_space<hbm>>
        %dma_wait3A_63 = tpu.memref_squeeze %dma_wait3A_62 : memref<1x2048xi32, #tpu.memory_space<hbm>> -> memref<2048xi32, #tpu.memory_space<hbm>>
        tpu.wait_dma2 semaphore(%run_scoped3A : memref<!tpu.dma_semaphore, #tpu.memory_space<semaphore_mem>>) src(%dma_wait3A_63 : memref<2048xi32, #tpu.memory_space<hbm>>) dst(%dma_wait3A_60 : memref<2048xi32, #tpu.memory_space<vmem>>)
        tpu.yield
      }) : () -> ()
      %scan3A_22 = arith.constant 0 : i32
      %scan3A_23 = arith.constant 0 : i32
      %scan3A_24 = arith.constant 128 : i32
      %scan3A_25 = arith.addi %scan3A_23, %scan3A_24 : i32
      %scan3A_26 = arith.constant 1 : i32
      scf.for %scan3A_46 = %scan3A_23 to %scan3A_25 step %scan3A_26  : i32 {
        %mul3A_47 = arith.constant 16 : i32
        %mul3A_48 = arith.muli %scan3A_46, %mul3A_47 : i32
        %add3A_49 = vector.broadcast %mul3A_48 : i32 to vector<16xi32>
        %add3A_50 = arith.addi %iota3A, %add3A_49 : vector<16xi32>
        %swap3A = arith.index_cast %mul3A_48 : i32 to index
        %swap3A_51 = tpu.vector_load %arg6[%swap3A] {strides = array<i32>} : memref<2048xi32, #tpu.memory_space<vmem>>, vector<16xi32>,
        tpu.vector_store %arg6[%swap3A], %add3A_50 {strides = array<i32>} : memref<2048xi32, #tpu.memory_space<vmem>>, vector<16xi32>,
        %get3A = arith.index_cast %mul3A_48 : i32 to index
        %get3A_52 = tpu.vector_load %arg5[%get3A] {strides = array<i32>} : memref<2048xi32, #tpu.memory_space<vmem>>, vector<16xi32>,
        %eq3A = arith.constant -1315859241 : i32
        %eq3A_53 = vector.broadcast %eq3A : i32 to vector<16xi32>
        %eq3A_54 = arith.cmpi eq, %get3A_52, %eq3A_53 : vector<16xi32>
        %sub3A = arith.constant 2047 : i32
        %sub3A_55 = vector.broadcast %sub3A : i32 to vector<16xi32>
        %sub3A_56 = arith.subi %sub3A_55, %add3A_50 : vector<16xi32>
        %add3A_57 = arith.constant -1315861289 : i32
        %add3A_58 = vector.broadcast %add3A_57 : i32 to vector<16xi32>
        %add3A_59 = arith.addi %add3A_58, %sub3A_56 : vector<16xi32>
        %select_n3A = arith.select %eq3A_54, %add3A_59, %get3A_52 : vector<16xi1>, vector<16xi32>
        %swap3A_60 = arith.index_cast %mul3A_48 : i32 to index
        %swap3A_61 = tpu.vector_load %arg5[%swap3A_60] {strides = array<i32>} : memref<2048xi32, #tpu.memory_space<vmem>>, vector<16xi32>,
        tpu.vector_store %arg5[%swap3A_60], %select_n3A {strides = array<i32>} : memref<2048xi32, #tpu.memory_space<vmem>>, vector<16xi32>,
      }
      %scan3A_27 = arith.constant 128 : i32
      %scan3A_28 = arith.constant 0 : i32
      %scan3A_29 = arith.constant 0 : i32
      %scan3A_30 = arith.constant 128 : i32
      %scan3A_31 = arith.addi %scan3A_29, %scan3A_30 : i32
      %scan3A_32 = arith.constant 1 : i32
      scf.for %scan3A_46 = %scan3A_29 to %scan3A_31 step %scan3A_32  : i32 {
        %mul3A_47 = arith.constant 16 : i32
        %mul3A_48 = arith.muli %scan3A_46, %mul3A_47 : i32
        %add3A_49 = vector.broadcast %mul3A_48 : i32 to vector<16xi32>
        %add3A_50 = arith.addi %iota3A, %add3A_49 : vector<16xi32>
        %and3A = arith.constant 16 : i32
        %and3A_51 = vector.broadcast %and3A : i32 to vector<16xi32>
        %and3A_52 = arith.andi %add3A_50, %and3A_51 : vector<16xi32>
        %eq3A = arith.constant 0 : i32
        %eq3A_53 = vector.broadcast %eq3A : i32 to vector<16xi32>
        %eq3A_54 = arith.cmpi eq, %and3A_52, %eq3A_53 : vector<16xi32>
        %get3A = arith.index_cast %mul3A_48 : i32 to index
        %get3A_55 = tpu.vector_load %arg5[%get3A] {strides = array<i32>} : memref<2048xi32, #tpu.memory_space<vmem>>, vector<16xi32>,
        %get3A_56 = arith.index_cast %mul3A_48 : i32 to index
        %get3A_57 = tpu.vector_load %arg6[%get3A_56] {strides = array<i32>} : memref<2048xi32, #tpu.memory_space<vmem>>, vector<16xi32>,
        %not3A = arith.constant dense<-1> : vector<16xi32>
        %not3A_58 = arith.xori %get3A_55, %not3A : vector<16xi32>
        %select_n3A = arith.select %eq3A_54, %get3A_55, %not3A_58 : vector<16xi1>, vector<16xi32>
        %masked_sort3A = arith.constant dense<true> : vector<16xi1>
        %masked_sort3A_59 = arith.constant -2147483648 : i32
        %masked_sort3A_60 = vector.broadcast %masked_sort3A_59 : i32 to vector<16xi32>
        %masked_sort3A_61 = arith.xori %select_n3A, %masked_sort3A_60 : vector<16xi32>
        %masked_sort3A_62, %masked_sort3A_63, %masked_sort3A_64 = tpu.sort %masked_sort3A_61, %get3A_57 masked %masked_sort3A {descending = true} : (vector<16xi32>, vector<16xi32>, vector<16xi1>) -> (vector<16xi1>, vector<16xi32>, vector<16xi32>)
        %masked_sort3A_65 = arith.xori %masked_sort3A_63, %masked_sort3A_60 : vector<16xi32>
        %not3A_66 = arith.constant dense<-1> : vector<16xi32>
        %not3A_67 = arith.xori %masked_sort3A_65, %not3A_66 : vector<16xi32>
        %select_n3A_68 = arith.select %eq3A_54, %masked_sort3A_65, %not3A_67 : vector<16xi1>, vector<16xi32>
        %swap3A = arith.index_cast %mul3A_48 : i32 to index
        %swap3A_69 = tpu.vector_load %arg5[%swap3A] {strides = array<i32>} : memref<2048xi32, #tpu.memory_space<vmem>>, vector<16xi32>,
        tpu.vector_store %arg5[%swap3A], %select_n3A_68 {strides = array<i32>} : memref<2048xi32, #tpu.memory_space<vmem>>, vector<16xi32>,
        %swap3A_70 = arith.index_cast %mul3A_48 : i32 to index
        %swap3A_71 = tpu.vector_load %arg6[%swap3A_70] {strides = array<i32>} : memref<2048xi32, #tpu.memory_space<vmem>>, vector<16xi32>,
        tpu.vector_store %arg6[%swap3A_70], %masked_sort3A_64 {strides = array<i32>} : memref<2048xi32, #tpu.memory_space<vmem>>, vector<16xi32>,
      }
      %scan3A_33 = arith.constant 128 : i32
      %scan3A_34 = arith.constant 0 : i32
      %scan3A_35 = arith.constant 5 : i32
      %scan3A_36 = arith.constant 7 : i32
      %scan3A_37 = arith.addi %scan3A_35, %scan3A_36 : i32
      %scan3A_38 = arith.constant 1 : i32
      scf.for %scan3A_46 = %scan3A_35 to %scan3A_37 step %scan3A_38  : i32 {
        %shift_left3A = arith.constant 1 : i32
        %shift_left3A_47 = arith.shli %shift_left3A, %scan3A_46 : i32
        %sub3A = arith.constant 4 : i32
        %sub3A_48 = arith.subi %scan3A_46, %sub3A : i32
        %while3A = arith.constant 0 : i32
        %while3A_49 = arith.constant 0 : i32
        %while3A_50 = arith.subi %sub3A_48, %while3A_49 : i32
        %while3A_51 = arith.addi %while3A_49, %while3A_50 : i32
        %while3A_52 = arith.constant 1 : i32
        %while3A_53 = arith.divsi %while3A_50, %while3A_52 : i32
        %while3A_54 = arith.muli %while3A_53, %while3A_52 : i32
        %while3A_55 = arith.addi %while3A_49, %while3A_54 : i32
        %while3A_56 = arith.constant 1 : i32
        scf.for %while3A_64 = %while3A_49 to %while3A_55 step %while3A_56  : i32 {
          %sub3A_65 = arith.constant 1 : i32
          %sub3A_66 = arith.subi %scan3A_46, %sub3A_65 : i32
          %sub3A_67 = arith.subi %sub3A_66, %while3A_64 : i32
          %scan3A_68 = arith.constant 0 : i32
          %scan3A_69 = arith.constant 0 : i32
          %scan3A_70 = arith.constant 64 : i32
          %scan3A_71 = arith.addi %scan3A_69, %scan3A_70 : i32
          %scan3A_72 = arith.constant 1 : i32
          scf.for %scan3A_74 = %scan3A_69 to %scan3A_71 step %scan3A_72  : i32 {
            %sub3A_75 = arith.constant 4 : i32
            %sub3A_76 = arith.subi %sub3A_67, %sub3A_75 : i32
            %shift_left3A_77 = arith.constant 1 : i32
            %shift_left3A_78 = arith.shli %shift_left3A_77, %sub3A_76 : i32
            %sub3A_79 = arith.constant 1 : i32
            %sub3A_80 = arith.subi %shift_left3A_78, %sub3A_79 : i32
            %not3A = arith.constant -1 : i32
            %not3A_81 = arith.xori %sub3A_80, %not3A : i32
            %and3A = arith.andi %scan3A_74, %not3A_81 : i32
            %shift_left3A_82 = arith.constant 1 : i32
            %shift_left3A_83 = arith.shli %and3A, %shift_left3A_82 : i32
            %and3A_84 = arith.andi %scan3A_74, %sub3A_80 : i32
            %or3A = arith.ori %shift_left3A_83, %and3A_84 : i32
            %mul3A_85 = arith.constant 16 : i32
            %mul3A_86 = arith.muli %or3A, %mul3A_85 : i32
            %mul3A_87 = arith.constant 16 : i32
            %mul3A_88 = arith.muli %shift_left3A_78, %mul3A_87 : i32
            %add3A_89 = arith.addi %mul3A_86, %mul3A_88 : i32
            %get3A = arith.index_cast %mul3A_86 : i32 to index
            %get3A_90 = tpu.vector_load %arg5[%get3A] {strides = array<i32>} : memref<2048xi32, #tpu.memory_space<vmem>>, vector<16xi32>,
            %get3A_91 = arith.index_cast %add3A_89 : i32 to index
            %get3A_92 = tpu.vector_load %arg5[%get3A_91] {strides = array<i32>} : memref<2048xi32, #tpu.memory_space<vmem>>, vector<16xi32>,
            %get3A_93 = arith.index_cast %mul3A_86 : i32 to index
            %get3A_94 = tpu.vector_load %arg6[%get3A_93] {strides = array<i32>} : memref<2048xi32, #tpu.memory_space<vmem>>, vector<16xi32>,
            %get3A_95 = arith.index_cast %add3A_89 : i32 to index
            %get3A_96 = tpu.vector_load %arg6[%get3A_95] {strides = array<i32>} : memref<2048xi32, #tpu.memory_space<vmem>>, vector<16xi32>,
            %add3A_97 = vector.broadcast %mul3A_86 : i32 to vector<16xi32>
            %add3A_98 = arith.addi %iota3A, %add3A_97 : vector<16xi32>
            %and3A_99 = vector.broadcast %shift_left3A_47 : i32 to vector<16xi32>
            %and3A_100 = arith.andi %add3A_98, %and3A_99 : vector<16xi32>
            %eq3A = arith.constant 0 : i32
            %eq3A_101 = vector.broadcast %eq3A : i32 to vector<16xi32>
            %eq3A_102 = arith.cmpi eq, %and3A_100, %eq3A_101 : vector<16xi32>
            %gt3A = arith.cmpi sgt, %get3A_90, %get3A_92 : vector<16xi32>
            %eq3A_103 = arith.xori %gt3A, %eq3A_102 : vector<16xi1>
            %eq3A_104 = arith.constant dense<true> : vector<16xi1>
            %eq3A_105 = arith.xori %eq3A_103, %eq3A_104 : vector<16xi1>
            %select_n3A = arith.select %eq3A_105, %get3A_90, %get3A_92 : vector<16xi1>, vector<16xi32>
            %swap3A = arith.index_cast %mul3A_86 : i32 to index
            %swap3A_106 = tpu.vector_load %arg5[%swap3A] {strides = array<i32>} : memref<2048xi32, #tpu.memory_space<vmem>>, vector<16xi32>,
            tpu.vector_store %arg5[%swap3A], %select_n3A {strides = array<i32>} : memref<2048xi32, #tpu.memory_space<vmem>>, vector<16xi32>,
            %select_n3A_107 = arith.select %eq3A_105, %get3A_92, %get3A_90 : vector<16xi1>, vector<16xi32>
            %swap3A_108 = arith.index_cast %add3A_89 : i32 to index
            %swap3A_109 = tpu.vector_load %arg5[%swap3A_108] {strides = array<i32>} : memref<2048xi32, #tpu.memory_space<vmem>>, vector<16xi32>,
            tpu.vector_store %arg5[%swap3A_108], %select_n3A_107 {strides = array<i32>} : memref<2048xi32, #tpu.memory_space<vmem>>, vector<16xi32>,
            %select_n3A_110 = arith.select %eq3A_105, %get3A_94, %get3A_96 : vector<16xi1>, vector<16xi32>
            %swap3A_111 = arith.index_cast %mul3A_86 : i32 to index
            %swap3A_112 = tpu.vector_load %arg6[%swap3A_111] {strides = array<i32>} : memref<2048xi32, #tpu.memory_space<vmem>>, vector<16xi32>,
            tpu.vector_store %arg6[%swap3A_111], %select_n3A_110 {strides = array<i32>} : memref<2048xi32, #tpu.memory_space<vmem>>, vector<16xi32>,
            %select_n3A_113 = arith.select %eq3A_105, %get3A_96, %get3A_94 : vector<16xi1>, vector<16xi32>
            %swap3A_114 = arith.index_cast %add3A_89 : i32 to index
            %swap3A_115 = tpu.vector_load %arg6[%swap3A_114] {strides = array<i32>} : memref<2048xi32, #tpu.memory_space<vmem>>, vector<16xi32>,
            tpu.vector_store %arg6[%swap3A_114], %select_n3A_113 {strides = array<i32>} : memref<2048xi32, #tpu.memory_space<vmem>>, vector<16xi32>,
          }
          %scan3A_73 = arith.constant 64 : i32
        }
        %while3A_57 = arith.constant 1 : i32
        scf.for %while3A_64 = %while3A_55 to %while3A_51 step %while3A_57  : i32 {
          %sub3A_65 = arith.constant 1 : i32
          %sub3A_66 = arith.subi %scan3A_46, %sub3A_65 : i32
          %sub3A_67 = arith.subi %sub3A_66, %while3A_64 : i32
          %scan3A_68 = arith.constant 0 : i32
          %scan3A_69 = arith.constant 0 : i32
          %scan3A_70 = arith.constant 64 : i32
          %scan3A_71 = arith.addi %scan3A_69, %scan3A_70 : i32
          %scan3A_72 = arith.constant 1 : i32
          scf.for %scan3A_74 = %scan3A_69 to %scan3A_71 step %scan3A_72  : i32 {
            %sub3A_75 = arith.constant 4 : i32
            %sub3A_76 = arith.subi %sub3A_67, %sub3A_75 : i32
            %shift_left3A_77 = arith.constant 1 : i32
            %shift_left3A_78 = arith.shli %shift_left3A_77, %sub3A_76 : i32
            %sub3A_79 = arith.constant 1 : i32
            %sub3A_80 = arith.subi %shift_left3A_78, %sub3A_79 : i32
            %not3A = arith.constant -1 : i32
            %not3A_81 = arith.xori %sub3A_80, %not3A : i32
            %and3A = arith.andi %scan3A_74, %not3A_81 : i32
            %shift_left3A_82 = arith.constant 1 : i32
            %shift_left3A_83 = arith.shli %and3A, %shift_left3A_82 : i32
            %and3A_84 = arith.andi %scan3A_74, %sub3A_80 : i32
            %or3A = arith.ori %shift_left3A_83, %and3A_84 : i32
            %mul3A_85 = arith.constant 16 : i32
            %mul3A_86 = arith.muli %or3A, %mul3A_85 : i32
            %mul3A_87 = arith.constant 16 : i32
            %mul3A_88 = arith.muli %shift_left3A_78, %mul3A_87 : i32
            %add3A_89 = arith.addi %mul3A_86, %mul3A_88 : i32
            %get3A = arith.index_cast %mul3A_86 : i32 to index
            %get3A_90 = tpu.vector_load %arg5[%get3A] {strides = array<i32>} : memref<2048xi32, #tpu.memory_space<vmem>>, vector<16xi32>,
            %get3A_91 = arith.index_cast %add3A_89 : i32 to index
            %get3A_92 = tpu.vector_load %arg5[%get3A_91] {strides = array<i32>} : memref<2048xi32, #tpu.memory_space<vmem>>, vector<16xi32>,
            %get3A_93 = arith.index_cast %mul3A_86 : i32 to index
            %get3A_94 = tpu.vector_load %arg6[%get3A_93] {strides = array<i32>} : memref<2048xi32, #tpu.memory_space<vmem>>, vector<16xi32>,
            %get3A_95 = arith.index_cast %add3A_89 : i32 to index
            %get3A_96 = tpu.vector_load %arg6[%get3A_95] {strides = array<i32>} : memref<2048xi32, #tpu.memory_space<vmem>>, vector<16xi32>,
            %add3A_97 = vector.broadcast %mul3A_86 : i32 to vector<16xi32>
            %add3A_98 = arith.addi %iota3A, %add3A_97 : vector<16xi32>
            %and3A_99 = vector.broadcast %shift_left3A_47 : i32 to vector<16xi32>
            %and3A_100 = arith.andi %add3A_98, %and3A_99 : vector<16xi32>
            %eq3A = arith.constant 0 : i32
            %eq3A_101 = vector.broadcast %eq3A : i32 to vector<16xi32>
            %eq3A_102 = arith.cmpi eq, %and3A_100, %eq3A_101 : vector<16xi32>
            %gt3A = arith.cmpi sgt, %get3A_90, %get3A_92 : vector<16xi32>
            %eq3A_103 = arith.xori %gt3A, %eq3A_102 : vector<16xi1>
            %eq3A_104 = arith.constant dense<true> : vector<16xi1>
            %eq3A_105 = arith.xori %eq3A_103, %eq3A_104 : vector<16xi1>
            %select_n3A = arith.select %eq3A_105, %get3A_90, %get3A_92 : vector<16xi1>, vector<16xi32>
            %swap3A = arith.index_cast %mul3A_86 : i32 to index
            %swap3A_106 = tpu.vector_load %arg5[%swap3A] {strides = array<i32>} : memref<2048xi32, #tpu.memory_space<vmem>>, vector<16xi32>,
            tpu.vector_store %arg5[%swap3A], %select_n3A {strides = array<i32>} : memref<2048xi32, #tpu.memory_space<vmem>>, vector<16xi32>,
            %select_n3A_107 = arith.select %eq3A_105, %get3A_92, %get3A_90 : vector<16xi1>, vector<16xi32>
            %swap3A_108 = arith.index_cast %add3A_89 : i32 to index
            %swap3A_109 = tpu.vector_load %arg5[%swap3A_108] {strides = array<i32>} : memref<2048xi32, #tpu.memory_space<vmem>>, vector<16xi32>,
            tpu.vector_store %arg5[%swap3A_108], %select_n3A_107 {strides = array<i32>} : memref<2048xi32, #tpu.memory_space<vmem>>, vector<16xi32>,
            %select_n3A_110 = arith.select %eq3A_105, %get3A_94, %get3A_96 : vector<16xi1>, vector<16xi32>
            %swap3A_111 = arith.index_cast %mul3A_86 : i32 to index
            %swap3A_112 = tpu.vector_load %arg6[%swap3A_111] {strides = array<i32>} : memref<2048xi32, #tpu.memory_space<vmem>>, vector<16xi32>,
            tpu.vector_store %arg6[%swap3A_111], %select_n3A_110 {strides = array<i32>} : memref<2048xi32, #tpu.memory_space<vmem>>, vector<16xi32>,
            %select_n3A_113 = arith.select %eq3A_105, %get3A_96, %get3A_94 : vector<16xi1>, vector<16xi32>
            %swap3A_114 = arith.index_cast %add3A_89 : i32 to index
            %swap3A_115 = tpu.vector_load %arg6[%swap3A_114] {strides = array<i32>} : memref<2048xi32, #tpu.memory_space<vmem>>, vector<16xi32>,
            tpu.vector_store %arg6[%swap3A_114], %select_n3A_113 {strides = array<i32>} : memref<2048xi32, #tpu.memory_space<vmem>>, vector<16xi32>,
          }
          %scan3A_73 = arith.constant 64 : i32
        }
        %scan3A_58 = arith.constant 0 : i32
        %scan3A_59 = arith.constant 0 : i32
        %scan3A_60 = arith.constant 128 : i32
        %scan3A_61 = arith.addi %scan3A_59, %scan3A_60 : i32
        %scan3A_62 = arith.constant 1 : i32
        scf.for %scan3A_64 = %scan3A_59 to %scan3A_61 step %scan3A_62  : i32 {
          %mul3A_65 = arith.constant 16 : i32
          %mul3A_66 = arith.muli %scan3A_64, %mul3A_65 : i32
          %add3A_67 = vector.broadcast %mul3A_66 : i32 to vector<16xi32>
          %add3A_68 = arith.addi %iota3A, %add3A_67 : vector<16xi32>
          %and3A = vector.broadcast %shift_left3A_47 : i32 to vector<16xi32>
          %and3A_69 = arith.andi %add3A_68, %and3A : vector<16xi32>
          %eq3A = arith.constant 0 : i32
          %eq3A_70 = vector.broadcast %eq3A : i32 to vector<16xi32>
          %eq3A_71 = arith.cmpi eq, %and3A_69, %eq3A_70 : vector<16xi32>
          %get3A = arith.index_cast %mul3A_66 : i32 to index
          %get3A_72 = tpu.vector_load %arg5[%get3A] {strides = array<i32>} : memref<2048xi32, #tpu.memory_space<vmem>>, vector<16xi32>,
          %get3A_73 = arith.index_cast %mul3A_66 : i32 to index
          %get3A_74 = tpu.vector_load %arg6[%get3A_73] {strides = array<i32>} : memref<2048xi32, #tpu.memory_space<vmem>>, vector<16xi32>,
          %not3A = arith.constant dense<-1> : vector<16xi32>
          %not3A_75 = arith.xori %get3A_72, %not3A : vector<16xi32>
          %select_n3A = arith.select %eq3A_71, %get3A_72, %not3A_75 : vector<16xi1>, vector<16xi32>
          %masked_sort3A = arith.constant dense<true> : vector<16xi1>
          %masked_sort3A_76 = arith.constant -2147483648 : i32
          %masked_sort3A_77 = vector.broadcast %masked_sort3A_76 : i32 to vector<16xi32>
          %masked_sort3A_78 = arith.xori %select_n3A, %masked_sort3A_77 : vector<16xi32>
          %masked_sort3A_79, %masked_sort3A_80, %masked_sort3A_81 = tpu.sort %masked_sort3A_78, %get3A_74 masked %masked_sort3A {descending = true} : (vector<16xi32>, vector<16xi32>, vector<16xi1>) -> (vector<16xi1>, vector<16xi32>, vector<16xi32>)
          %masked_sort3A_82 = arith.xori %masked_sort3A_80, %masked_sort3A_77 : vector<16xi32>
          %not3A_83 = arith.constant dense<-1> : vector<16xi32>
          %not3A_84 = arith.xori %masked_sort3A_82, %not3A_83 : vector<16xi32>
          %select_n3A_85 = arith.select %eq3A_71, %masked_sort3A_82, %not3A_84 : vector<16xi1>, vector<16xi32>
          %swap3A = arith.index_cast %mul3A_66 : i32 to index
          %swap3A_86 = tpu.vector_load %arg5[%swap3A] {strides = array<i32>} : memref<2048xi32, #tpu.memory_space<vmem>>, vector<16xi32>,
          tpu.vector_store %arg5[%swap3A], %select_n3A_85 {strides = array<i32>} : memref<2048xi32, #tpu.memory_space<vmem>>, vector<16xi32>,
          %swap3A_87 = arith.index_cast %mul3A_66 : i32 to index
          %swap3A_88 = tpu.vector_load %arg6[%swap3A_87] {strides = array<i32>} : memref<2048xi32, #tpu.memory_space<vmem>>, vector<16xi32>,
          tpu.vector_store %arg6[%swap3A_87], %masked_sort3A_81 {strides = array<i32>} : memref<2048xi32, #tpu.memory_space<vmem>>, vector<16xi32>,
        }
        %scan3A_63 = arith.constant 128 : i32
      }
      %scan3A_39 = arith.constant 7 : i32
      %scan3A_40 = arith.constant 0 : i32
      %scan3A_41 = arith.constant 0 : i32
      %scan3A_42 = arith.constant 32 : i32
      %scan3A_43 = arith.addi %scan3A_41, %scan3A_42 : i32
      %scan3A_44 = arith.constant 1 : i32
      scf.for %scan3A_46 = %scan3A_41 to %scan3A_43 step %scan3A_44  : i32 {
        %mul3A_47 = arith.constant 16 : i32
        %mul3A_48 = arith.muli %scan3A_46, %mul3A_47 : i32
        %get3A = arith.index_cast %mul3A_48 : i32 to index
        %get3A_49 = tpu.vector_load %arg5[%get3A] {strides = array<i32>} : memref<2048xi32, #tpu.memory_space<vmem>>, vector<16xi32>,
        %shift_right_arithmetic3A = arith.constant 31 : i32
        %shift_right_arithmetic3A_50 = vector.broadcast %shift_right_arithmetic3A : i32 to vector<16xi32>
        %shift_right_arithmetic3A_51 = arith.shrsi %get3A_49, %shift_right_arithmetic3A_50 : vector<16xi32>
        %and3A = arith.constant 2147483647 : i32
        %and3A_52 = vector.broadcast %and3A : i32 to vector<16xi32>
        %and3A_53 = arith.andi %and3A_52, %shift_right_arithmetic3A_51 : vector<16xi32>
        %xor3A = arith.xori %get3A_49, %and3A_53 : vector<16xi32>
        %bitcast_convert_type3A = tpu.bitcast %xor3A : vector<16xi32> -> vector<16xf32>
        %lt3A = arith.constant -1315859241 : i32
        %lt3A_54 = vector.broadcast %lt3A : i32 to vector<16xi32>
        %lt3A_55 = arith.cmpi slt, %get3A_49, %lt3A_54 : vector<16xi32>
        %jit3A = arith.constant -1.000000e+09 : f32
        %broadcast_in_dim3A = vector.broadcast %jit3A : f32 to vector<16xf32>
        %select_n3A = arith.select %lt3A_55, %broadcast_in_dim3A, %bitcast_convert_type3A : vector<16xi1>, vector<16xf32>
        %swap3A = arith.index_cast %mul3A_48 : i32 to index
        %swap3A_56 = tpu.vector_load %arg7[%swap3A] {strides = array<i32>} : memref<512xf32, #tpu.memory_space<vmem>>, vector<16xf32>,
        tpu.vector_store %arg7[%swap3A], %select_n3A {strides = array<i32>} : memref<512xf32, #tpu.memory_space<vmem>>, vector<16xf32>,
        %get3A_57 = arith.index_cast %mul3A_48 : i32 to index
        %get3A_58 = tpu.vector_load %arg6[%get3A_57] {strides = array<i32>} : memref<2048xi32, #tpu.memory_space<vmem>>, vector<16xi32>,
        %swap3A_59 = arith.index_cast %mul3A_48 : i32 to index
        %swap3A_60 = tpu.vector_load %arg8[%swap3A_59] {strides = array<i32>} : memref<512xi32, #tpu.memory_space<vmem>>, vector<16xi32>,
        tpu.vector_store %arg8[%swap3A_59], %get3A_58 {strides = array<i32>} : memref<512xi32, #tpu.memory_space<vmem>>, vector<16xi32>,
      }
      %scan3A_45 = arith.constant 32 : i32
      "tpu.region"() ({
        %run_scoped3A = tpu.sem_alloc : memref<!tpu.dma_semaphore, #tpu.memory_space<semaphore_mem>>
        %dma_start3A = arith.constant 0 : i32
        %dma_start3A_46 = tpu.memref_slice %arg3[%add3A_21, %dma_start3A] : memref<2048x512xf32, #tpu.memory_space<hbm>> -> memref<1x512xf32, #tpu.memory_space<hbm>>
        %dma_start3A_47 = tpu.memref_squeeze %dma_start3A_46 : memref<1x512xf32, #tpu.memory_space<hbm>> -> memref<512xf32, #tpu.memory_space<hbm>>
        %dma_start3A_48 = arith.constant 0 : i32
        %dma_start3A_49 = tpu.memref_slice %arg3[%add3A_21, %dma_start3A_48] : memref<2048x512xf32, #tpu.memory_space<hbm>> -> memref<1x512xf32, #tpu.memory_space<hbm>>
        %dma_start3A_50 = tpu.memref_squeeze %dma_start3A_49 : memref<1x512xf32, #tpu.memory_space<hbm>> -> memref<512xf32, #tpu.memory_space<hbm>>
        tpu.enqueue_dma source(%arg7 : memref<512xf32, #tpu.memory_space<vmem>>) target(%dma_start3A_50 : memref<512xf32, #tpu.memory_space<hbm>>) target_semaphore(%run_scoped3A : memref<!tpu.dma_semaphore, #tpu.memory_space<semaphore_mem>>)
        %dma_wait3A = arith.constant 0 : i32
        %dma_wait3A_51 = tpu.memref_slice %arg3[%add3A_21, %dma_wait3A] : memref<2048x512xf32, #tpu.memory_space<hbm>> -> memref<1x512xf32, #tpu.memory_space<hbm>>
        %dma_wait3A_52 = tpu.memref_squeeze %dma_wait3A_51 : memref<1x512xf32, #tpu.memory_space<hbm>> -> memref<512xf32, #tpu.memory_space<hbm>>
        %dma_wait3A_53 = arith.constant 0 : i32
        %dma_wait3A_54 = tpu.memref_slice %arg3[%add3A_21, %dma_wait3A_53] : memref<2048x512xf32, #tpu.memory_space<hbm>> -> memref<1x512xf32, #tpu.memory_space<hbm>>
        %dma_wait3A_55 = tpu.memref_squeeze %dma_wait3A_54 : memref<1x512xf32, #tpu.memory_space<hbm>> -> memref<512xf32, #tpu.memory_space<hbm>>
        tpu.wait_dma2 semaphore(%run_scoped3A : memref<!tpu.dma_semaphore, #tpu.memory_space<semaphore_mem>>) src(%arg7 : memref<512xf32, #tpu.memory_space<vmem>>) dst(%dma_wait3A_55 : memref<512xf32, #tpu.memory_space<hbm>>)
        tpu.yield
      }) : () -> ()
      "tpu.region"() ({
        %run_scoped3A = tpu.sem_alloc : memref<!tpu.dma_semaphore, #tpu.memory_space<semaphore_mem>>
        %dma_start3A = arith.constant 0 : i32
        %dma_start3A_46 = tpu.memref_slice %arg4[%add3A_21, %dma_start3A] : memref<2048x512xi32, #tpu.memory_space<hbm>> -> memref<1x512xi32, #tpu.memory_space<hbm>>
        %dma_start3A_47 = tpu.memref_squeeze %dma_start3A_46 : memref<1x512xi32, #tpu.memory_space<hbm>> -> memref<512xi32, #tpu.memory_space<hbm>>
        %dma_start3A_48 = arith.constant 0 : i32
        %dma_start3A_49 = tpu.memref_slice %arg4[%add3A_21, %dma_start3A_48] : memref<2048x512xi32, #tpu.memory_space<hbm>> -> memref<1x512xi32, #tpu.memory_space<hbm>>
        %dma_start3A_50 = tpu.memref_squeeze %dma_start3A_49 : memref<1x512xi32, #tpu.memory_space<hbm>> -> memref<512xi32, #tpu.memory_space<hbm>>
        tpu.enqueue_dma source(%arg8 : memref<512xi32, #tpu.memory_space<vmem>>) target(%dma_start3A_50 : memref<512xi32, #tpu.memory_space<hbm>>) target_semaphore(%run_scoped3A : memref<!tpu.dma_semaphore, #tpu.memory_space<semaphore_mem>>)
        %dma_wait3A = arith.constant 0 : i32
        %dma_wait3A_51 = tpu.memref_slice %arg4[%add3A_21, %dma_wait3A] : memref<2048x512xi32, #tpu.memory_space<hbm>> -> memref<1x512xi32, #tpu.memory_space<hbm>>
        %dma_wait3A_52 = tpu.memref_squeeze %dma_wait3A_51 : memref<1x512xi32, #tpu.memory_space<hbm>> -> memref<512xi32, #tpu.memory_space<hbm>>
        %dma_wait3A_53 = arith.constant 0 : i32
        %dma_wait3A_54 = tpu.memref_slice %arg4[%add3A_21, %dma_wait3A_53] : memref<2048x512xi32, #tpu.memory_space<hbm>> -> memref<1x512xi32, #tpu.memory_space<hbm>>
        %dma_wait3A_55 = tpu.memref_squeeze %dma_wait3A_54 : memref<1x512xi32, #tpu.memory_space<hbm>> -> memref<512xi32, #tpu.memory_space<hbm>>
        tpu.wait_dma2 semaphore(%run_scoped3A : memref<!tpu.dma_semaphore, #tpu.memory_space<semaphore_mem>>) src(%arg8 : memref<512xi32, #tpu.memory_space<vmem>>) dst(%dma_wait3A_55 : memref<512xi32, #tpu.memory_space<hbm>>)
        tpu.yield
      }) : () -> ()
    }
    %scan3A_17 = arith.constant 32 : i32
    return
  }
}

module attributes {stable_mosaic.version = 14 : i64} {
  func.func @_scores_kernel(%arg0: i32, %arg1: memref<128x4096xf32, #tpu.memory_space<vmem>>, %arg2: memref<2048x128xf32, #tpu.memory_space<vmem>>, %arg3: memref<128x32xf32, #tpu.memory_space<vmem>>, %arg4: memref<128x2048xi32, #tpu.memory_space<vmem>>) attributes {dimension_semantics = [#tpu.dimension_semantics<arbitrary>], iteration_bounds = array<i64: 16>, scalar_prefetch = 0 : i64, scratch_operands = 0 : i64, tpu.core_type = #tpu.core_type<tc>, window_params = [{transform_indices = @transform_0, window_bounds = array<i64: 128, 4096>}, {pipeline_mode = #tpu.pipeline_mode<synchronous>, transform_indices = @transform_1, window_bounds = array<i64: 2048, 128>}, {transform_indices = @transform_2, window_bounds = array<i64: 128, 32>}, {transform_indices = @transform_3, window_bounds = array<i64: 128, 2048>}]} {
    %get3A = arith.constant 0 : index
    %get3A_0 = arith.constant 0 : index
    %get3A_1 = vector.load %arg1[%get3A, %get3A_0] : memref<128x4096xf32, #tpu.memory_space<vmem>>, vector<128x4096xf32>
    %get3A_2 = arith.constant 0 : index
    %get3A_3 = arith.constant 0 : index
    %get3A_4 = vector.load %arg2[%get3A_2, %get3A_3] : memref<2048x128xf32, #tpu.memory_space<vmem>>, vector<2048x128xf32>
    %bitcast_convert_type3A = tpu.bitcast %get3A_4 : vector<2048x128xf32> -> vector<2048x128xi32>
    %add3A = arith.constant 32767 : i32
    %add3A_5 = vector.broadcast %add3A : i32 to vector<2048x128xi32>
    %add3A_6 = arith.addi %bitcast_convert_type3A, %add3A_5 : vector<2048x128xi32>
    %shift_right_arithmetic3A = arith.constant 16 : i32
    %shift_right_arithmetic3A_7 = vector.broadcast %shift_right_arithmetic3A : i32 to vector<2048x128xi32>
    %shift_right_arithmetic3A_8 = arith.shrsi %bitcast_convert_type3A, %shift_right_arithmetic3A_7 : vector<2048x128xi32>
    %and3A = arith.constant 1 : i32
    %and3A_9 = vector.broadcast %and3A : i32 to vector<2048x128xi32>
    %and3A_10 = arith.andi %shift_right_arithmetic3A_8, %and3A_9 : vector<2048x128xi32>
    %add3A_11 = arith.addi %add3A_6, %and3A_10 : vector<2048x128xi32>
    %and3A_12 = arith.constant -65536 : i32
    %and3A_13 = vector.broadcast %and3A_12 : i32 to vector<2048x128xi32>
    %and3A_14 = arith.andi %add3A_11, %and3A_13 : vector<2048x128xi32>
    %bitcast_convert_type3A_15 = tpu.bitcast %and3A_14 : vector<2048x128xi32> -> vector<2048x128xf32>
    %convert_element_type3A = arith.truncf %bitcast_convert_type3A_15 : vector<2048x128xf32> to vector<2048x128xbf16>
    %get3A_16 = arith.constant 0 : index
    %get3A_17 = arith.constant 0 : index
    %get3A_18 = vector.load %arg3[%get3A_16, %get3A_17] : memref<128x32xf32, #tpu.memory_space<vmem>>, vector<128x32xf32>
    %bitcast_convert_type3A_19 = tpu.bitcast %get3A_18 : vector<128x32xf32> -> vector<128x32xi32>
    %add3A_20 = arith.constant 32767 : i32
    %add3A_21 = vector.broadcast %add3A_20 : i32 to vector<128x32xi32>
    %add3A_22 = arith.addi %bitcast_convert_type3A_19, %add3A_21 : vector<128x32xi32>
    %shift_right_arithmetic3A_23 = arith.constant 16 : i32
    %shift_right_arithmetic3A_24 = vector.broadcast %shift_right_arithmetic3A_23 : i32 to vector<128x32xi32>
    %shift_right_arithmetic3A_25 = arith.shrsi %bitcast_convert_type3A_19, %shift_right_arithmetic3A_24 : vector<128x32xi32>
    %and3A_26 = arith.constant 1 : i32
    %and3A_27 = vector.broadcast %and3A_26 : i32 to vector<128x32xi32>
    %and3A_28 = arith.andi %shift_right_arithmetic3A_25, %and3A_27 : vector<128x32xi32>
    %add3A_29 = arith.addi %add3A_22, %and3A_28 : vector<128x32xi32>
    %and3A_30 = arith.constant -65536 : i32
    %and3A_31 = vector.broadcast %and3A_30 : i32 to vector<128x32xi32>
    %and3A_32 = arith.andi %add3A_29, %and3A_31 : vector<128x32xi32>
    %bitcast_convert_type3A_33 = tpu.bitcast %and3A_32 : vector<128x32xi32> -> vector<128x32xf32>
    %broadcast_in_dim3A = arith.constant 0.000000e+00 : f32
    %broadcast_in_dim3A_34 = vector.broadcast %broadcast_in_dim3A : f32 to vector<128x2048xf32>
    %slice3A = vector.extract_strided_slice %get3A_1 {offsets = [0, 0], sizes = [128, 128], strides = [1, 1]} : vector<128x4096xf32> to vector<128x128xf32>
    %bitcast_convert_type3A_35 = tpu.bitcast %slice3A : vector<128x128xf32> -> vector<128x128xi32>
    %add3A_36 = arith.constant 32767 : i32
    %add3A_37 = vector.broadcast %add3A_36 : i32 to vector<128x128xi32>
    %add3A_38 = arith.addi %bitcast_convert_type3A_35, %add3A_37 : vector<128x128xi32>
    %shift_right_arithmetic3A_39 = arith.constant 16 : i32
    %shift_right_arithmetic3A_40 = vector.broadcast %shift_right_arithmetic3A_39 : i32 to vector<128x128xi32>
    %shift_right_arithmetic3A_41 = arith.shrsi %bitcast_convert_type3A_35, %shift_right_arithmetic3A_40 : vector<128x128xi32>
    %and3A_42 = arith.constant 1 : i32
    %and3A_43 = vector.broadcast %and3A_42 : i32 to vector<128x128xi32>
    %and3A_44 = arith.andi %shift_right_arithmetic3A_41, %and3A_43 : vector<128x128xi32>
    %add3A_45 = arith.addi %add3A_38, %and3A_44 : vector<128x128xi32>
    %and3A_46 = arith.constant -65536 : i32
    %and3A_47 = vector.broadcast %and3A_46 : i32 to vector<128x128xi32>
    %and3A_48 = arith.andi %add3A_45, %and3A_47 : vector<128x128xi32>
    %bitcast_convert_type3A_49 = tpu.bitcast %and3A_48 : vector<128x128xi32> -> vector<128x128xf32>
    %convert_element_type3A_50 = arith.truncf %bitcast_convert_type3A_49 : vector<128x128xf32> to vector<128x128xbf16>
    %dot_general3A = arith.constant dense<0.000000e+00> : vector<128x2048xf32>
    %dot_general3A_51 = tpu.matmul %convert_element_type3A_50, %convert_element_type3A, %dot_general3A {dimension_numbers = #tpu.dot_dimension_numbers<[1], [1], [0], [0], [0, 0, 1, 0], [], []>, transpose_lhs_hint = false} : vector<128x128xbf16>, vector<2048x128xbf16>, vector<128x2048xf32> -> vector<128x2048xf32>
    %mul3A = arith.constant 0.0883883461 : f32
    %mul3A_52 = vector.broadcast %mul3A : f32 to vector<128x2048xf32>
    %mul3A_53 = arith.mulf %dot_general3A_51, %mul3A_52 : vector<128x2048xf32>
    %max3A = arith.constant 0.000000e+00 : f32
    %max3A_54 = vector.broadcast %max3A : f32 to vector<128x2048xf32>
    %max3A_55 = arith.maximumf %mul3A_53, %max3A_54 : vector<128x2048xf32>
    %bitcast_convert_type3A_56 = tpu.bitcast %max3A_55 : vector<128x2048xf32> -> vector<128x2048xi32>
    %add3A_57 = arith.constant 32767 : i32
    %add3A_58 = vector.broadcast %add3A_57 : i32 to vector<128x2048xi32>
    %add3A_59 = arith.addi %bitcast_convert_type3A_56, %add3A_58 : vector<128x2048xi32>
    %shift_right_arithmetic3A_60 = arith.constant 16 : i32
    %shift_right_arithmetic3A_61 = vector.broadcast %shift_right_arithmetic3A_60 : i32 to vector<128x2048xi32>
    %shift_right_arithmetic3A_62 = arith.shrsi %bitcast_convert_type3A_56, %shift_right_arithmetic3A_61 : vector<128x2048xi32>
    %and3A_63 = arith.constant 1 : i32
    %and3A_64 = vector.broadcast %and3A_63 : i32 to vector<128x2048xi32>
    %and3A_65 = arith.andi %shift_right_arithmetic3A_62, %and3A_64 : vector<128x2048xi32>
    %add3A_66 = arith.addi %add3A_59, %and3A_65 : vector<128x2048xi32>
    %and3A_67 = arith.constant -65536 : i32
    %and3A_68 = vector.broadcast %and3A_67 : i32 to vector<128x2048xi32>
    %and3A_69 = arith.andi %add3A_66, %and3A_68 : vector<128x2048xi32>
    %bitcast_convert_type3A_70 = tpu.bitcast %and3A_69 : vector<128x2048xi32> -> vector<128x2048xf32>
    %slice3A_71 = vector.extract_strided_slice %bitcast_convert_type3A_33 {offsets = [0, 0], sizes = [128, 1], strides = [1, 1]} : vector<128x32xf32> to vector<128x1xf32>
    %mul3A_72 = vector.broadcast %slice3A_71 : vector<128x1xf32> to vector<128x2048xf32>
    %mul3A_73 = arith.mulf %bitcast_convert_type3A_70, %mul3A_72 : vector<128x2048xf32>
    %add3A_74 = arith.addf %broadcast_in_dim3A_34, %mul3A_73 : vector<128x2048xf32>
    %slice3A_75 = vector.extract_strided_slice %get3A_1 {offsets = [0, 128], sizes = [128, 128], strides = [1, 1]} : vector<128x4096xf32> to vector<128x128xf32>
    %bitcast_convert_type3A_76 = tpu.bitcast %slice3A_75 : vector<128x128xf32> -> vector<128x128xi32>
    %add3A_77 = arith.constant 32767 : i32
    %add3A_78 = vector.broadcast %add3A_77 : i32 to vector<128x128xi32>
    %add3A_79 = arith.addi %bitcast_convert_type3A_76, %add3A_78 : vector<128x128xi32>
    %shift_right_arithmetic3A_80 = arith.constant 16 : i32
    %shift_right_arithmetic3A_81 = vector.broadcast %shift_right_arithmetic3A_80 : i32 to vector<128x128xi32>
    %shift_right_arithmetic3A_82 = arith.shrsi %bitcast_convert_type3A_76, %shift_right_arithmetic3A_81 : vector<128x128xi32>
    %and3A_83 = arith.constant 1 : i32
    %and3A_84 = vector.broadcast %and3A_83 : i32 to vector<128x128xi32>
    %and3A_85 = arith.andi %shift_right_arithmetic3A_82, %and3A_84 : vector<128x128xi32>
    %add3A_86 = arith.addi %add3A_79, %and3A_85 : vector<128x128xi32>
    %and3A_87 = arith.constant -65536 : i32
    %and3A_88 = vector.broadcast %and3A_87 : i32 to vector<128x128xi32>
    %and3A_89 = arith.andi %add3A_86, %and3A_88 : vector<128x128xi32>
    %bitcast_convert_type3A_90 = tpu.bitcast %and3A_89 : vector<128x128xi32> -> vector<128x128xf32>
    %convert_element_type3A_91 = arith.truncf %bitcast_convert_type3A_90 : vector<128x128xf32> to vector<128x128xbf16>
    %dot_general3A_92 = arith.constant dense<0.000000e+00> : vector<128x2048xf32>
    %dot_general3A_93 = tpu.matmul %convert_element_type3A_91, %convert_element_type3A, %dot_general3A_92 {dimension_numbers = #tpu.dot_dimension_numbers<[1], [1], [0], [0], [0, 0, 1, 0], [], []>, transpose_lhs_hint = false} : vector<128x128xbf16>, vector<2048x128xbf16>, vector<128x2048xf32> -> vector<128x2048xf32>
    %mul3A_94 = arith.constant 0.0883883461 : f32
    %mul3A_95 = vector.broadcast %mul3A_94 : f32 to vector<128x2048xf32>
    %mul3A_96 = arith.mulf %dot_general3A_93, %mul3A_95 : vector<128x2048xf32>
    %max3A_97 = arith.constant 0.000000e+00 : f32
    %max3A_98 = vector.broadcast %max3A_97 : f32 to vector<128x2048xf32>
    %max3A_99 = arith.maximumf %mul3A_96, %max3A_98 : vector<128x2048xf32>
    %bitcast_convert_type3A_100 = tpu.bitcast %max3A_99 : vector<128x2048xf32> -> vector<128x2048xi32>
    %add3A_101 = arith.constant 32767 : i32
    %add3A_102 = vector.broadcast %add3A_101 : i32 to vector<128x2048xi32>
    %add3A_103 = arith.addi %bitcast_convert_type3A_100, %add3A_102 : vector<128x2048xi32>
    %shift_right_arithmetic3A_104 = arith.constant 16 : i32
    %shift_right_arithmetic3A_105 = vector.broadcast %shift_right_arithmetic3A_104 : i32 to vector<128x2048xi32>
    %shift_right_arithmetic3A_106 = arith.shrsi %bitcast_convert_type3A_100, %shift_right_arithmetic3A_105 : vector<128x2048xi32>
    %and3A_107 = arith.constant 1 : i32
    %and3A_108 = vector.broadcast %and3A_107 : i32 to vector<128x2048xi32>
    %and3A_109 = arith.andi %shift_right_arithmetic3A_106, %and3A_108 : vector<128x2048xi32>
    %add3A_110 = arith.addi %add3A_103, %and3A_109 : vector<128x2048xi32>
    %and3A_111 = arith.constant -65536 : i32
    %and3A_112 = vector.broadcast %and3A_111 : i32 to vector<128x2048xi32>
    %and3A_113 = arith.andi %add3A_110, %and3A_112 : vector<128x2048xi32>
    %bitcast_convert_type3A_114 = tpu.bitcast %and3A_113 : vector<128x2048xi32> -> vector<128x2048xf32>
    %slice3A_115 = vector.extract_strided_slice %bitcast_convert_type3A_33 {offsets = [0, 1], sizes = [128, 1], strides = [1, 1]} : vector<128x32xf32> to vector<128x1xf32>
    %mul3A_116 = vector.broadcast %slice3A_115 : vector<128x1xf32> to vector<128x2048xf32>
    %mul3A_117 = arith.mulf %bitcast_convert_type3A_114, %mul3A_116 : vector<128x2048xf32>
    %add3A_118 = arith.addf %add3A_74, %mul3A_117 : vector<128x2048xf32>
    %slice3A_119 = vector.extract_strided_slice %get3A_1 {offsets = [0, 256], sizes = [128, 128], strides = [1, 1]} : vector<128x4096xf32> to vector<128x128xf32>
    %bitcast_convert_type3A_120 = tpu.bitcast %slice3A_119 : vector<128x128xf32> -> vector<128x128xi32>
    %add3A_121 = arith.constant 32767 : i32
    %add3A_122 = vector.broadcast %add3A_121 : i32 to vector<128x128xi32>
    %add3A_123 = arith.addi %bitcast_convert_type3A_120, %add3A_122 : vector<128x128xi32>
    %shift_right_arithmetic3A_124 = arith.constant 16 : i32
    %shift_right_arithmetic3A_125 = vector.broadcast %shift_right_arithmetic3A_124 : i32 to vector<128x128xi32>
    %shift_right_arithmetic3A_126 = arith.shrsi %bitcast_convert_type3A_120, %shift_right_arithmetic3A_125 : vector<128x128xi32>
    %and3A_127 = arith.constant 1 : i32
    %and3A_128 = vector.broadcast %and3A_127 : i32 to vector<128x128xi32>
    %and3A_129 = arith.andi %shift_right_arithmetic3A_126, %and3A_128 : vector<128x128xi32>
    %add3A_130 = arith.addi %add3A_123, %and3A_129 : vector<128x128xi32>
    %and3A_131 = arith.constant -65536 : i32
    %and3A_132 = vector.broadcast %and3A_131 : i32 to vector<128x128xi32>
    %and3A_133 = arith.andi %add3A_130, %and3A_132 : vector<128x128xi32>
    %bitcast_convert_type3A_134 = tpu.bitcast %and3A_133 : vector<128x128xi32> -> vector<128x128xf32>
    %convert_element_type3A_135 = arith.truncf %bitcast_convert_type3A_134 : vector<128x128xf32> to vector<128x128xbf16>
    %dot_general3A_136 = arith.constant dense<0.000000e+00> : vector<128x2048xf32>
    %dot_general3A_137 = tpu.matmul %convert_element_type3A_135, %convert_element_type3A, %dot_general3A_136 {dimension_numbers = #tpu.dot_dimension_numbers<[1], [1], [0], [0], [0, 0, 1, 0], [], []>, transpose_lhs_hint = false} : vector<128x128xbf16>, vector<2048x128xbf16>, vector<128x2048xf32> -> vector<128x2048xf32>
    %mul3A_138 = arith.constant 0.0883883461 : f32
    %mul3A_139 = vector.broadcast %mul3A_138 : f32 to vector<128x2048xf32>
    %mul3A_140 = arith.mulf %dot_general3A_137, %mul3A_139 : vector<128x2048xf32>
    %max3A_141 = arith.constant 0.000000e+00 : f32
    %max3A_142 = vector.broadcast %max3A_141 : f32 to vector<128x2048xf32>
    %max3A_143 = arith.maximumf %mul3A_140, %max3A_142 : vector<128x2048xf32>
    %bitcast_convert_type3A_144 = tpu.bitcast %max3A_143 : vector<128x2048xf32> -> vector<128x2048xi32>
    %add3A_145 = arith.constant 32767 : i32
    %add3A_146 = vector.broadcast %add3A_145 : i32 to vector<128x2048xi32>
    %add3A_147 = arith.addi %bitcast_convert_type3A_144, %add3A_146 : vector<128x2048xi32>
    %shift_right_arithmetic3A_148 = arith.constant 16 : i32
    %shift_right_arithmetic3A_149 = vector.broadcast %shift_right_arithmetic3A_148 : i32 to vector<128x2048xi32>
    %shift_right_arithmetic3A_150 = arith.shrsi %bitcast_convert_type3A_144, %shift_right_arithmetic3A_149 : vector<128x2048xi32>
    %and3A_151 = arith.constant 1 : i32
    %and3A_152 = vector.broadcast %and3A_151 : i32 to vector<128x2048xi32>
    %and3A_153 = arith.andi %shift_right_arithmetic3A_150, %and3A_152 : vector<128x2048xi32>
    %add3A_154 = arith.addi %add3A_147, %and3A_153 : vector<128x2048xi32>
    %and3A_155 = arith.constant -65536 : i32
    %and3A_156 = vector.broadcast %and3A_155 : i32 to vector<128x2048xi32>
    %and3A_157 = arith.andi %add3A_154, %and3A_156 : vector<128x2048xi32>
    %bitcast_convert_type3A_158 = tpu.bitcast %and3A_157 : vector<128x2048xi32> -> vector<128x2048xf32>
    %slice3A_159 = vector.extract_strided_slice %bitcast_convert_type3A_33 {offsets = [0, 2], sizes = [128, 1], strides = [1, 1]} : vector<128x32xf32> to vector<128x1xf32>
    %mul3A_160 = vector.broadcast %slice3A_159 : vector<128x1xf32> to vector<128x2048xf32>
    %mul3A_161 = arith.mulf %bitcast_convert_type3A_158, %mul3A_160 : vector<128x2048xf32>
    %add3A_162 = arith.addf %add3A_118, %mul3A_161 : vector<128x2048xf32>
    %slice3A_163 = vector.extract_strided_slice %get3A_1 {offsets = [0, 384], sizes = [128, 128], strides = [1, 1]} : vector<128x4096xf32> to vector<128x128xf32>
    %bitcast_convert_type3A_164 = tpu.bitcast %slice3A_163 : vector<128x128xf32> -> vector<128x128xi32>
    %add3A_165 = arith.constant 32767 : i32
    %add3A_166 = vector.broadcast %add3A_165 : i32 to vector<128x128xi32>
    %add3A_167 = arith.addi %bitcast_convert_type3A_164, %add3A_166 : vector<128x128xi32>
    %shift_right_arithmetic3A_168 = arith.constant 16 : i32
    %shift_right_arithmetic3A_169 = vector.broadcast %shift_right_arithmetic3A_168 : i32 to vector<128x128xi32>
    %shift_right_arithmetic3A_170 = arith.shrsi %bitcast_convert_type3A_164, %shift_right_arithmetic3A_169 : vector<128x128xi32>
    %and3A_171 = arith.constant 1 : i32
    %and3A_172 = vector.broadcast %and3A_171 : i32 to vector<128x128xi32>
    %and3A_173 = arith.andi %shift_right_arithmetic3A_170, %and3A_172 : vector<128x128xi32>
    %add3A_174 = arith.addi %add3A_167, %and3A_173 : vector<128x128xi32>
    %and3A_175 = arith.constant -65536 : i32
    %and3A_176 = vector.broadcast %and3A_175 : i32 to vector<128x128xi32>
    %and3A_177 = arith.andi %add3A_174, %and3A_176 : vector<128x128xi32>
    %bitcast_convert_type3A_178 = tpu.bitcast %and3A_177 : vector<128x128xi32> -> vector<128x128xf32>
    %convert_element_type3A_179 = arith.truncf %bitcast_convert_type3A_178 : vector<128x128xf32> to vector<128x128xbf16>
    %dot_general3A_180 = arith.constant dense<0.000000e+00> : vector<128x2048xf32>
    %dot_general3A_181 = tpu.matmul %convert_element_type3A_179, %convert_element_type3A, %dot_general3A_180 {dimension_numbers = #tpu.dot_dimension_numbers<[1], [1], [0], [0], [0, 0, 1, 0], [], []>, transpose_lhs_hint = false} : vector<128x128xbf16>, vector<2048x128xbf16>, vector<128x2048xf32> -> vector<128x2048xf32>
    %mul3A_182 = arith.constant 0.0883883461 : f32
    %mul3A_183 = vector.broadcast %mul3A_182 : f32 to vector<128x2048xf32>
    %mul3A_184 = arith.mulf %dot_general3A_181, %mul3A_183 : vector<128x2048xf32>
    %max3A_185 = arith.constant 0.000000e+00 : f32
    %max3A_186 = vector.broadcast %max3A_185 : f32 to vector<128x2048xf32>
    %max3A_187 = arith.maximumf %mul3A_184, %max3A_186 : vector<128x2048xf32>
    %bitcast_convert_type3A_188 = tpu.bitcast %max3A_187 : vector<128x2048xf32> -> vector<128x2048xi32>
    %add3A_189 = arith.constant 32767 : i32
    %add3A_190 = vector.broadcast %add3A_189 : i32 to vector<128x2048xi32>
    %add3A_191 = arith.addi %bitcast_convert_type3A_188, %add3A_190 : vector<128x2048xi32>
    %shift_right_arithmetic3A_192 = arith.constant 16 : i32
    %shift_right_arithmetic3A_193 = vector.broadcast %shift_right_arithmetic3A_192 : i32 to vector<128x2048xi32>
    %shift_right_arithmetic3A_194 = arith.shrsi %bitcast_convert_type3A_188, %shift_right_arithmetic3A_193 : vector<128x2048xi32>
    %and3A_195 = arith.constant 1 : i32
    %and3A_196 = vector.broadcast %and3A_195 : i32 to vector<128x2048xi32>
    %and3A_197 = arith.andi %shift_right_arithmetic3A_194, %and3A_196 : vector<128x2048xi32>
    %add3A_198 = arith.addi %add3A_191, %and3A_197 : vector<128x2048xi32>
    %and3A_199 = arith.constant -65536 : i32
    %and3A_200 = vector.broadcast %and3A_199 : i32 to vector<128x2048xi32>
    %and3A_201 = arith.andi %add3A_198, %and3A_200 : vector<128x2048xi32>
    %bitcast_convert_type3A_202 = tpu.bitcast %and3A_201 : vector<128x2048xi32> -> vector<128x2048xf32>
    %slice3A_203 = vector.extract_strided_slice %bitcast_convert_type3A_33 {offsets = [0, 3], sizes = [128, 1], strides = [1, 1]} : vector<128x32xf32> to vector<128x1xf32>
    %mul3A_204 = vector.broadcast %slice3A_203 : vector<128x1xf32> to vector<128x2048xf32>
    %mul3A_205 = arith.mulf %bitcast_convert_type3A_202, %mul3A_204 : vector<128x2048xf32>
    %add3A_206 = arith.addf %add3A_162, %mul3A_205 : vector<128x2048xf32>
    %slice3A_207 = vector.extract_strided_slice %get3A_1 {offsets = [0, 512], sizes = [128, 128], strides = [1, 1]} : vector<128x4096xf32> to vector<128x128xf32>
    %bitcast_convert_type3A_208 = tpu.bitcast %slice3A_207 : vector<128x128xf32> -> vector<128x128xi32>
    %add3A_209 = arith.constant 32767 : i32
    %add3A_210 = vector.broadcast %add3A_209 : i32 to vector<128x128xi32>
    %add3A_211 = arith.addi %bitcast_convert_type3A_208, %add3A_210 : vector<128x128xi32>
    %shift_right_arithmetic3A_212 = arith.constant 16 : i32
    %shift_right_arithmetic3A_213 = vector.broadcast %shift_right_arithmetic3A_212 : i32 to vector<128x128xi32>
    %shift_right_arithmetic3A_214 = arith.shrsi %bitcast_convert_type3A_208, %shift_right_arithmetic3A_213 : vector<128x128xi32>
    %and3A_215 = arith.constant 1 : i32
    %and3A_216 = vector.broadcast %and3A_215 : i32 to vector<128x128xi32>
    %and3A_217 = arith.andi %shift_right_arithmetic3A_214, %and3A_216 : vector<128x128xi32>
    %add3A_218 = arith.addi %add3A_211, %and3A_217 : vector<128x128xi32>
    %and3A_219 = arith.constant -65536 : i32
    %and3A_220 = vector.broadcast %and3A_219 : i32 to vector<128x128xi32>
    %and3A_221 = arith.andi %add3A_218, %and3A_220 : vector<128x128xi32>
    %bitcast_convert_type3A_222 = tpu.bitcast %and3A_221 : vector<128x128xi32> -> vector<128x128xf32>
    %convert_element_type3A_223 = arith.truncf %bitcast_convert_type3A_222 : vector<128x128xf32> to vector<128x128xbf16>
    %dot_general3A_224 = arith.constant dense<0.000000e+00> : vector<128x2048xf32>
    %dot_general3A_225 = tpu.matmul %convert_element_type3A_223, %convert_element_type3A, %dot_general3A_224 {dimension_numbers = #tpu.dot_dimension_numbers<[1], [1], [0], [0], [0, 0, 1, 0], [], []>, transpose_lhs_hint = false} : vector<128x128xbf16>, vector<2048x128xbf16>, vector<128x2048xf32> -> vector<128x2048xf32>
    %mul3A_226 = arith.constant 0.0883883461 : f32
    %mul3A_227 = vector.broadcast %mul3A_226 : f32 to vector<128x2048xf32>
    %mul3A_228 = arith.mulf %dot_general3A_225, %mul3A_227 : vector<128x2048xf32>
    %max3A_229 = arith.constant 0.000000e+00 : f32
    %max3A_230 = vector.broadcast %max3A_229 : f32 to vector<128x2048xf32>
    %max3A_231 = arith.maximumf %mul3A_228, %max3A_230 : vector<128x2048xf32>
    %bitcast_convert_type3A_232 = tpu.bitcast %max3A_231 : vector<128x2048xf32> -> vector<128x2048xi32>
    %add3A_233 = arith.constant 32767 : i32
    %add3A_234 = vector.broadcast %add3A_233 : i32 to vector<128x2048xi32>
    %add3A_235 = arith.addi %bitcast_convert_type3A_232, %add3A_234 : vector<128x2048xi32>
    %shift_right_arithmetic3A_236 = arith.constant 16 : i32
    %shift_right_arithmetic3A_237 = vector.broadcast %shift_right_arithmetic3A_236 : i32 to vector<128x2048xi32>
    %shift_right_arithmetic3A_238 = arith.shrsi %bitcast_convert_type3A_232, %shift_right_arithmetic3A_237 : vector<128x2048xi32>
    %and3A_239 = arith.constant 1 : i32
    %and3A_240 = vector.broadcast %and3A_239 : i32 to vector<128x2048xi32>
    %and3A_241 = arith.andi %shift_right_arithmetic3A_238, %and3A_240 : vector<128x2048xi32>
    %add3A_242 = arith.addi %add3A_235, %and3A_241 : vector<128x2048xi32>
    %and3A_243 = arith.constant -65536 : i32
    %and3A_244 = vector.broadcast %and3A_243 : i32 to vector<128x2048xi32>
    %and3A_245 = arith.andi %add3A_242, %and3A_244 : vector<128x2048xi32>
    %bitcast_convert_type3A_246 = tpu.bitcast %and3A_245 : vector<128x2048xi32> -> vector<128x2048xf32>
    %slice3A_247 = vector.extract_strided_slice %bitcast_convert_type3A_33 {offsets = [0, 4], sizes = [128, 1], strides = [1, 1]} : vector<128x32xf32> to vector<128x1xf32>
    %mul3A_248 = vector.broadcast %slice3A_247 : vector<128x1xf32> to vector<128x2048xf32>
    %mul3A_249 = arith.mulf %bitcast_convert_type3A_246, %mul3A_248 : vector<128x2048xf32>
    %add3A_250 = arith.addf %add3A_206, %mul3A_249 : vector<128x2048xf32>
    %slice3A_251 = vector.extract_strided_slice %get3A_1 {offsets = [0, 640], sizes = [128, 128], strides = [1, 1]} : vector<128x4096xf32> to vector<128x128xf32>
    %bitcast_convert_type3A_252 = tpu.bitcast %slice3A_251 : vector<128x128xf32> -> vector<128x128xi32>
    %add3A_253 = arith.constant 32767 : i32
    %add3A_254 = vector.broadcast %add3A_253 : i32 to vector<128x128xi32>
    %add3A_255 = arith.addi %bitcast_convert_type3A_252, %add3A_254 : vector<128x128xi32>
    %shift_right_arithmetic3A_256 = arith.constant 16 : i32
    %shift_right_arithmetic3A_257 = vector.broadcast %shift_right_arithmetic3A_256 : i32 to vector<128x128xi32>
    %shift_right_arithmetic3A_258 = arith.shrsi %bitcast_convert_type3A_252, %shift_right_arithmetic3A_257 : vector<128x128xi32>
    %and3A_259 = arith.constant 1 : i32
    %and3A_260 = vector.broadcast %and3A_259 : i32 to vector<128x128xi32>
    %and3A_261 = arith.andi %shift_right_arithmetic3A_258, %and3A_260 : vector<128x128xi32>
    %add3A_262 = arith.addi %add3A_255, %and3A_261 : vector<128x128xi32>
    %and3A_263 = arith.constant -65536 : i32
    %and3A_264 = vector.broadcast %and3A_263 : i32 to vector<128x128xi32>
    %and3A_265 = arith.andi %add3A_262, %and3A_264 : vector<128x128xi32>
    %bitcast_convert_type3A_266 = tpu.bitcast %and3A_265 : vector<128x128xi32> -> vector<128x128xf32>
    %convert_element_type3A_267 = arith.truncf %bitcast_convert_type3A_266 : vector<128x128xf32> to vector<128x128xbf16>
    %dot_general3A_268 = arith.constant dense<0.000000e+00> : vector<128x2048xf32>
    %dot_general3A_269 = tpu.matmul %convert_element_type3A_267, %convert_element_type3A, %dot_general3A_268 {dimension_numbers = #tpu.dot_dimension_numbers<[1], [1], [0], [0], [0, 0, 1, 0], [], []>, transpose_lhs_hint = false} : vector<128x128xbf16>, vector<2048x128xbf16>, vector<128x2048xf32> -> vector<128x2048xf32>
    %mul3A_270 = arith.constant 0.0883883461 : f32
    %mul3A_271 = vector.broadcast %mul3A_270 : f32 to vector<128x2048xf32>
    %mul3A_272 = arith.mulf %dot_general3A_269, %mul3A_271 : vector<128x2048xf32>
    %max3A_273 = arith.constant 0.000000e+00 : f32
    %max3A_274 = vector.broadcast %max3A_273 : f32 to vector<128x2048xf32>
    %max3A_275 = arith.maximumf %mul3A_272, %max3A_274 : vector<128x2048xf32>
    %bitcast_convert_type3A_276 = tpu.bitcast %max3A_275 : vector<128x2048xf32> -> vector<128x2048xi32>
    %add3A_277 = arith.constant 32767 : i32
    %add3A_278 = vector.broadcast %add3A_277 : i32 to vector<128x2048xi32>
    %add3A_279 = arith.addi %bitcast_convert_type3A_276, %add3A_278 : vector<128x2048xi32>
    %shift_right_arithmetic3A_280 = arith.constant 16 : i32
    %shift_right_arithmetic3A_281 = vector.broadcast %shift_right_arithmetic3A_280 : i32 to vector<128x2048xi32>
    %shift_right_arithmetic3A_282 = arith.shrsi %bitcast_convert_type3A_276, %shift_right_arithmetic3A_281 : vector<128x2048xi32>
    %and3A_283 = arith.constant 1 : i32
    %and3A_284 = vector.broadcast %and3A_283 : i32 to vector<128x2048xi32>
    %and3A_285 = arith.andi %shift_right_arithmetic3A_282, %and3A_284 : vector<128x2048xi32>
    %add3A_286 = arith.addi %add3A_279, %and3A_285 : vector<128x2048xi32>
    %and3A_287 = arith.constant -65536 : i32
    %and3A_288 = vector.broadcast %and3A_287 : i32 to vector<128x2048xi32>
    %and3A_289 = arith.andi %add3A_286, %and3A_288 : vector<128x2048xi32>
    %bitcast_convert_type3A_290 = tpu.bitcast %and3A_289 : vector<128x2048xi32> -> vector<128x2048xf32>
    %slice3A_291 = vector.extract_strided_slice %bitcast_convert_type3A_33 {offsets = [0, 5], sizes = [128, 1], strides = [1, 1]} : vector<128x32xf32> to vector<128x1xf32>
    %mul3A_292 = vector.broadcast %slice3A_291 : vector<128x1xf32> to vector<128x2048xf32>
    %mul3A_293 = arith.mulf %bitcast_convert_type3A_290, %mul3A_292 : vector<128x2048xf32>
    %add3A_294 = arith.addf %add3A_250, %mul3A_293 : vector<128x2048xf32>
    %slice3A_295 = vector.extract_strided_slice %get3A_1 {offsets = [0, 768], sizes = [128, 128], strides = [1, 1]} : vector<128x4096xf32> to vector<128x128xf32>
    %bitcast_convert_type3A_296 = tpu.bitcast %slice3A_295 : vector<128x128xf32> -> vector<128x128xi32>
    %add3A_297 = arith.constant 32767 : i32
    %add3A_298 = vector.broadcast %add3A_297 : i32 to vector<128x128xi32>
    %add3A_299 = arith.addi %bitcast_convert_type3A_296, %add3A_298 : vector<128x128xi32>
    %shift_right_arithmetic3A_300 = arith.constant 16 : i32
    %shift_right_arithmetic3A_301 = vector.broadcast %shift_right_arithmetic3A_300 : i32 to vector<128x128xi32>
    %shift_right_arithmetic3A_302 = arith.shrsi %bitcast_convert_type3A_296, %shift_right_arithmetic3A_301 : vector<128x128xi32>
    %and3A_303 = arith.constant 1 : i32
    %and3A_304 = vector.broadcast %and3A_303 : i32 to vector<128x128xi32>
    %and3A_305 = arith.andi %shift_right_arithmetic3A_302, %and3A_304 : vector<128x128xi32>
    %add3A_306 = arith.addi %add3A_299, %and3A_305 : vector<128x128xi32>
    %and3A_307 = arith.constant -65536 : i32
    %and3A_308 = vector.broadcast %and3A_307 : i32 to vector<128x128xi32>
    %and3A_309 = arith.andi %add3A_306, %and3A_308 : vector<128x128xi32>
    %bitcast_convert_type3A_310 = tpu.bitcast %and3A_309 : vector<128x128xi32> -> vector<128x128xf32>
    %convert_element_type3A_311 = arith.truncf %bitcast_convert_type3A_310 : vector<128x128xf32> to vector<128x128xbf16>
    %dot_general3A_312 = arith.constant dense<0.000000e+00> : vector<128x2048xf32>
    %dot_general3A_313 = tpu.matmul %convert_element_type3A_311, %convert_element_type3A, %dot_general3A_312 {dimension_numbers = #tpu.dot_dimension_numbers<[1], [1], [0], [0], [0, 0, 1, 0], [], []>, transpose_lhs_hint = false} : vector<128x128xbf16>, vector<2048x128xbf16>, vector<128x2048xf32> -> vector<128x2048xf32>
    %mul3A_314 = arith.constant 0.0883883461 : f32
    %mul3A_315 = vector.broadcast %mul3A_314 : f32 to vector<128x2048xf32>
    %mul3A_316 = arith.mulf %dot_general3A_313, %mul3A_315 : vector<128x2048xf32>
    %max3A_317 = arith.constant 0.000000e+00 : f32
    %max3A_318 = vector.broadcast %max3A_317 : f32 to vector<128x2048xf32>
    %max3A_319 = arith.maximumf %mul3A_316, %max3A_318 : vector<128x2048xf32>
    %bitcast_convert_type3A_320 = tpu.bitcast %max3A_319 : vector<128x2048xf32> -> vector<128x2048xi32>
    %add3A_321 = arith.constant 32767 : i32
    %add3A_322 = vector.broadcast %add3A_321 : i32 to vector<128x2048xi32>
    %add3A_323 = arith.addi %bitcast_convert_type3A_320, %add3A_322 : vector<128x2048xi32>
    %shift_right_arithmetic3A_324 = arith.constant 16 : i32
    %shift_right_arithmetic3A_325 = vector.broadcast %shift_right_arithmetic3A_324 : i32 to vector<128x2048xi32>
    %shift_right_arithmetic3A_326 = arith.shrsi %bitcast_convert_type3A_320, %shift_right_arithmetic3A_325 : vector<128x2048xi32>
    %and3A_327 = arith.constant 1 : i32
    %and3A_328 = vector.broadcast %and3A_327 : i32 to vector<128x2048xi32>
    %and3A_329 = arith.andi %shift_right_arithmetic3A_326, %and3A_328 : vector<128x2048xi32>
    %add3A_330 = arith.addi %add3A_323, %and3A_329 : vector<128x2048xi32>
    %and3A_331 = arith.constant -65536 : i32
    %and3A_332 = vector.broadcast %and3A_331 : i32 to vector<128x2048xi32>
    %and3A_333 = arith.andi %add3A_330, %and3A_332 : vector<128x2048xi32>
    %bitcast_convert_type3A_334 = tpu.bitcast %and3A_333 : vector<128x2048xi32> -> vector<128x2048xf32>
    %slice3A_335 = vector.extract_strided_slice %bitcast_convert_type3A_33 {offsets = [0, 6], sizes = [128, 1], strides = [1, 1]} : vector<128x32xf32> to vector<128x1xf32>
    %mul3A_336 = vector.broadcast %slice3A_335 : vector<128x1xf32> to vector<128x2048xf32>
    %mul3A_337 = arith.mulf %bitcast_convert_type3A_334, %mul3A_336 : vector<128x2048xf32>
    %add3A_338 = arith.addf %add3A_294, %mul3A_337 : vector<128x2048xf32>
    %slice3A_339 = vector.extract_strided_slice %get3A_1 {offsets = [0, 896], sizes = [128, 128], strides = [1, 1]} : vector<128x4096xf32> to vector<128x128xf32>
    %bitcast_convert_type3A_340 = tpu.bitcast %slice3A_339 : vector<128x128xf32> -> vector<128x128xi32>
    %add3A_341 = arith.constant 32767 : i32
    %add3A_342 = vector.broadcast %add3A_341 : i32 to vector<128x128xi32>
    %add3A_343 = arith.addi %bitcast_convert_type3A_340, %add3A_342 : vector<128x128xi32>
    %shift_right_arithmetic3A_344 = arith.constant 16 : i32
    %shift_right_arithmetic3A_345 = vector.broadcast %shift_right_arithmetic3A_344 : i32 to vector<128x128xi32>
    %shift_right_arithmetic3A_346 = arith.shrsi %bitcast_convert_type3A_340, %shift_right_arithmetic3A_345 : vector<128x128xi32>
    %and3A_347 = arith.constant 1 : i32
    %and3A_348 = vector.broadcast %and3A_347 : i32 to vector<128x128xi32>
    %and3A_349 = arith.andi %shift_right_arithmetic3A_346, %and3A_348 : vector<128x128xi32>
    %add3A_350 = arith.addi %add3A_343, %and3A_349 : vector<128x128xi32>
    %and3A_351 = arith.constant -65536 : i32
    %and3A_352 = vector.broadcast %and3A_351 : i32 to vector<128x128xi32>
    %and3A_353 = arith.andi %add3A_350, %and3A_352 : vector<128x128xi32>
    %bitcast_convert_type3A_354 = tpu.bitcast %and3A_353 : vector<128x128xi32> -> vector<128x128xf32>
    %convert_element_type3A_355 = arith.truncf %bitcast_convert_type3A_354 : vector<128x128xf32> to vector<128x128xbf16>
    %dot_general3A_356 = arith.constant dense<0.000000e+00> : vector<128x2048xf32>
    %dot_general3A_357 = tpu.matmul %convert_element_type3A_355, %convert_element_type3A, %dot_general3A_356 {dimension_numbers = #tpu.dot_dimension_numbers<[1], [1], [0], [0], [0, 0, 1, 0], [], []>, transpose_lhs_hint = false} : vector<128x128xbf16>, vector<2048x128xbf16>, vector<128x2048xf32> -> vector<128x2048xf32>
    %mul3A_358 = arith.constant 0.0883883461 : f32
    %mul3A_359 = vector.broadcast %mul3A_358 : f32 to vector<128x2048xf32>
    %mul3A_360 = arith.mulf %dot_general3A_357, %mul3A_359 : vector<128x2048xf32>
    %max3A_361 = arith.constant 0.000000e+00 : f32
    %max3A_362 = vector.broadcast %max3A_361 : f32 to vector<128x2048xf32>
    %max3A_363 = arith.maximumf %mul3A_360, %max3A_362 : vector<128x2048xf32>
    %bitcast_convert_type3A_364 = tpu.bitcast %max3A_363 : vector<128x2048xf32> -> vector<128x2048xi32>
    %add3A_365 = arith.constant 32767 : i32
    %add3A_366 = vector.broadcast %add3A_365 : i32 to vector<128x2048xi32>
    %add3A_367 = arith.addi %bitcast_convert_type3A_364, %add3A_366 : vector<128x2048xi32>
    %shift_right_arithmetic3A_368 = arith.constant 16 : i32
    %shift_right_arithmetic3A_369 = vector.broadcast %shift_right_arithmetic3A_368 : i32 to vector<128x2048xi32>
    %shift_right_arithmetic3A_370 = arith.shrsi %bitcast_convert_type3A_364, %shift_right_arithmetic3A_369 : vector<128x2048xi32>
    %and3A_371 = arith.constant 1 : i32
    %and3A_372 = vector.broadcast %and3A_371 : i32 to vector<128x2048xi32>
    %and3A_373 = arith.andi %shift_right_arithmetic3A_370, %and3A_372 : vector<128x2048xi32>
    %add3A_374 = arith.addi %add3A_367, %and3A_373 : vector<128x2048xi32>
    %and3A_375 = arith.constant -65536 : i32
    %and3A_376 = vector.broadcast %and3A_375 : i32 to vector<128x2048xi32>
    %and3A_377 = arith.andi %add3A_374, %and3A_376 : vector<128x2048xi32>
    %bitcast_convert_type3A_378 = tpu.bitcast %and3A_377 : vector<128x2048xi32> -> vector<128x2048xf32>
    %slice3A_379 = vector.extract_strided_slice %bitcast_convert_type3A_33 {offsets = [0, 7], sizes = [128, 1], strides = [1, 1]} : vector<128x32xf32> to vector<128x1xf32>
    %mul3A_380 = vector.broadcast %slice3A_379 : vector<128x1xf32> to vector<128x2048xf32>
    %mul3A_381 = arith.mulf %bitcast_convert_type3A_378, %mul3A_380 : vector<128x2048xf32>
    %add3A_382 = arith.addf %add3A_338, %mul3A_381 : vector<128x2048xf32>
    %slice3A_383 = vector.extract_strided_slice %get3A_1 {offsets = [0, 1024], sizes = [128, 128], strides = [1, 1]} : vector<128x4096xf32> to vector<128x128xf32>
    %bitcast_convert_type3A_384 = tpu.bitcast %slice3A_383 : vector<128x128xf32> -> vector<128x128xi32>
    %add3A_385 = arith.constant 32767 : i32
    %add3A_386 = vector.broadcast %add3A_385 : i32 to vector<128x128xi32>
    %add3A_387 = arith.addi %bitcast_convert_type3A_384, %add3A_386 : vector<128x128xi32>
    %shift_right_arithmetic3A_388 = arith.constant 16 : i32
    %shift_right_arithmetic3A_389 = vector.broadcast %shift_right_arithmetic3A_388 : i32 to vector<128x128xi32>
    %shift_right_arithmetic3A_390 = arith.shrsi %bitcast_convert_type3A_384, %shift_right_arithmetic3A_389 : vector<128x128xi32>
    %and3A_391 = arith.constant 1 : i32
    %and3A_392 = vector.broadcast %and3A_391 : i32 to vector<128x128xi32>
    %and3A_393 = arith.andi %shift_right_arithmetic3A_390, %and3A_392 : vector<128x128xi32>
    %add3A_394 = arith.addi %add3A_387, %and3A_393 : vector<128x128xi32>
    %and3A_395 = arith.constant -65536 : i32
    %and3A_396 = vector.broadcast %and3A_395 : i32 to vector<128x128xi32>
    %and3A_397 = arith.andi %add3A_394, %and3A_396 : vector<128x128xi32>
    %bitcast_convert_type3A_398 = tpu.bitcast %and3A_397 : vector<128x128xi32> -> vector<128x128xf32>
    %convert_element_type3A_399 = arith.truncf %bitcast_convert_type3A_398 : vector<128x128xf32> to vector<128x128xbf16>
    %dot_general3A_400 = arith.constant dense<0.000000e+00> : vector<128x2048xf32>
    %dot_general3A_401 = tpu.matmul %convert_element_type3A_399, %convert_element_type3A, %dot_general3A_400 {dimension_numbers = #tpu.dot_dimension_numbers<[1], [1], [0], [0], [0, 0, 1, 0], [], []>, transpose_lhs_hint = false} : vector<128x128xbf16>, vector<2048x128xbf16>, vector<128x2048xf32> -> vector<128x2048xf32>
    %mul3A_402 = arith.constant 0.0883883461 : f32
    %mul3A_403 = vector.broadcast %mul3A_402 : f32 to vector<128x2048xf32>
    %mul3A_404 = arith.mulf %dot_general3A_401, %mul3A_403 : vector<128x2048xf32>
    %max3A_405 = arith.constant 0.000000e+00 : f32
    %max3A_406 = vector.broadcast %max3A_405 : f32 to vector<128x2048xf32>
    %max3A_407 = arith.maximumf %mul3A_404, %max3A_406 : vector<128x2048xf32>
    %bitcast_convert_type3A_408 = tpu.bitcast %max3A_407 : vector<128x2048xf32> -> vector<128x2048xi32>
    %add3A_409 = arith.constant 32767 : i32
    %add3A_410 = vector.broadcast %add3A_409 : i32 to vector<128x2048xi32>
    %add3A_411 = arith.addi %bitcast_convert_type3A_408, %add3A_410 : vector<128x2048xi32>
    %shift_right_arithmetic3A_412 = arith.constant 16 : i32
    %shift_right_arithmetic3A_413 = vector.broadcast %shift_right_arithmetic3A_412 : i32 to vector<128x2048xi32>
    %shift_right_arithmetic3A_414 = arith.shrsi %bitcast_convert_type3A_408, %shift_right_arithmetic3A_413 : vector<128x2048xi32>
    %and3A_415 = arith.constant 1 : i32
    %and3A_416 = vector.broadcast %and3A_415 : i32 to vector<128x2048xi32>
    %and3A_417 = arith.andi %shift_right_arithmetic3A_414, %and3A_416 : vector<128x2048xi32>
    %add3A_418 = arith.addi %add3A_411, %and3A_417 : vector<128x2048xi32>
    %and3A_419 = arith.constant -65536 : i32
    %and3A_420 = vector.broadcast %and3A_419 : i32 to vector<128x2048xi32>
    %and3A_421 = arith.andi %add3A_418, %and3A_420 : vector<128x2048xi32>
    %bitcast_convert_type3A_422 = tpu.bitcast %and3A_421 : vector<128x2048xi32> -> vector<128x2048xf32>
    %slice3A_423 = vector.extract_strided_slice %bitcast_convert_type3A_33 {offsets = [0, 8], sizes = [128, 1], strides = [1, 1]} : vector<128x32xf32> to vector<128x1xf32>
    %mul3A_424 = vector.broadcast %slice3A_423 : vector<128x1xf32> to vector<128x2048xf32>
    %mul3A_425 = arith.mulf %bitcast_convert_type3A_422, %mul3A_424 : vector<128x2048xf32>
    %add3A_426 = arith.addf %add3A_382, %mul3A_425 : vector<128x2048xf32>
    %slice3A_427 = vector.extract_strided_slice %get3A_1 {offsets = [0, 1152], sizes = [128, 128], strides = [1, 1]} : vector<128x4096xf32> to vector<128x128xf32>
    %bitcast_convert_type3A_428 = tpu.bitcast %slice3A_427 : vector<128x128xf32> -> vector<128x128xi32>
    %add3A_429 = arith.constant 32767 : i32
    %add3A_430 = vector.broadcast %add3A_429 : i32 to vector<128x128xi32>
    %add3A_431 = arith.addi %bitcast_convert_type3A_428, %add3A_430 : vector<128x128xi32>
    %shift_right_arithmetic3A_432 = arith.constant 16 : i32
    %shift_right_arithmetic3A_433 = vector.broadcast %shift_right_arithmetic3A_432 : i32 to vector<128x128xi32>
    %shift_right_arithmetic3A_434 = arith.shrsi %bitcast_convert_type3A_428, %shift_right_arithmetic3A_433 : vector<128x128xi32>
    %and3A_435 = arith.constant 1 : i32
    %and3A_436 = vector.broadcast %and3A_435 : i32 to vector<128x128xi32>
    %and3A_437 = arith.andi %shift_right_arithmetic3A_434, %and3A_436 : vector<128x128xi32>
    %add3A_438 = arith.addi %add3A_431, %and3A_437 : vector<128x128xi32>
    %and3A_439 = arith.constant -65536 : i32
    %and3A_440 = vector.broadcast %and3A_439 : i32 to vector<128x128xi32>
    %and3A_441 = arith.andi %add3A_438, %and3A_440 : vector<128x128xi32>
    %bitcast_convert_type3A_442 = tpu.bitcast %and3A_441 : vector<128x128xi32> -> vector<128x128xf32>
    %convert_element_type3A_443 = arith.truncf %bitcast_convert_type3A_442 : vector<128x128xf32> to vector<128x128xbf16>
    %dot_general3A_444 = arith.constant dense<0.000000e+00> : vector<128x2048xf32>
    %dot_general3A_445 = tpu.matmul %convert_element_type3A_443, %convert_element_type3A, %dot_general3A_444 {dimension_numbers = #tpu.dot_dimension_numbers<[1], [1], [0], [0], [0, 0, 1, 0], [], []>, transpose_lhs_hint = false} : vector<128x128xbf16>, vector<2048x128xbf16>, vector<128x2048xf32> -> vector<128x2048xf32>
    %mul3A_446 = arith.constant 0.0883883461 : f32
    %mul3A_447 = vector.broadcast %mul3A_446 : f32 to vector<128x2048xf32>
    %mul3A_448 = arith.mulf %dot_general3A_445, %mul3A_447 : vector<128x2048xf32>
    %max3A_449 = arith.constant 0.000000e+00 : f32
    %max3A_450 = vector.broadcast %max3A_449 : f32 to vector<128x2048xf32>
    %max3A_451 = arith.maximumf %mul3A_448, %max3A_450 : vector<128x2048xf32>
    %bitcast_convert_type3A_452 = tpu.bitcast %max3A_451 : vector<128x2048xf32> -> vector<128x2048xi32>
    %add3A_453 = arith.constant 32767 : i32
    %add3A_454 = vector.broadcast %add3A_453 : i32 to vector<128x2048xi32>
    %add3A_455 = arith.addi %bitcast_convert_type3A_452, %add3A_454 : vector<128x2048xi32>
    %shift_right_arithmetic3A_456 = arith.constant 16 : i32
    %shift_right_arithmetic3A_457 = vector.broadcast %shift_right_arithmetic3A_456 : i32 to vector<128x2048xi32>
    %shift_right_arithmetic3A_458 = arith.shrsi %bitcast_convert_type3A_452, %shift_right_arithmetic3A_457 : vector<128x2048xi32>
    %and3A_459 = arith.constant 1 : i32
    %and3A_460 = vector.broadcast %and3A_459 : i32 to vector<128x2048xi32>
    %and3A_461 = arith.andi %shift_right_arithmetic3A_458, %and3A_460 : vector<128x2048xi32>
    %add3A_462 = arith.addi %add3A_455, %and3A_461 : vector<128x2048xi32>
    %and3A_463 = arith.constant -65536 : i32
    %and3A_464 = vector.broadcast %and3A_463 : i32 to vector<128x2048xi32>
    %and3A_465 = arith.andi %add3A_462, %and3A_464 : vector<128x2048xi32>
    %bitcast_convert_type3A_466 = tpu.bitcast %and3A_465 : vector<128x2048xi32> -> vector<128x2048xf32>
    %slice3A_467 = vector.extract_strided_slice %bitcast_convert_type3A_33 {offsets = [0, 9], sizes = [128, 1], strides = [1, 1]} : vector<128x32xf32> to vector<128x1xf32>
    %mul3A_468 = vector.broadcast %slice3A_467 : vector<128x1xf32> to vector<128x2048xf32>
    %mul3A_469 = arith.mulf %bitcast_convert_type3A_466, %mul3A_468 : vector<128x2048xf32>
    %add3A_470 = arith.addf %add3A_426, %mul3A_469 : vector<128x2048xf32>
    %slice3A_471 = vector.extract_strided_slice %get3A_1 {offsets = [0, 1280], sizes = [128, 128], strides = [1, 1]} : vector<128x4096xf32> to vector<128x128xf32>
    %bitcast_convert_type3A_472 = tpu.bitcast %slice3A_471 : vector<128x128xf32> -> vector<128x128xi32>
    %add3A_473 = arith.constant 32767 : i32
    %add3A_474 = vector.broadcast %add3A_473 : i32 to vector<128x128xi32>
    %add3A_475 = arith.addi %bitcast_convert_type3A_472, %add3A_474 : vector<128x128xi32>
    %shift_right_arithmetic3A_476 = arith.constant 16 : i32
    %shift_right_arithmetic3A_477 = vector.broadcast %shift_right_arithmetic3A_476 : i32 to vector<128x128xi32>
    %shift_right_arithmetic3A_478 = arith.shrsi %bitcast_convert_type3A_472, %shift_right_arithmetic3A_477 : vector<128x128xi32>
    %and3A_479 = arith.constant 1 : i32
    %and3A_480 = vector.broadcast %and3A_479 : i32 to vector<128x128xi32>
    %and3A_481 = arith.andi %shift_right_arithmetic3A_478, %and3A_480 : vector<128x128xi32>
    %add3A_482 = arith.addi %add3A_475, %and3A_481 : vector<128x128xi32>
    %and3A_483 = arith.constant -65536 : i32
    %and3A_484 = vector.broadcast %and3A_483 : i32 to vector<128x128xi32>
    %and3A_485 = arith.andi %add3A_482, %and3A_484 : vector<128x128xi32>
    %bitcast_convert_type3A_486 = tpu.bitcast %and3A_485 : vector<128x128xi32> -> vector<128x128xf32>
    %convert_element_type3A_487 = arith.truncf %bitcast_convert_type3A_486 : vector<128x128xf32> to vector<128x128xbf16>
    %dot_general3A_488 = arith.constant dense<0.000000e+00> : vector<128x2048xf32>
    %dot_general3A_489 = tpu.matmul %convert_element_type3A_487, %convert_element_type3A, %dot_general3A_488 {dimension_numbers = #tpu.dot_dimension_numbers<[1], [1], [0], [0], [0, 0, 1, 0], [], []>, transpose_lhs_hint = false} : vector<128x128xbf16>, vector<2048x128xbf16>, vector<128x2048xf32> -> vector<128x2048xf32>
    %mul3A_490 = arith.constant 0.0883883461 : f32
    %mul3A_491 = vector.broadcast %mul3A_490 : f32 to vector<128x2048xf32>
    %mul3A_492 = arith.mulf %dot_general3A_489, %mul3A_491 : vector<128x2048xf32>
    %max3A_493 = arith.constant 0.000000e+00 : f32
    %max3A_494 = vector.broadcast %max3A_493 : f32 to vector<128x2048xf32>
    %max3A_495 = arith.maximumf %mul3A_492, %max3A_494 : vector<128x2048xf32>
    %bitcast_convert_type3A_496 = tpu.bitcast %max3A_495 : vector<128x2048xf32> -> vector<128x2048xi32>
    %add3A_497 = arith.constant 32767 : i32
    %add3A_498 = vector.broadcast %add3A_497 : i32 to vector<128x2048xi32>
    %add3A_499 = arith.addi %bitcast_convert_type3A_496, %add3A_498 : vector<128x2048xi32>
    %shift_right_arithmetic3A_500 = arith.constant 16 : i32
    %shift_right_arithmetic3A_501 = vector.broadcast %shift_right_arithmetic3A_500 : i32 to vector<128x2048xi32>
    %shift_right_arithmetic3A_502 = arith.shrsi %bitcast_convert_type3A_496, %shift_right_arithmetic3A_501 : vector<128x2048xi32>
    %and3A_503 = arith.constant 1 : i32
    %and3A_504 = vector.broadcast %and3A_503 : i32 to vector<128x2048xi32>
    %and3A_505 = arith.andi %shift_right_arithmetic3A_502, %and3A_504 : vector<128x2048xi32>
    %add3A_506 = arith.addi %add3A_499, %and3A_505 : vector<128x2048xi32>
    %and3A_507 = arith.constant -65536 : i32
    %and3A_508 = vector.broadcast %and3A_507 : i32 to vector<128x2048xi32>
    %and3A_509 = arith.andi %add3A_506, %and3A_508 : vector<128x2048xi32>
    %bitcast_convert_type3A_510 = tpu.bitcast %and3A_509 : vector<128x2048xi32> -> vector<128x2048xf32>
    %slice3A_511 = vector.extract_strided_slice %bitcast_convert_type3A_33 {offsets = [0, 10], sizes = [128, 1], strides = [1, 1]} : vector<128x32xf32> to vector<128x1xf32>
    %mul3A_512 = vector.broadcast %slice3A_511 : vector<128x1xf32> to vector<128x2048xf32>
    %mul3A_513 = arith.mulf %bitcast_convert_type3A_510, %mul3A_512 : vector<128x2048xf32>
    %add3A_514 = arith.addf %add3A_470, %mul3A_513 : vector<128x2048xf32>
    %slice3A_515 = vector.extract_strided_slice %get3A_1 {offsets = [0, 1408], sizes = [128, 128], strides = [1, 1]} : vector<128x4096xf32> to vector<128x128xf32>
    %bitcast_convert_type3A_516 = tpu.bitcast %slice3A_515 : vector<128x128xf32> -> vector<128x128xi32>
    %add3A_517 = arith.constant 32767 : i32
    %add3A_518 = vector.broadcast %add3A_517 : i32 to vector<128x128xi32>
    %add3A_519 = arith.addi %bitcast_convert_type3A_516, %add3A_518 : vector<128x128xi32>
    %shift_right_arithmetic3A_520 = arith.constant 16 : i32
    %shift_right_arithmetic3A_521 = vector.broadcast %shift_right_arithmetic3A_520 : i32 to vector<128x128xi32>
    %shift_right_arithmetic3A_522 = arith.shrsi %bitcast_convert_type3A_516, %shift_right_arithmetic3A_521 : vector<128x128xi32>
    %and3A_523 = arith.constant 1 : i32
    %and3A_524 = vector.broadcast %and3A_523 : i32 to vector<128x128xi32>
    %and3A_525 = arith.andi %shift_right_arithmetic3A_522, %and3A_524 : vector<128x128xi32>
    %add3A_526 = arith.addi %add3A_519, %and3A_525 : vector<128x128xi32>
    %and3A_527 = arith.constant -65536 : i32
    %and3A_528 = vector.broadcast %and3A_527 : i32 to vector<128x128xi32>
    %and3A_529 = arith.andi %add3A_526, %and3A_528 : vector<128x128xi32>
    %bitcast_convert_type3A_530 = tpu.bitcast %and3A_529 : vector<128x128xi32> -> vector<128x128xf32>
    %convert_element_type3A_531 = arith.truncf %bitcast_convert_type3A_530 : vector<128x128xf32> to vector<128x128xbf16>
    %dot_general3A_532 = arith.constant dense<0.000000e+00> : vector<128x2048xf32>
    %dot_general3A_533 = tpu.matmul %convert_element_type3A_531, %convert_element_type3A, %dot_general3A_532 {dimension_numbers = #tpu.dot_dimension_numbers<[1], [1], [0], [0], [0, 0, 1, 0], [], []>, transpose_lhs_hint = false} : vector<128x128xbf16>, vector<2048x128xbf16>, vector<128x2048xf32> -> vector<128x2048xf32>
    %mul3A_534 = arith.constant 0.0883883461 : f32
    %mul3A_535 = vector.broadcast %mul3A_534 : f32 to vector<128x2048xf32>
    %mul3A_536 = arith.mulf %dot_general3A_533, %mul3A_535 : vector<128x2048xf32>
    %max3A_537 = arith.constant 0.000000e+00 : f32
    %max3A_538 = vector.broadcast %max3A_537 : f32 to vector<128x2048xf32>
    %max3A_539 = arith.maximumf %mul3A_536, %max3A_538 : vector<128x2048xf32>
    %bitcast_convert_type3A_540 = tpu.bitcast %max3A_539 : vector<128x2048xf32> -> vector<128x2048xi32>
    %add3A_541 = arith.constant 32767 : i32
    %add3A_542 = vector.broadcast %add3A_541 : i32 to vector<128x2048xi32>
    %add3A_543 = arith.addi %bitcast_convert_type3A_540, %add3A_542 : vector<128x2048xi32>
    %shift_right_arithmetic3A_544 = arith.constant 16 : i32
    %shift_right_arithmetic3A_545 = vector.broadcast %shift_right_arithmetic3A_544 : i32 to vector<128x2048xi32>
    %shift_right_arithmetic3A_546 = arith.shrsi %bitcast_convert_type3A_540, %shift_right_arithmetic3A_545 : vector<128x2048xi32>
    %and3A_547 = arith.constant 1 : i32
    %and3A_548 = vector.broadcast %and3A_547 : i32 to vector<128x2048xi32>
    %and3A_549 = arith.andi %shift_right_arithmetic3A_546, %and3A_548 : vector<128x2048xi32>
    %add3A_550 = arith.addi %add3A_543, %and3A_549 : vector<128x2048xi32>
    %and3A_551 = arith.constant -65536 : i32
    %and3A_552 = vector.broadcast %and3A_551 : i32 to vector<128x2048xi32>
    %and3A_553 = arith.andi %add3A_550, %and3A_552 : vector<128x2048xi32>
    %bitcast_convert_type3A_554 = tpu.bitcast %and3A_553 : vector<128x2048xi32> -> vector<128x2048xf32>
    %slice3A_555 = vector.extract_strided_slice %bitcast_convert_type3A_33 {offsets = [0, 11], sizes = [128, 1], strides = [1, 1]} : vector<128x32xf32> to vector<128x1xf32>
    %mul3A_556 = vector.broadcast %slice3A_555 : vector<128x1xf32> to vector<128x2048xf32>
    %mul3A_557 = arith.mulf %bitcast_convert_type3A_554, %mul3A_556 : vector<128x2048xf32>
    %add3A_558 = arith.addf %add3A_514, %mul3A_557 : vector<128x2048xf32>
    %slice3A_559 = vector.extract_strided_slice %get3A_1 {offsets = [0, 1536], sizes = [128, 128], strides = [1, 1]} : vector<128x4096xf32> to vector<128x128xf32>
    %bitcast_convert_type3A_560 = tpu.bitcast %slice3A_559 : vector<128x128xf32> -> vector<128x128xi32>
    %add3A_561 = arith.constant 32767 : i32
    %add3A_562 = vector.broadcast %add3A_561 : i32 to vector<128x128xi32>
    %add3A_563 = arith.addi %bitcast_convert_type3A_560, %add3A_562 : vector<128x128xi32>
    %shift_right_arithmetic3A_564 = arith.constant 16 : i32
    %shift_right_arithmetic3A_565 = vector.broadcast %shift_right_arithmetic3A_564 : i32 to vector<128x128xi32>
    %shift_right_arithmetic3A_566 = arith.shrsi %bitcast_convert_type3A_560, %shift_right_arithmetic3A_565 : vector<128x128xi32>
    %and3A_567 = arith.constant 1 : i32
    %and3A_568 = vector.broadcast %and3A_567 : i32 to vector<128x128xi32>
    %and3A_569 = arith.andi %shift_right_arithmetic3A_566, %and3A_568 : vector<128x128xi32>
    %add3A_570 = arith.addi %add3A_563, %and3A_569 : vector<128x128xi32>
    %and3A_571 = arith.constant -65536 : i32
    %and3A_572 = vector.broadcast %and3A_571 : i32 to vector<128x128xi32>
    %and3A_573 = arith.andi %add3A_570, %and3A_572 : vector<128x128xi32>
    %bitcast_convert_type3A_574 = tpu.bitcast %and3A_573 : vector<128x128xi32> -> vector<128x128xf32>
    %convert_element_type3A_575 = arith.truncf %bitcast_convert_type3A_574 : vector<128x128xf32> to vector<128x128xbf16>
    %dot_general3A_576 = arith.constant dense<0.000000e+00> : vector<128x2048xf32>
    %dot_general3A_577 = tpu.matmul %convert_element_type3A_575, %convert_element_type3A, %dot_general3A_576 {dimension_numbers = #tpu.dot_dimension_numbers<[1], [1], [0], [0], [0, 0, 1, 0], [], []>, transpose_lhs_hint = false} : vector<128x128xbf16>, vector<2048x128xbf16>, vector<128x2048xf32> -> vector<128x2048xf32>
    %mul3A_578 = arith.constant 0.0883883461 : f32
    %mul3A_579 = vector.broadcast %mul3A_578 : f32 to vector<128x2048xf32>
    %mul3A_580 = arith.mulf %dot_general3A_577, %mul3A_579 : vector<128x2048xf32>
    %max3A_581 = arith.constant 0.000000e+00 : f32
    %max3A_582 = vector.broadcast %max3A_581 : f32 to vector<128x2048xf32>
    %max3A_583 = arith.maximumf %mul3A_580, %max3A_582 : vector<128x2048xf32>
    %bitcast_convert_type3A_584 = tpu.bitcast %max3A_583 : vector<128x2048xf32> -> vector<128x2048xi32>
    %add3A_585 = arith.constant 32767 : i32
    %add3A_586 = vector.broadcast %add3A_585 : i32 to vector<128x2048xi32>
    %add3A_587 = arith.addi %bitcast_convert_type3A_584, %add3A_586 : vector<128x2048xi32>
    %shift_right_arithmetic3A_588 = arith.constant 16 : i32
    %shift_right_arithmetic3A_589 = vector.broadcast %shift_right_arithmetic3A_588 : i32 to vector<128x2048xi32>
    %shift_right_arithmetic3A_590 = arith.shrsi %bitcast_convert_type3A_584, %shift_right_arithmetic3A_589 : vector<128x2048xi32>
    %and3A_591 = arith.constant 1 : i32
    %and3A_592 = vector.broadcast %and3A_591 : i32 to vector<128x2048xi32>
    %and3A_593 = arith.andi %shift_right_arithmetic3A_590, %and3A_592 : vector<128x2048xi32>
    %add3A_594 = arith.addi %add3A_587, %and3A_593 : vector<128x2048xi32>
    %and3A_595 = arith.constant -65536 : i32
    %and3A_596 = vector.broadcast %and3A_595 : i32 to vector<128x2048xi32>
    %and3A_597 = arith.andi %add3A_594, %and3A_596 : vector<128x2048xi32>
    %bitcast_convert_type3A_598 = tpu.bitcast %and3A_597 : vector<128x2048xi32> -> vector<128x2048xf32>
    %slice3A_599 = vector.extract_strided_slice %bitcast_convert_type3A_33 {offsets = [0, 12], sizes = [128, 1], strides = [1, 1]} : vector<128x32xf32> to vector<128x1xf32>
    %mul3A_600 = vector.broadcast %slice3A_599 : vector<128x1xf32> to vector<128x2048xf32>
    %mul3A_601 = arith.mulf %bitcast_convert_type3A_598, %mul3A_600 : vector<128x2048xf32>
    %add3A_602 = arith.addf %add3A_558, %mul3A_601 : vector<128x2048xf32>
    %slice3A_603 = vector.extract_strided_slice %get3A_1 {offsets = [0, 1664], sizes = [128, 128], strides = [1, 1]} : vector<128x4096xf32> to vector<128x128xf32>
    %bitcast_convert_type3A_604 = tpu.bitcast %slice3A_603 : vector<128x128xf32> -> vector<128x128xi32>
    %add3A_605 = arith.constant 32767 : i32
    %add3A_606 = vector.broadcast %add3A_605 : i32 to vector<128x128xi32>
    %add3A_607 = arith.addi %bitcast_convert_type3A_604, %add3A_606 : vector<128x128xi32>
    %shift_right_arithmetic3A_608 = arith.constant 16 : i32
    %shift_right_arithmetic3A_609 = vector.broadcast %shift_right_arithmetic3A_608 : i32 to vector<128x128xi32>
    %shift_right_arithmetic3A_610 = arith.shrsi %bitcast_convert_type3A_604, %shift_right_arithmetic3A_609 : vector<128x128xi32>
    %and3A_611 = arith.constant 1 : i32
    %and3A_612 = vector.broadcast %and3A_611 : i32 to vector<128x128xi32>
    %and3A_613 = arith.andi %shift_right_arithmetic3A_610, %and3A_612 : vector<128x128xi32>
    %add3A_614 = arith.addi %add3A_607, %and3A_613 : vector<128x128xi32>
    %and3A_615 = arith.constant -65536 : i32
    %and3A_616 = vector.broadcast %and3A_615 : i32 to vector<128x128xi32>
    %and3A_617 = arith.andi %add3A_614, %and3A_616 : vector<128x128xi32>
    %bitcast_convert_type3A_618 = tpu.bitcast %and3A_617 : vector<128x128xi32> -> vector<128x128xf32>
    %convert_element_type3A_619 = arith.truncf %bitcast_convert_type3A_618 : vector<128x128xf32> to vector<128x128xbf16>
    %dot_general3A_620 = arith.constant dense<0.000000e+00> : vector<128x2048xf32>
    %dot_general3A_621 = tpu.matmul %convert_element_type3A_619, %convert_element_type3A, %dot_general3A_620 {dimension_numbers = #tpu.dot_dimension_numbers<[1], [1], [0], [0], [0, 0, 1, 0], [], []>, transpose_lhs_hint = false} : vector<128x128xbf16>, vector<2048x128xbf16>, vector<128x2048xf32> -> vector<128x2048xf32>
    %mul3A_622 = arith.constant 0.0883883461 : f32
    %mul3A_623 = vector.broadcast %mul3A_622 : f32 to vector<128x2048xf32>
    %mul3A_624 = arith.mulf %dot_general3A_621, %mul3A_623 : vector<128x2048xf32>
    %max3A_625 = arith.constant 0.000000e+00 : f32
    %max3A_626 = vector.broadcast %max3A_625 : f32 to vector<128x2048xf32>
    %max3A_627 = arith.maximumf %mul3A_624, %max3A_626 : vector<128x2048xf32>
    %bitcast_convert_type3A_628 = tpu.bitcast %max3A_627 : vector<128x2048xf32> -> vector<128x2048xi32>
    %add3A_629 = arith.constant 32767 : i32
    %add3A_630 = vector.broadcast %add3A_629 : i32 to vector<128x2048xi32>
    %add3A_631 = arith.addi %bitcast_convert_type3A_628, %add3A_630 : vector<128x2048xi32>
    %shift_right_arithmetic3A_632 = arith.constant 16 : i32
    %shift_right_arithmetic3A_633 = vector.broadcast %shift_right_arithmetic3A_632 : i32 to vector<128x2048xi32>
    %shift_right_arithmetic3A_634 = arith.shrsi %bitcast_convert_type3A_628, %shift_right_arithmetic3A_633 : vector<128x2048xi32>
    %and3A_635 = arith.constant 1 : i32
    %and3A_636 = vector.broadcast %and3A_635 : i32 to vector<128x2048xi32>
    %and3A_637 = arith.andi %shift_right_arithmetic3A_634, %and3A_636 : vector<128x2048xi32>
    %add3A_638 = arith.addi %add3A_631, %and3A_637 : vector<128x2048xi32>
    %and3A_639 = arith.constant -65536 : i32
    %and3A_640 = vector.broadcast %and3A_639 : i32 to vector<128x2048xi32>
    %and3A_641 = arith.andi %add3A_638, %and3A_640 : vector<128x2048xi32>
    %bitcast_convert_type3A_642 = tpu.bitcast %and3A_641 : vector<128x2048xi32> -> vector<128x2048xf32>
    %slice3A_643 = vector.extract_strided_slice %bitcast_convert_type3A_33 {offsets = [0, 13], sizes = [128, 1], strides = [1, 1]} : vector<128x32xf32> to vector<128x1xf32>
    %mul3A_644 = vector.broadcast %slice3A_643 : vector<128x1xf32> to vector<128x2048xf32>
    %mul3A_645 = arith.mulf %bitcast_convert_type3A_642, %mul3A_644 : vector<128x2048xf32>
    %add3A_646 = arith.addf %add3A_602, %mul3A_645 : vector<128x2048xf32>
    %slice3A_647 = vector.extract_strided_slice %get3A_1 {offsets = [0, 1792], sizes = [128, 128], strides = [1, 1]} : vector<128x4096xf32> to vector<128x128xf32>
    %bitcast_convert_type3A_648 = tpu.bitcast %slice3A_647 : vector<128x128xf32> -> vector<128x128xi32>
    %add3A_649 = arith.constant 32767 : i32
    %add3A_650 = vector.broadcast %add3A_649 : i32 to vector<128x128xi32>
    %add3A_651 = arith.addi %bitcast_convert_type3A_648, %add3A_650 : vector<128x128xi32>
    %shift_right_arithmetic3A_652 = arith.constant 16 : i32
    %shift_right_arithmetic3A_653 = vector.broadcast %shift_right_arithmetic3A_652 : i32 to vector<128x128xi32>
    %shift_right_arithmetic3A_654 = arith.shrsi %bitcast_convert_type3A_648, %shift_right_arithmetic3A_653 : vector<128x128xi32>
    %and3A_655 = arith.constant 1 : i32
    %and3A_656 = vector.broadcast %and3A_655 : i32 to vector<128x128xi32>
    %and3A_657 = arith.andi %shift_right_arithmetic3A_654, %and3A_656 : vector<128x128xi32>
    %add3A_658 = arith.addi %add3A_651, %and3A_657 : vector<128x128xi32>
    %and3A_659 = arith.constant -65536 : i32
    %and3A_660 = vector.broadcast %and3A_659 : i32 to vector<128x128xi32>
    %and3A_661 = arith.andi %add3A_658, %and3A_660 : vector<128x128xi32>
    %bitcast_convert_type3A_662 = tpu.bitcast %and3A_661 : vector<128x128xi32> -> vector<128x128xf32>
    %convert_element_type3A_663 = arith.truncf %bitcast_convert_type3A_662 : vector<128x128xf32> to vector<128x128xbf16>
    %dot_general3A_664 = arith.constant dense<0.000000e+00> : vector<128x2048xf32>
    %dot_general3A_665 = tpu.matmul %convert_element_type3A_663, %convert_element_type3A, %dot_general3A_664 {dimension_numbers = #tpu.dot_dimension_numbers<[1], [1], [0], [0], [0, 0, 1, 0], [], []>, transpose_lhs_hint = false} : vector<128x128xbf16>, vector<2048x128xbf16>, vector<128x2048xf32> -> vector<128x2048xf32>
    %mul3A_666 = arith.constant 0.0883883461 : f32
    %mul3A_667 = vector.broadcast %mul3A_666 : f32 to vector<128x2048xf32>
    %mul3A_668 = arith.mulf %dot_general3A_665, %mul3A_667 : vector<128x2048xf32>
    %max3A_669 = arith.constant 0.000000e+00 : f32
    %max3A_670 = vector.broadcast %max3A_669 : f32 to vector<128x2048xf32>
    %max3A_671 = arith.maximumf %mul3A_668, %max3A_670 : vector<128x2048xf32>
    %bitcast_convert_type3A_672 = tpu.bitcast %max3A_671 : vector<128x2048xf32> -> vector<128x2048xi32>
    %add3A_673 = arith.constant 32767 : i32
    %add3A_674 = vector.broadcast %add3A_673 : i32 to vector<128x2048xi32>
    %add3A_675 = arith.addi %bitcast_convert_type3A_672, %add3A_674 : vector<128x2048xi32>
    %shift_right_arithmetic3A_676 = arith.constant 16 : i32
    %shift_right_arithmetic3A_677 = vector.broadcast %shift_right_arithmetic3A_676 : i32 to vector<128x2048xi32>
    %shift_right_arithmetic3A_678 = arith.shrsi %bitcast_convert_type3A_672, %shift_right_arithmetic3A_677 : vector<128x2048xi32>
    %and3A_679 = arith.constant 1 : i32
    %and3A_680 = vector.broadcast %and3A_679 : i32 to vector<128x2048xi32>
    %and3A_681 = arith.andi %shift_right_arithmetic3A_678, %and3A_680 : vector<128x2048xi32>
    %add3A_682 = arith.addi %add3A_675, %and3A_681 : vector<128x2048xi32>
    %and3A_683 = arith.constant -65536 : i32
    %and3A_684 = vector.broadcast %and3A_683 : i32 to vector<128x2048xi32>
    %and3A_685 = arith.andi %add3A_682, %and3A_684 : vector<128x2048xi32>
    %bitcast_convert_type3A_686 = tpu.bitcast %and3A_685 : vector<128x2048xi32> -> vector<128x2048xf32>
    %slice3A_687 = vector.extract_strided_slice %bitcast_convert_type3A_33 {offsets = [0, 14], sizes = [128, 1], strides = [1, 1]} : vector<128x32xf32> to vector<128x1xf32>
    %mul3A_688 = vector.broadcast %slice3A_687 : vector<128x1xf32> to vector<128x2048xf32>
    %mul3A_689 = arith.mulf %bitcast_convert_type3A_686, %mul3A_688 : vector<128x2048xf32>
    %add3A_690 = arith.addf %add3A_646, %mul3A_689 : vector<128x2048xf32>
    %slice3A_691 = vector.extract_strided_slice %get3A_1 {offsets = [0, 1920], sizes = [128, 128], strides = [1, 1]} : vector<128x4096xf32> to vector<128x128xf32>
    %bitcast_convert_type3A_692 = tpu.bitcast %slice3A_691 : vector<128x128xf32> -> vector<128x128xi32>
    %add3A_693 = arith.constant 32767 : i32
    %add3A_694 = vector.broadcast %add3A_693 : i32 to vector<128x128xi32>
    %add3A_695 = arith.addi %bitcast_convert_type3A_692, %add3A_694 : vector<128x128xi32>
    %shift_right_arithmetic3A_696 = arith.constant 16 : i32
    %shift_right_arithmetic3A_697 = vector.broadcast %shift_right_arithmetic3A_696 : i32 to vector<128x128xi32>
    %shift_right_arithmetic3A_698 = arith.shrsi %bitcast_convert_type3A_692, %shift_right_arithmetic3A_697 : vector<128x128xi32>
    %and3A_699 = arith.constant 1 : i32
    %and3A_700 = vector.broadcast %and3A_699 : i32 to vector<128x128xi32>
    %and3A_701 = arith.andi %shift_right_arithmetic3A_698, %and3A_700 : vector<128x128xi32>
    %add3A_702 = arith.addi %add3A_695, %and3A_701 : vector<128x128xi32>
    %and3A_703 = arith.constant -65536 : i32
    %and3A_704 = vector.broadcast %and3A_703 : i32 to vector<128x128xi32>
    %and3A_705 = arith.andi %add3A_702, %and3A_704 : vector<128x128xi32>
    %bitcast_convert_type3A_706 = tpu.bitcast %and3A_705 : vector<128x128xi32> -> vector<128x128xf32>
    %convert_element_type3A_707 = arith.truncf %bitcast_convert_type3A_706 : vector<128x128xf32> to vector<128x128xbf16>
    %dot_general3A_708 = arith.constant dense<0.000000e+00> : vector<128x2048xf32>
    %dot_general3A_709 = tpu.matmul %convert_element_type3A_707, %convert_element_type3A, %dot_general3A_708 {dimension_numbers = #tpu.dot_dimension_numbers<[1], [1], [0], [0], [0, 0, 1, 0], [], []>, transpose_lhs_hint = false} : vector<128x128xbf16>, vector<2048x128xbf16>, vector<128x2048xf32> -> vector<128x2048xf32>
    %mul3A_710 = arith.constant 0.0883883461 : f32
    %mul3A_711 = vector.broadcast %mul3A_710 : f32 to vector<128x2048xf32>
    %mul3A_712 = arith.mulf %dot_general3A_709, %mul3A_711 : vector<128x2048xf32>
    %max3A_713 = arith.constant 0.000000e+00 : f32
    %max3A_714 = vector.broadcast %max3A_713 : f32 to vector<128x2048xf32>
    %max3A_715 = arith.maximumf %mul3A_712, %max3A_714 : vector<128x2048xf32>
    %bitcast_convert_type3A_716 = tpu.bitcast %max3A_715 : vector<128x2048xf32> -> vector<128x2048xi32>
    %add3A_717 = arith.constant 32767 : i32
    %add3A_718 = vector.broadcast %add3A_717 : i32 to vector<128x2048xi32>
    %add3A_719 = arith.addi %bitcast_convert_type3A_716, %add3A_718 : vector<128x2048xi32>
    %shift_right_arithmetic3A_720 = arith.constant 16 : i32
    %shift_right_arithmetic3A_721 = vector.broadcast %shift_right_arithmetic3A_720 : i32 to vector<128x2048xi32>
    %shift_right_arithmetic3A_722 = arith.shrsi %bitcast_convert_type3A_716, %shift_right_arithmetic3A_721 : vector<128x2048xi32>
    %and3A_723 = arith.constant 1 : i32
    %and3A_724 = vector.broadcast %and3A_723 : i32 to vector<128x2048xi32>
    %and3A_725 = arith.andi %shift_right_arithmetic3A_722, %and3A_724 : vector<128x2048xi32>
    %add3A_726 = arith.addi %add3A_719, %and3A_725 : vector<128x2048xi32>
    %and3A_727 = arith.constant -65536 : i32
    %and3A_728 = vector.broadcast %and3A_727 : i32 to vector<128x2048xi32>
    %and3A_729 = arith.andi %add3A_726, %and3A_728 : vector<128x2048xi32>
    %bitcast_convert_type3A_730 = tpu.bitcast %and3A_729 : vector<128x2048xi32> -> vector<128x2048xf32>
    %slice3A_731 = vector.extract_strided_slice %bitcast_convert_type3A_33 {offsets = [0, 15], sizes = [128, 1], strides = [1, 1]} : vector<128x32xf32> to vector<128x1xf32>
    %mul3A_732 = vector.broadcast %slice3A_731 : vector<128x1xf32> to vector<128x2048xf32>
    %mul3A_733 = arith.mulf %bitcast_convert_type3A_730, %mul3A_732 : vector<128x2048xf32>
    %add3A_734 = arith.addf %add3A_690, %mul3A_733 : vector<128x2048xf32>
    %slice3A_735 = vector.extract_strided_slice %get3A_1 {offsets = [0, 2048], sizes = [128, 128], strides = [1, 1]} : vector<128x4096xf32> to vector<128x128xf32>
    %bitcast_convert_type3A_736 = tpu.bitcast %slice3A_735 : vector<128x128xf32> -> vector<128x128xi32>
    %add3A_737 = arith.constant 32767 : i32
    %add3A_738 = vector.broadcast %add3A_737 : i32 to vector<128x128xi32>
    %add3A_739 = arith.addi %bitcast_convert_type3A_736, %add3A_738 : vector<128x128xi32>
    %shift_right_arithmetic3A_740 = arith.constant 16 : i32
    %shift_right_arithmetic3A_741 = vector.broadcast %shift_right_arithmetic3A_740 : i32 to vector<128x128xi32>
    %shift_right_arithmetic3A_742 = arith.shrsi %bitcast_convert_type3A_736, %shift_right_arithmetic3A_741 : vector<128x128xi32>
    %and3A_743 = arith.constant 1 : i32
    %and3A_744 = vector.broadcast %and3A_743 : i32 to vector<128x128xi32>
    %and3A_745 = arith.andi %shift_right_arithmetic3A_742, %and3A_744 : vector<128x128xi32>
    %add3A_746 = arith.addi %add3A_739, %and3A_745 : vector<128x128xi32>
    %and3A_747 = arith.constant -65536 : i32
    %and3A_748 = vector.broadcast %and3A_747 : i32 to vector<128x128xi32>
    %and3A_749 = arith.andi %add3A_746, %and3A_748 : vector<128x128xi32>
    %bitcast_convert_type3A_750 = tpu.bitcast %and3A_749 : vector<128x128xi32> -> vector<128x128xf32>
    %convert_element_type3A_751 = arith.truncf %bitcast_convert_type3A_750 : vector<128x128xf32> to vector<128x128xbf16>
    %dot_general3A_752 = arith.constant dense<0.000000e+00> : vector<128x2048xf32>
    %dot_general3A_753 = tpu.matmul %convert_element_type3A_751, %convert_element_type3A, %dot_general3A_752 {dimension_numbers = #tpu.dot_dimension_numbers<[1], [1], [0], [0], [0, 0, 1, 0], [], []>, transpose_lhs_hint = false} : vector<128x128xbf16>, vector<2048x128xbf16>, vector<128x2048xf32> -> vector<128x2048xf32>
    %mul3A_754 = arith.constant 0.0883883461 : f32
    %mul3A_755 = vector.broadcast %mul3A_754 : f32 to vector<128x2048xf32>
    %mul3A_756 = arith.mulf %dot_general3A_753, %mul3A_755 : vector<128x2048xf32>
    %max3A_757 = arith.constant 0.000000e+00 : f32
    %max3A_758 = vector.broadcast %max3A_757 : f32 to vector<128x2048xf32>
    %max3A_759 = arith.maximumf %mul3A_756, %max3A_758 : vector<128x2048xf32>
    %bitcast_convert_type3A_760 = tpu.bitcast %max3A_759 : vector<128x2048xf32> -> vector<128x2048xi32>
    %add3A_761 = arith.constant 32767 : i32
    %add3A_762 = vector.broadcast %add3A_761 : i32 to vector<128x2048xi32>
    %add3A_763 = arith.addi %bitcast_convert_type3A_760, %add3A_762 : vector<128x2048xi32>
    %shift_right_arithmetic3A_764 = arith.constant 16 : i32
    %shift_right_arithmetic3A_765 = vector.broadcast %shift_right_arithmetic3A_764 : i32 to vector<128x2048xi32>
    %shift_right_arithmetic3A_766 = arith.shrsi %bitcast_convert_type3A_760, %shift_right_arithmetic3A_765 : vector<128x2048xi32>
    %and3A_767 = arith.constant 1 : i32
    %and3A_768 = vector.broadcast %and3A_767 : i32 to vector<128x2048xi32>
    %and3A_769 = arith.andi %shift_right_arithmetic3A_766, %and3A_768 : vector<128x2048xi32>
    %add3A_770 = arith.addi %add3A_763, %and3A_769 : vector<128x2048xi32>
    %and3A_771 = arith.constant -65536 : i32
    %and3A_772 = vector.broadcast %and3A_771 : i32 to vector<128x2048xi32>
    %and3A_773 = arith.andi %add3A_770, %and3A_772 : vector<128x2048xi32>
    %bitcast_convert_type3A_774 = tpu.bitcast %and3A_773 : vector<128x2048xi32> -> vector<128x2048xf32>
    %slice3A_775 = vector.extract_strided_slice %bitcast_convert_type3A_33 {offsets = [0, 16], sizes = [128, 1], strides = [1, 1]} : vector<128x32xf32> to vector<128x1xf32>
    %mul3A_776 = vector.broadcast %slice3A_775 : vector<128x1xf32> to vector<128x2048xf32>
    %mul3A_777 = arith.mulf %bitcast_convert_type3A_774, %mul3A_776 : vector<128x2048xf32>
    %add3A_778 = arith.addf %add3A_734, %mul3A_777 : vector<128x2048xf32>
    %slice3A_779 = vector.extract_strided_slice %get3A_1 {offsets = [0, 2176], sizes = [128, 128], strides = [1, 1]} : vector<128x4096xf32> to vector<128x128xf32>
    %bitcast_convert_type3A_780 = tpu.bitcast %slice3A_779 : vector<128x128xf32> -> vector<128x128xi32>
    %add3A_781 = arith.constant 32767 : i32
    %add3A_782 = vector.broadcast %add3A_781 : i32 to vector<128x128xi32>
    %add3A_783 = arith.addi %bitcast_convert_type3A_780, %add3A_782 : vector<128x128xi32>
    %shift_right_arithmetic3A_784 = arith.constant 16 : i32
    %shift_right_arithmetic3A_785 = vector.broadcast %shift_right_arithmetic3A_784 : i32 to vector<128x128xi32>
    %shift_right_arithmetic3A_786 = arith.shrsi %bitcast_convert_type3A_780, %shift_right_arithmetic3A_785 : vector<128x128xi32>
    %and3A_787 = arith.constant 1 : i32
    %and3A_788 = vector.broadcast %and3A_787 : i32 to vector<128x128xi32>
    %and3A_789 = arith.andi %shift_right_arithmetic3A_786, %and3A_788 : vector<128x128xi32>
    %add3A_790 = arith.addi %add3A_783, %and3A_789 : vector<128x128xi32>
    %and3A_791 = arith.constant -65536 : i32
    %and3A_792 = vector.broadcast %and3A_791 : i32 to vector<128x128xi32>
    %and3A_793 = arith.andi %add3A_790, %and3A_792 : vector<128x128xi32>
    %bitcast_convert_type3A_794 = tpu.bitcast %and3A_793 : vector<128x128xi32> -> vector<128x128xf32>
    %convert_element_type3A_795 = arith.truncf %bitcast_convert_type3A_794 : vector<128x128xf32> to vector<128x128xbf16>
    %dot_general3A_796 = arith.constant dense<0.000000e+00> : vector<128x2048xf32>
    %dot_general3A_797 = tpu.matmul %convert_element_type3A_795, %convert_element_type3A, %dot_general3A_796 {dimension_numbers = #tpu.dot_dimension_numbers<[1], [1], [0], [0], [0, 0, 1, 0], [], []>, transpose_lhs_hint = false} : vector<128x128xbf16>, vector<2048x128xbf16>, vector<128x2048xf32> -> vector<128x2048xf32>
    %mul3A_798 = arith.constant 0.0883883461 : f32
    %mul3A_799 = vector.broadcast %mul3A_798 : f32 to vector<128x2048xf32>
    %mul3A_800 = arith.mulf %dot_general3A_797, %mul3A_799 : vector<128x2048xf32>
    %max3A_801 = arith.constant 0.000000e+00 : f32
    %max3A_802 = vector.broadcast %max3A_801 : f32 to vector<128x2048xf32>
    %max3A_803 = arith.maximumf %mul3A_800, %max3A_802 : vector<128x2048xf32>
    %bitcast_convert_type3A_804 = tpu.bitcast %max3A_803 : vector<128x2048xf32> -> vector<128x2048xi32>
    %add3A_805 = arith.constant 32767 : i32
    %add3A_806 = vector.broadcast %add3A_805 : i32 to vector<128x2048xi32>
    %add3A_807 = arith.addi %bitcast_convert_type3A_804, %add3A_806 : vector<128x2048xi32>
    %shift_right_arithmetic3A_808 = arith.constant 16 : i32
    %shift_right_arithmetic3A_809 = vector.broadcast %shift_right_arithmetic3A_808 : i32 to vector<128x2048xi32>
    %shift_right_arithmetic3A_810 = arith.shrsi %bitcast_convert_type3A_804, %shift_right_arithmetic3A_809 : vector<128x2048xi32>
    %and3A_811 = arith.constant 1 : i32
    %and3A_812 = vector.broadcast %and3A_811 : i32 to vector<128x2048xi32>
    %and3A_813 = arith.andi %shift_right_arithmetic3A_810, %and3A_812 : vector<128x2048xi32>
    %add3A_814 = arith.addi %add3A_807, %and3A_813 : vector<128x2048xi32>
    %and3A_815 = arith.constant -65536 : i32
    %and3A_816 = vector.broadcast %and3A_815 : i32 to vector<128x2048xi32>
    %and3A_817 = arith.andi %add3A_814, %and3A_816 : vector<128x2048xi32>
    %bitcast_convert_type3A_818 = tpu.bitcast %and3A_817 : vector<128x2048xi32> -> vector<128x2048xf32>
    %slice3A_819 = vector.extract_strided_slice %bitcast_convert_type3A_33 {offsets = [0, 17], sizes = [128, 1], strides = [1, 1]} : vector<128x32xf32> to vector<128x1xf32>
    %mul3A_820 = vector.broadcast %slice3A_819 : vector<128x1xf32> to vector<128x2048xf32>
    %mul3A_821 = arith.mulf %bitcast_convert_type3A_818, %mul3A_820 : vector<128x2048xf32>
    %add3A_822 = arith.addf %add3A_778, %mul3A_821 : vector<128x2048xf32>
    %slice3A_823 = vector.extract_strided_slice %get3A_1 {offsets = [0, 2304], sizes = [128, 128], strides = [1, 1]} : vector<128x4096xf32> to vector<128x128xf32>
    %bitcast_convert_type3A_824 = tpu.bitcast %slice3A_823 : vector<128x128xf32> -> vector<128x128xi32>
    %add3A_825 = arith.constant 32767 : i32
    %add3A_826 = vector.broadcast %add3A_825 : i32 to vector<128x128xi32>
    %add3A_827 = arith.addi %bitcast_convert_type3A_824, %add3A_826 : vector<128x128xi32>
    %shift_right_arithmetic3A_828 = arith.constant 16 : i32
    %shift_right_arithmetic3A_829 = vector.broadcast %shift_right_arithmetic3A_828 : i32 to vector<128x128xi32>
    %shift_right_arithmetic3A_830 = arith.shrsi %bitcast_convert_type3A_824, %shift_right_arithmetic3A_829 : vector<128x128xi32>
    %and3A_831 = arith.constant 1 : i32
    %and3A_832 = vector.broadcast %and3A_831 : i32 to vector<128x128xi32>
    %and3A_833 = arith.andi %shift_right_arithmetic3A_830, %and3A_832 : vector<128x128xi32>
    %add3A_834 = arith.addi %add3A_827, %and3A_833 : vector<128x128xi32>
    %and3A_835 = arith.constant -65536 : i32
    %and3A_836 = vector.broadcast %and3A_835 : i32 to vector<128x128xi32>
    %and3A_837 = arith.andi %add3A_834, %and3A_836 : vector<128x128xi32>
    %bitcast_convert_type3A_838 = tpu.bitcast %and3A_837 : vector<128x128xi32> -> vector<128x128xf32>
    %convert_element_type3A_839 = arith.truncf %bitcast_convert_type3A_838 : vector<128x128xf32> to vector<128x128xbf16>
    %dot_general3A_840 = arith.constant dense<0.000000e+00> : vector<128x2048xf32>
    %dot_general3A_841 = tpu.matmul %convert_element_type3A_839, %convert_element_type3A, %dot_general3A_840 {dimension_numbers = #tpu.dot_dimension_numbers<[1], [1], [0], [0], [0, 0, 1, 0], [], []>, transpose_lhs_hint = false} : vector<128x128xbf16>, vector<2048x128xbf16>, vector<128x2048xf32> -> vector<128x2048xf32>
    %mul3A_842 = arith.constant 0.0883883461 : f32
    %mul3A_843 = vector.broadcast %mul3A_842 : f32 to vector<128x2048xf32>
    %mul3A_844 = arith.mulf %dot_general3A_841, %mul3A_843 : vector<128x2048xf32>
    %max3A_845 = arith.constant 0.000000e+00 : f32
    %max3A_846 = vector.broadcast %max3A_845 : f32 to vector<128x2048xf32>
    %max3A_847 = arith.maximumf %mul3A_844, %max3A_846 : vector<128x2048xf32>
    %bitcast_convert_type3A_848 = tpu.bitcast %max3A_847 : vector<128x2048xf32> -> vector<128x2048xi32>
    %add3A_849 = arith.constant 32767 : i32
    %add3A_850 = vector.broadcast %add3A_849 : i32 to vector<128x2048xi32>
    %add3A_851 = arith.addi %bitcast_convert_type3A_848, %add3A_850 : vector<128x2048xi32>
    %shift_right_arithmetic3A_852 = arith.constant 16 : i32
    %shift_right_arithmetic3A_853 = vector.broadcast %shift_right_arithmetic3A_852 : i32 to vector<128x2048xi32>
    %shift_right_arithmetic3A_854 = arith.shrsi %bitcast_convert_type3A_848, %shift_right_arithmetic3A_853 : vector<128x2048xi32>
    %and3A_855 = arith.constant 1 : i32
    %and3A_856 = vector.broadcast %and3A_855 : i32 to vector<128x2048xi32>
    %and3A_857 = arith.andi %shift_right_arithmetic3A_854, %and3A_856 : vector<128x2048xi32>
    %add3A_858 = arith.addi %add3A_851, %and3A_857 : vector<128x2048xi32>
    %and3A_859 = arith.constant -65536 : i32
    %and3A_860 = vector.broadcast %and3A_859 : i32 to vector<128x2048xi32>
    %and3A_861 = arith.andi %add3A_858, %and3A_860 : vector<128x2048xi32>
    %bitcast_convert_type3A_862 = tpu.bitcast %and3A_861 : vector<128x2048xi32> -> vector<128x2048xf32>
    %slice3A_863 = vector.extract_strided_slice %bitcast_convert_type3A_33 {offsets = [0, 18], sizes = [128, 1], strides = [1, 1]} : vector<128x32xf32> to vector<128x1xf32>
    %mul3A_864 = vector.broadcast %slice3A_863 : vector<128x1xf32> to vector<128x2048xf32>
    %mul3A_865 = arith.mulf %bitcast_convert_type3A_862, %mul3A_864 : vector<128x2048xf32>
    %add3A_866 = arith.addf %add3A_822, %mul3A_865 : vector<128x2048xf32>
    %slice3A_867 = vector.extract_strided_slice %get3A_1 {offsets = [0, 2432], sizes = [128, 128], strides = [1, 1]} : vector<128x4096xf32> to vector<128x128xf32>
    %bitcast_convert_type3A_868 = tpu.bitcast %slice3A_867 : vector<128x128xf32> -> vector<128x128xi32>
    %add3A_869 = arith.constant 32767 : i32
    %add3A_870 = vector.broadcast %add3A_869 : i32 to vector<128x128xi32>
    %add3A_871 = arith.addi %bitcast_convert_type3A_868, %add3A_870 : vector<128x128xi32>
    %shift_right_arithmetic3A_872 = arith.constant 16 : i32
    %shift_right_arithmetic3A_873 = vector.broadcast %shift_right_arithmetic3A_872 : i32 to vector<128x128xi32>
    %shift_right_arithmetic3A_874 = arith.shrsi %bitcast_convert_type3A_868, %shift_right_arithmetic3A_873 : vector<128x128xi32>
    %and3A_875 = arith.constant 1 : i32
    %and3A_876 = vector.broadcast %and3A_875 : i32 to vector<128x128xi32>
    %and3A_877 = arith.andi %shift_right_arithmetic3A_874, %and3A_876 : vector<128x128xi32>
    %add3A_878 = arith.addi %add3A_871, %and3A_877 : vector<128x128xi32>
    %and3A_879 = arith.constant -65536 : i32
    %and3A_880 = vector.broadcast %and3A_879 : i32 to vector<128x128xi32>
    %and3A_881 = arith.andi %add3A_878, %and3A_880 : vector<128x128xi32>
    %bitcast_convert_type3A_882 = tpu.bitcast %and3A_881 : vector<128x128xi32> -> vector<128x128xf32>
    %convert_element_type3A_883 = arith.truncf %bitcast_convert_type3A_882 : vector<128x128xf32> to vector<128x128xbf16>
    %dot_general3A_884 = arith.constant dense<0.000000e+00> : vector<128x2048xf32>
    %dot_general3A_885 = tpu.matmul %convert_element_type3A_883, %convert_element_type3A, %dot_general3A_884 {dimension_numbers = #tpu.dot_dimension_numbers<[1], [1], [0], [0], [0, 0, 1, 0], [], []>, transpose_lhs_hint = false} : vector<128x128xbf16>, vector<2048x128xbf16>, vector<128x2048xf32> -> vector<128x2048xf32>
    %mul3A_886 = arith.constant 0.0883883461 : f32
    %mul3A_887 = vector.broadcast %mul3A_886 : f32 to vector<128x2048xf32>
    %mul3A_888 = arith.mulf %dot_general3A_885, %mul3A_887 : vector<128x2048xf32>
    %max3A_889 = arith.constant 0.000000e+00 : f32
    %max3A_890 = vector.broadcast %max3A_889 : f32 to vector<128x2048xf32>
    %max3A_891 = arith.maximumf %mul3A_888, %max3A_890 : vector<128x2048xf32>
    %bitcast_convert_type3A_892 = tpu.bitcast %max3A_891 : vector<128x2048xf32> -> vector<128x2048xi32>
    %add3A_893 = arith.constant 32767 : i32
    %add3A_894 = vector.broadcast %add3A_893 : i32 to vector<128x2048xi32>
    %add3A_895 = arith.addi %bitcast_convert_type3A_892, %add3A_894 : vector<128x2048xi32>
    %shift_right_arithmetic3A_896 = arith.constant 16 : i32
    %shift_right_arithmetic3A_897 = vector.broadcast %shift_right_arithmetic3A_896 : i32 to vector<128x2048xi32>
    %shift_right_arithmetic3A_898 = arith.shrsi %bitcast_convert_type3A_892, %shift_right_arithmetic3A_897 : vector<128x2048xi32>
    %and3A_899 = arith.constant 1 : i32
    %and3A_900 = vector.broadcast %and3A_899 : i32 to vector<128x2048xi32>
    %and3A_901 = arith.andi %shift_right_arithmetic3A_898, %and3A_900 : vector<128x2048xi32>
    %add3A_902 = arith.addi %add3A_895, %and3A_901 : vector<128x2048xi32>
    %and3A_903 = arith.constant -65536 : i32
    %and3A_904 = vector.broadcast %and3A_903 : i32 to vector<128x2048xi32>
    %and3A_905 = arith.andi %add3A_902, %and3A_904 : vector<128x2048xi32>
    %bitcast_convert_type3A_906 = tpu.bitcast %and3A_905 : vector<128x2048xi32> -> vector<128x2048xf32>
    %slice3A_907 = vector.extract_strided_slice %bitcast_convert_type3A_33 {offsets = [0, 19], sizes = [128, 1], strides = [1, 1]} : vector<128x32xf32> to vector<128x1xf32>
    %mul3A_908 = vector.broadcast %slice3A_907 : vector<128x1xf32> to vector<128x2048xf32>
    %mul3A_909 = arith.mulf %bitcast_convert_type3A_906, %mul3A_908 : vector<128x2048xf32>
    %add3A_910 = arith.addf %add3A_866, %mul3A_909 : vector<128x2048xf32>
    %slice3A_911 = vector.extract_strided_slice %get3A_1 {offsets = [0, 2560], sizes = [128, 128], strides = [1, 1]} : vector<128x4096xf32> to vector<128x128xf32>
    %bitcast_convert_type3A_912 = tpu.bitcast %slice3A_911 : vector<128x128xf32> -> vector<128x128xi32>
    %add3A_913 = arith.constant 32767 : i32
    %add3A_914 = vector.broadcast %add3A_913 : i32 to vector<128x128xi32>
    %add3A_915 = arith.addi %bitcast_convert_type3A_912, %add3A_914 : vector<128x128xi32>
    %shift_right_arithmetic3A_916 = arith.constant 16 : i32
    %shift_right_arithmetic3A_917 = vector.broadcast %shift_right_arithmetic3A_916 : i32 to vector<128x128xi32>
    %shift_right_arithmetic3A_918 = arith.shrsi %bitcast_convert_type3A_912, %shift_right_arithmetic3A_917 : vector<128x128xi32>
    %and3A_919 = arith.constant 1 : i32
    %and3A_920 = vector.broadcast %and3A_919 : i32 to vector<128x128xi32>
    %and3A_921 = arith.andi %shift_right_arithmetic3A_918, %and3A_920 : vector<128x128xi32>
    %add3A_922 = arith.addi %add3A_915, %and3A_921 : vector<128x128xi32>
    %and3A_923 = arith.constant -65536 : i32
    %and3A_924 = vector.broadcast %and3A_923 : i32 to vector<128x128xi32>
    %and3A_925 = arith.andi %add3A_922, %and3A_924 : vector<128x128xi32>
    %bitcast_convert_type3A_926 = tpu.bitcast %and3A_925 : vector<128x128xi32> -> vector<128x128xf32>
    %convert_element_type3A_927 = arith.truncf %bitcast_convert_type3A_926 : vector<128x128xf32> to vector<128x128xbf16>
    %dot_general3A_928 = arith.constant dense<0.000000e+00> : vector<128x2048xf32>
    %dot_general3A_929 = tpu.matmul %convert_element_type3A_927, %convert_element_type3A, %dot_general3A_928 {dimension_numbers = #tpu.dot_dimension_numbers<[1], [1], [0], [0], [0, 0, 1, 0], [], []>, transpose_lhs_hint = false} : vector<128x128xbf16>, vector<2048x128xbf16>, vector<128x2048xf32> -> vector<128x2048xf32>
    %mul3A_930 = arith.constant 0.0883883461 : f32
    %mul3A_931 = vector.broadcast %mul3A_930 : f32 to vector<128x2048xf32>
    %mul3A_932 = arith.mulf %dot_general3A_929, %mul3A_931 : vector<128x2048xf32>
    %max3A_933 = arith.constant 0.000000e+00 : f32
    %max3A_934 = vector.broadcast %max3A_933 : f32 to vector<128x2048xf32>
    %max3A_935 = arith.maximumf %mul3A_932, %max3A_934 : vector<128x2048xf32>
    %bitcast_convert_type3A_936 = tpu.bitcast %max3A_935 : vector<128x2048xf32> -> vector<128x2048xi32>
    %add3A_937 = arith.constant 32767 : i32
    %add3A_938 = vector.broadcast %add3A_937 : i32 to vector<128x2048xi32>
    %add3A_939 = arith.addi %bitcast_convert_type3A_936, %add3A_938 : vector<128x2048xi32>
    %shift_right_arithmetic3A_940 = arith.constant 16 : i32
    %shift_right_arithmetic3A_941 = vector.broadcast %shift_right_arithmetic3A_940 : i32 to vector<128x2048xi32>
    %shift_right_arithmetic3A_942 = arith.shrsi %bitcast_convert_type3A_936, %shift_right_arithmetic3A_941 : vector<128x2048xi32>
    %and3A_943 = arith.constant 1 : i32
    %and3A_944 = vector.broadcast %and3A_943 : i32 to vector<128x2048xi32>
    %and3A_945 = arith.andi %shift_right_arithmetic3A_942, %and3A_944 : vector<128x2048xi32>
    %add3A_946 = arith.addi %add3A_939, %and3A_945 : vector<128x2048xi32>
    %and3A_947 = arith.constant -65536 : i32
    %and3A_948 = vector.broadcast %and3A_947 : i32 to vector<128x2048xi32>
    %and3A_949 = arith.andi %add3A_946, %and3A_948 : vector<128x2048xi32>
    %bitcast_convert_type3A_950 = tpu.bitcast %and3A_949 : vector<128x2048xi32> -> vector<128x2048xf32>
    %slice3A_951 = vector.extract_strided_slice %bitcast_convert_type3A_33 {offsets = [0, 20], sizes = [128, 1], strides = [1, 1]} : vector<128x32xf32> to vector<128x1xf32>
    %mul3A_952 = vector.broadcast %slice3A_951 : vector<128x1xf32> to vector<128x2048xf32>
    %mul3A_953 = arith.mulf %bitcast_convert_type3A_950, %mul3A_952 : vector<128x2048xf32>
    %add3A_954 = arith.addf %add3A_910, %mul3A_953 : vector<128x2048xf32>
    %slice3A_955 = vector.extract_strided_slice %get3A_1 {offsets = [0, 2688], sizes = [128, 128], strides = [1, 1]} : vector<128x4096xf32> to vector<128x128xf32>
    %bitcast_convert_type3A_956 = tpu.bitcast %slice3A_955 : vector<128x128xf32> -> vector<128x128xi32>
    %add3A_957 = arith.constant 32767 : i32
    %add3A_958 = vector.broadcast %add3A_957 : i32 to vector<128x128xi32>
    %add3A_959 = arith.addi %bitcast_convert_type3A_956, %add3A_958 : vector<128x128xi32>
    %shift_right_arithmetic3A_960 = arith.constant 16 : i32
    %shift_right_arithmetic3A_961 = vector.broadcast %shift_right_arithmetic3A_960 : i32 to vector<128x128xi32>
    %shift_right_arithmetic3A_962 = arith.shrsi %bitcast_convert_type3A_956, %shift_right_arithmetic3A_961 : vector<128x128xi32>
    %and3A_963 = arith.constant 1 : i32
    %and3A_964 = vector.broadcast %and3A_963 : i32 to vector<128x128xi32>
    %and3A_965 = arith.andi %shift_right_arithmetic3A_962, %and3A_964 : vector<128x128xi32>
    %add3A_966 = arith.addi %add3A_959, %and3A_965 : vector<128x128xi32>
    %and3A_967 = arith.constant -65536 : i32
    %and3A_968 = vector.broadcast %and3A_967 : i32 to vector<128x128xi32>
    %and3A_969 = arith.andi %add3A_966, %and3A_968 : vector<128x128xi32>
    %bitcast_convert_type3A_970 = tpu.bitcast %and3A_969 : vector<128x128xi32> -> vector<128x128xf32>
    %convert_element_type3A_971 = arith.truncf %bitcast_convert_type3A_970 : vector<128x128xf32> to vector<128x128xbf16>
    %dot_general3A_972 = arith.constant dense<0.000000e+00> : vector<128x2048xf32>
    %dot_general3A_973 = tpu.matmul %convert_element_type3A_971, %convert_element_type3A, %dot_general3A_972 {dimension_numbers = #tpu.dot_dimension_numbers<[1], [1], [0], [0], [0, 0, 1, 0], [], []>, transpose_lhs_hint = false} : vector<128x128xbf16>, vector<2048x128xbf16>, vector<128x2048xf32> -> vector<128x2048xf32>
    %mul3A_974 = arith.constant 0.0883883461 : f32
    %mul3A_975 = vector.broadcast %mul3A_974 : f32 to vector<128x2048xf32>
    %mul3A_976 = arith.mulf %dot_general3A_973, %mul3A_975 : vector<128x2048xf32>
    %max3A_977 = arith.constant 0.000000e+00 : f32
    %max3A_978 = vector.broadcast %max3A_977 : f32 to vector<128x2048xf32>
    %max3A_979 = arith.maximumf %mul3A_976, %max3A_978 : vector<128x2048xf32>
    %bitcast_convert_type3A_980 = tpu.bitcast %max3A_979 : vector<128x2048xf32> -> vector<128x2048xi32>
    %add3A_981 = arith.constant 32767 : i32
    %add3A_982 = vector.broadcast %add3A_981 : i32 to vector<128x2048xi32>
    %add3A_983 = arith.addi %bitcast_convert_type3A_980, %add3A_982 : vector<128x2048xi32>
    %shift_right_arithmetic3A_984 = arith.constant 16 : i32
    %shift_right_arithmetic3A_985 = vector.broadcast %shift_right_arithmetic3A_984 : i32 to vector<128x2048xi32>
    %shift_right_arithmetic3A_986 = arith.shrsi %bitcast_convert_type3A_980, %shift_right_arithmetic3A_985 : vector<128x2048xi32>
    %and3A_987 = arith.constant 1 : i32
    %and3A_988 = vector.broadcast %and3A_987 : i32 to vector<128x2048xi32>
    %and3A_989 = arith.andi %shift_right_arithmetic3A_986, %and3A_988 : vector<128x2048xi32>
    %add3A_990 = arith.addi %add3A_983, %and3A_989 : vector<128x2048xi32>
    %and3A_991 = arith.constant -65536 : i32
    %and3A_992 = vector.broadcast %and3A_991 : i32 to vector<128x2048xi32>
    %and3A_993 = arith.andi %add3A_990, %and3A_992 : vector<128x2048xi32>
    %bitcast_convert_type3A_994 = tpu.bitcast %and3A_993 : vector<128x2048xi32> -> vector<128x2048xf32>
    %slice3A_995 = vector.extract_strided_slice %bitcast_convert_type3A_33 {offsets = [0, 21], sizes = [128, 1], strides = [1, 1]} : vector<128x32xf32> to vector<128x1xf32>
    %mul3A_996 = vector.broadcast %slice3A_995 : vector<128x1xf32> to vector<128x2048xf32>
    %mul3A_997 = arith.mulf %bitcast_convert_type3A_994, %mul3A_996 : vector<128x2048xf32>
    %add3A_998 = arith.addf %add3A_954, %mul3A_997 : vector<128x2048xf32>
    %slice3A_999 = vector.extract_strided_slice %get3A_1 {offsets = [0, 2816], sizes = [128, 128], strides = [1, 1]} : vector<128x4096xf32> to vector<128x128xf32>
    %bitcast_convert_type3A_1000 = tpu.bitcast %slice3A_999 : vector<128x128xf32> -> vector<128x128xi32>
    %add3A_1001 = arith.constant 32767 : i32
    %add3A_1002 = vector.broadcast %add3A_1001 : i32 to vector<128x128xi32>
    %add3A_1003 = arith.addi %bitcast_convert_type3A_1000, %add3A_1002 : vector<128x128xi32>
    %shift_right_arithmetic3A_1004 = arith.constant 16 : i32
    %shift_right_arithmetic3A_1005 = vector.broadcast %shift_right_arithmetic3A_1004 : i32 to vector<128x128xi32>
    %shift_right_arithmetic3A_1006 = arith.shrsi %bitcast_convert_type3A_1000, %shift_right_arithmetic3A_1005 : vector<128x128xi32>
    %and3A_1007 = arith.constant 1 : i32
    %and3A_1008 = vector.broadcast %and3A_1007 : i32 to vector<128x128xi32>
    %and3A_1009 = arith.andi %shift_right_arithmetic3A_1006, %and3A_1008 : vector<128x128xi32>
    %add3A_1010 = arith.addi %add3A_1003, %and3A_1009 : vector<128x128xi32>
    %and3A_1011 = arith.constant -65536 : i32
    %and3A_1012 = vector.broadcast %and3A_1011 : i32 to vector<128x128xi32>
    %and3A_1013 = arith.andi %add3A_1010, %and3A_1012 : vector<128x128xi32>
    %bitcast_convert_type3A_1014 = tpu.bitcast %and3A_1013 : vector<128x128xi32> -> vector<128x128xf32>
    %convert_element_type3A_1015 = arith.truncf %bitcast_convert_type3A_1014 : vector<128x128xf32> to vector<128x128xbf16>
    %dot_general3A_1016 = arith.constant dense<0.000000e+00> : vector<128x2048xf32>
    %dot_general3A_1017 = tpu.matmul %convert_element_type3A_1015, %convert_element_type3A, %dot_general3A_1016 {dimension_numbers = #tpu.dot_dimension_numbers<[1], [1], [0], [0], [0, 0, 1, 0], [], []>, transpose_lhs_hint = false} : vector<128x128xbf16>, vector<2048x128xbf16>, vector<128x2048xf32> -> vector<128x2048xf32>
    %mul3A_1018 = arith.constant 0.0883883461 : f32
    %mul3A_1019 = vector.broadcast %mul3A_1018 : f32 to vector<128x2048xf32>
    %mul3A_1020 = arith.mulf %dot_general3A_1017, %mul3A_1019 : vector<128x2048xf32>
    %max3A_1021 = arith.constant 0.000000e+00 : f32
    %max3A_1022 = vector.broadcast %max3A_1021 : f32 to vector<128x2048xf32>
    %max3A_1023 = arith.maximumf %mul3A_1020, %max3A_1022 : vector<128x2048xf32>
    %bitcast_convert_type3A_1024 = tpu.bitcast %max3A_1023 : vector<128x2048xf32> -> vector<128x2048xi32>
    %add3A_1025 = arith.constant 32767 : i32
    %add3A_1026 = vector.broadcast %add3A_1025 : i32 to vector<128x2048xi32>
    %add3A_1027 = arith.addi %bitcast_convert_type3A_1024, %add3A_1026 : vector<128x2048xi32>
    %shift_right_arithmetic3A_1028 = arith.constant 16 : i32
    %shift_right_arithmetic3A_1029 = vector.broadcast %shift_right_arithmetic3A_1028 : i32 to vector<128x2048xi32>
    %shift_right_arithmetic3A_1030 = arith.shrsi %bitcast_convert_type3A_1024, %shift_right_arithmetic3A_1029 : vector<128x2048xi32>
    %and3A_1031 = arith.constant 1 : i32
    %and3A_1032 = vector.broadcast %and3A_1031 : i32 to vector<128x2048xi32>
    %and3A_1033 = arith.andi %shift_right_arithmetic3A_1030, %and3A_1032 : vector<128x2048xi32>
    %add3A_1034 = arith.addi %add3A_1027, %and3A_1033 : vector<128x2048xi32>
    %and3A_1035 = arith.constant -65536 : i32
    %and3A_1036 = vector.broadcast %and3A_1035 : i32 to vector<128x2048xi32>
    %and3A_1037 = arith.andi %add3A_1034, %and3A_1036 : vector<128x2048xi32>
    %bitcast_convert_type3A_1038 = tpu.bitcast %and3A_1037 : vector<128x2048xi32> -> vector<128x2048xf32>
    %slice3A_1039 = vector.extract_strided_slice %bitcast_convert_type3A_33 {offsets = [0, 22], sizes = [128, 1], strides = [1, 1]} : vector<128x32xf32> to vector<128x1xf32>
    %mul3A_1040 = vector.broadcast %slice3A_1039 : vector<128x1xf32> to vector<128x2048xf32>
    %mul3A_1041 = arith.mulf %bitcast_convert_type3A_1038, %mul3A_1040 : vector<128x2048xf32>
    %add3A_1042 = arith.addf %add3A_998, %mul3A_1041 : vector<128x2048xf32>
    %slice3A_1043 = vector.extract_strided_slice %get3A_1 {offsets = [0, 2944], sizes = [128, 128], strides = [1, 1]} : vector<128x4096xf32> to vector<128x128xf32>
    %bitcast_convert_type3A_1044 = tpu.bitcast %slice3A_1043 : vector<128x128xf32> -> vector<128x128xi32>
    %add3A_1045 = arith.constant 32767 : i32
    %add3A_1046 = vector.broadcast %add3A_1045 : i32 to vector<128x128xi32>
    %add3A_1047 = arith.addi %bitcast_convert_type3A_1044, %add3A_1046 : vector<128x128xi32>
    %shift_right_arithmetic3A_1048 = arith.constant 16 : i32
    %shift_right_arithmetic3A_1049 = vector.broadcast %shift_right_arithmetic3A_1048 : i32 to vector<128x128xi32>
    %shift_right_arithmetic3A_1050 = arith.shrsi %bitcast_convert_type3A_1044, %shift_right_arithmetic3A_1049 : vector<128x128xi32>
    %and3A_1051 = arith.constant 1 : i32
    %and3A_1052 = vector.broadcast %and3A_1051 : i32 to vector<128x128xi32>
    %and3A_1053 = arith.andi %shift_right_arithmetic3A_1050, %and3A_1052 : vector<128x128xi32>
    %add3A_1054 = arith.addi %add3A_1047, %and3A_1053 : vector<128x128xi32>
    %and3A_1055 = arith.constant -65536 : i32
    %and3A_1056 = vector.broadcast %and3A_1055 : i32 to vector<128x128xi32>
    %and3A_1057 = arith.andi %add3A_1054, %and3A_1056 : vector<128x128xi32>
    %bitcast_convert_type3A_1058 = tpu.bitcast %and3A_1057 : vector<128x128xi32> -> vector<128x128xf32>
    %convert_element_type3A_1059 = arith.truncf %bitcast_convert_type3A_1058 : vector<128x128xf32> to vector<128x128xbf16>
    %dot_general3A_1060 = arith.constant dense<0.000000e+00> : vector<128x2048xf32>
    %dot_general3A_1061 = tpu.matmul %convert_element_type3A_1059, %convert_element_type3A, %dot_general3A_1060 {dimension_numbers = #tpu.dot_dimension_numbers<[1], [1], [0], [0], [0, 0, 1, 0], [], []>, transpose_lhs_hint = false} : vector<128x128xbf16>, vector<2048x128xbf16>, vector<128x2048xf32> -> vector<128x2048xf32>
    %mul3A_1062 = arith.constant 0.0883883461 : f32
    %mul3A_1063 = vector.broadcast %mul3A_1062 : f32 to vector<128x2048xf32>
    %mul3A_1064 = arith.mulf %dot_general3A_1061, %mul3A_1063 : vector<128x2048xf32>
    %max3A_1065 = arith.constant 0.000000e+00 : f32
    %max3A_1066 = vector.broadcast %max3A_1065 : f32 to vector<128x2048xf32>
    %max3A_1067 = arith.maximumf %mul3A_1064, %max3A_1066 : vector<128x2048xf32>
    %bitcast_convert_type3A_1068 = tpu.bitcast %max3A_1067 : vector<128x2048xf32> -> vector<128x2048xi32>
    %add3A_1069 = arith.constant 32767 : i32
    %add3A_1070 = vector.broadcast %add3A_1069 : i32 to vector<128x2048xi32>
    %add3A_1071 = arith.addi %bitcast_convert_type3A_1068, %add3A_1070 : vector<128x2048xi32>
    %shift_right_arithmetic3A_1072 = arith.constant 16 : i32
    %shift_right_arithmetic3A_1073 = vector.broadcast %shift_right_arithmetic3A_1072 : i32 to vector<128x2048xi32>
    %shift_right_arithmetic3A_1074 = arith.shrsi %bitcast_convert_type3A_1068, %shift_right_arithmetic3A_1073 : vector<128x2048xi32>
    %and3A_1075 = arith.constant 1 : i32
    %and3A_1076 = vector.broadcast %and3A_1075 : i32 to vector<128x2048xi32>
    %and3A_1077 = arith.andi %shift_right_arithmetic3A_1074, %and3A_1076 : vector<128x2048xi32>
    %add3A_1078 = arith.addi %add3A_1071, %and3A_1077 : vector<128x2048xi32>
    %and3A_1079 = arith.constant -65536 : i32
    %and3A_1080 = vector.broadcast %and3A_1079 : i32 to vector<128x2048xi32>
    %and3A_1081 = arith.andi %add3A_1078, %and3A_1080 : vector<128x2048xi32>
    %bitcast_convert_type3A_1082 = tpu.bitcast %and3A_1081 : vector<128x2048xi32> -> vector<128x2048xf32>
    %slice3A_1083 = vector.extract_strided_slice %bitcast_convert_type3A_33 {offsets = [0, 23], sizes = [128, 1], strides = [1, 1]} : vector<128x32xf32> to vector<128x1xf32>
    %mul3A_1084 = vector.broadcast %slice3A_1083 : vector<128x1xf32> to vector<128x2048xf32>
    %mul3A_1085 = arith.mulf %bitcast_convert_type3A_1082, %mul3A_1084 : vector<128x2048xf32>
    %add3A_1086 = arith.addf %add3A_1042, %mul3A_1085 : vector<128x2048xf32>
    %slice3A_1087 = vector.extract_strided_slice %get3A_1 {offsets = [0, 3072], sizes = [128, 128], strides = [1, 1]} : vector<128x4096xf32> to vector<128x128xf32>
    %bitcast_convert_type3A_1088 = tpu.bitcast %slice3A_1087 : vector<128x128xf32> -> vector<128x128xi32>
    %add3A_1089 = arith.constant 32767 : i32
    %add3A_1090 = vector.broadcast %add3A_1089 : i32 to vector<128x128xi32>
    %add3A_1091 = arith.addi %bitcast_convert_type3A_1088, %add3A_1090 : vector<128x128xi32>
    %shift_right_arithmetic3A_1092 = arith.constant 16 : i32
    %shift_right_arithmetic3A_1093 = vector.broadcast %shift_right_arithmetic3A_1092 : i32 to vector<128x128xi32>
    %shift_right_arithmetic3A_1094 = arith.shrsi %bitcast_convert_type3A_1088, %shift_right_arithmetic3A_1093 : vector<128x128xi32>
    %and3A_1095 = arith.constant 1 : i32
    %and3A_1096 = vector.broadcast %and3A_1095 : i32 to vector<128x128xi32>
    %and3A_1097 = arith.andi %shift_right_arithmetic3A_1094, %and3A_1096 : vector<128x128xi32>
    %add3A_1098 = arith.addi %add3A_1091, %and3A_1097 : vector<128x128xi32>
    %and3A_1099 = arith.constant -65536 : i32
    %and3A_1100 = vector.broadcast %and3A_1099 : i32 to vector<128x128xi32>
    %and3A_1101 = arith.andi %add3A_1098, %and3A_1100 : vector<128x128xi32>
    %bitcast_convert_type3A_1102 = tpu.bitcast %and3A_1101 : vector<128x128xi32> -> vector<128x128xf32>
    %convert_element_type3A_1103 = arith.truncf %bitcast_convert_type3A_1102 : vector<128x128xf32> to vector<128x128xbf16>
    %dot_general3A_1104 = arith.constant dense<0.000000e+00> : vector<128x2048xf32>
    %dot_general3A_1105 = tpu.matmul %convert_element_type3A_1103, %convert_element_type3A, %dot_general3A_1104 {dimension_numbers = #tpu.dot_dimension_numbers<[1], [1], [0], [0], [0, 0, 1, 0], [], []>, transpose_lhs_hint = false} : vector<128x128xbf16>, vector<2048x128xbf16>, vector<128x2048xf32> -> vector<128x2048xf32>
    %mul3A_1106 = arith.constant 0.0883883461 : f32
    %mul3A_1107 = vector.broadcast %mul3A_1106 : f32 to vector<128x2048xf32>
    %mul3A_1108 = arith.mulf %dot_general3A_1105, %mul3A_1107 : vector<128x2048xf32>
    %max3A_1109 = arith.constant 0.000000e+00 : f32
    %max3A_1110 = vector.broadcast %max3A_1109 : f32 to vector<128x2048xf32>
    %max3A_1111 = arith.maximumf %mul3A_1108, %max3A_1110 : vector<128x2048xf32>
    %bitcast_convert_type3A_1112 = tpu.bitcast %max3A_1111 : vector<128x2048xf32> -> vector<128x2048xi32>
    %add3A_1113 = arith.constant 32767 : i32
    %add3A_1114 = vector.broadcast %add3A_1113 : i32 to vector<128x2048xi32>
    %add3A_1115 = arith.addi %bitcast_convert_type3A_1112, %add3A_1114 : vector<128x2048xi32>
    %shift_right_arithmetic3A_1116 = arith.constant 16 : i32
    %shift_right_arithmetic3A_1117 = vector.broadcast %shift_right_arithmetic3A_1116 : i32 to vector<128x2048xi32>
    %shift_right_arithmetic3A_1118 = arith.shrsi %bitcast_convert_type3A_1112, %shift_right_arithmetic3A_1117 : vector<128x2048xi32>
    %and3A_1119 = arith.constant 1 : i32
    %and3A_1120 = vector.broadcast %and3A_1119 : i32 to vector<128x2048xi32>
    %and3A_1121 = arith.andi %shift_right_arithmetic3A_1118, %and3A_1120 : vector<128x2048xi32>
    %add3A_1122 = arith.addi %add3A_1115, %and3A_1121 : vector<128x2048xi32>
    %and3A_1123 = arith.constant -65536 : i32
    %and3A_1124 = vector.broadcast %and3A_1123 : i32 to vector<128x2048xi32>
    %and3A_1125 = arith.andi %add3A_1122, %and3A_1124 : vector<128x2048xi32>
    %bitcast_convert_type3A_1126 = tpu.bitcast %and3A_1125 : vector<128x2048xi32> -> vector<128x2048xf32>
    %slice3A_1127 = vector.extract_strided_slice %bitcast_convert_type3A_33 {offsets = [0, 24], sizes = [128, 1], strides = [1, 1]} : vector<128x32xf32> to vector<128x1xf32>
    %mul3A_1128 = vector.broadcast %slice3A_1127 : vector<128x1xf32> to vector<128x2048xf32>
    %mul3A_1129 = arith.mulf %bitcast_convert_type3A_1126, %mul3A_1128 : vector<128x2048xf32>
    %add3A_1130 = arith.addf %add3A_1086, %mul3A_1129 : vector<128x2048xf32>
    %slice3A_1131 = vector.extract_strided_slice %get3A_1 {offsets = [0, 3200], sizes = [128, 128], strides = [1, 1]} : vector<128x4096xf32> to vector<128x128xf32>
    %bitcast_convert_type3A_1132 = tpu.bitcast %slice3A_1131 : vector<128x128xf32> -> vector<128x128xi32>
    %add3A_1133 = arith.constant 32767 : i32
    %add3A_1134 = vector.broadcast %add3A_1133 : i32 to vector<128x128xi32>
    %add3A_1135 = arith.addi %bitcast_convert_type3A_1132, %add3A_1134 : vector<128x128xi32>
    %shift_right_arithmetic3A_1136 = arith.constant 16 : i32
    %shift_right_arithmetic3A_1137 = vector.broadcast %shift_right_arithmetic3A_1136 : i32 to vector<128x128xi32>
    %shift_right_arithmetic3A_1138 = arith.shrsi %bitcast_convert_type3A_1132, %shift_right_arithmetic3A_1137 : vector<128x128xi32>
    %and3A_1139 = arith.constant 1 : i32
    %and3A_1140 = vector.broadcast %and3A_1139 : i32 to vector<128x128xi32>
    %and3A_1141 = arith.andi %shift_right_arithmetic3A_1138, %and3A_1140 : vector<128x128xi32>
    %add3A_1142 = arith.addi %add3A_1135, %and3A_1141 : vector<128x128xi32>
    %and3A_1143 = arith.constant -65536 : i32
    %and3A_1144 = vector.broadcast %and3A_1143 : i32 to vector<128x128xi32>
    %and3A_1145 = arith.andi %add3A_1142, %and3A_1144 : vector<128x128xi32>
    %bitcast_convert_type3A_1146 = tpu.bitcast %and3A_1145 : vector<128x128xi32> -> vector<128x128xf32>
    %convert_element_type3A_1147 = arith.truncf %bitcast_convert_type3A_1146 : vector<128x128xf32> to vector<128x128xbf16>
    %dot_general3A_1148 = arith.constant dense<0.000000e+00> : vector<128x2048xf32>
    %dot_general3A_1149 = tpu.matmul %convert_element_type3A_1147, %convert_element_type3A, %dot_general3A_1148 {dimension_numbers = #tpu.dot_dimension_numbers<[1], [1], [0], [0], [0, 0, 1, 0], [], []>, transpose_lhs_hint = false} : vector<128x128xbf16>, vector<2048x128xbf16>, vector<128x2048xf32> -> vector<128x2048xf32>
    %mul3A_1150 = arith.constant 0.0883883461 : f32
    %mul3A_1151 = vector.broadcast %mul3A_1150 : f32 to vector<128x2048xf32>
    %mul3A_1152 = arith.mulf %dot_general3A_1149, %mul3A_1151 : vector<128x2048xf32>
    %max3A_1153 = arith.constant 0.000000e+00 : f32
    %max3A_1154 = vector.broadcast %max3A_1153 : f32 to vector<128x2048xf32>
    %max3A_1155 = arith.maximumf %mul3A_1152, %max3A_1154 : vector<128x2048xf32>
    %bitcast_convert_type3A_1156 = tpu.bitcast %max3A_1155 : vector<128x2048xf32> -> vector<128x2048xi32>
    %add3A_1157 = arith.constant 32767 : i32
    %add3A_1158 = vector.broadcast %add3A_1157 : i32 to vector<128x2048xi32>
    %add3A_1159 = arith.addi %bitcast_convert_type3A_1156, %add3A_1158 : vector<128x2048xi32>
    %shift_right_arithmetic3A_1160 = arith.constant 16 : i32
    %shift_right_arithmetic3A_1161 = vector.broadcast %shift_right_arithmetic3A_1160 : i32 to vector<128x2048xi32>
    %shift_right_arithmetic3A_1162 = arith.shrsi %bitcast_convert_type3A_1156, %shift_right_arithmetic3A_1161 : vector<128x2048xi32>
    %and3A_1163 = arith.constant 1 : i32
    %and3A_1164 = vector.broadcast %and3A_1163 : i32 to vector<128x2048xi32>
    %and3A_1165 = arith.andi %shift_right_arithmetic3A_1162, %and3A_1164 : vector<128x2048xi32>
    %add3A_1166 = arith.addi %add3A_1159, %and3A_1165 : vector<128x2048xi32>
    %and3A_1167 = arith.constant -65536 : i32
    %and3A_1168 = vector.broadcast %and3A_1167 : i32 to vector<128x2048xi32>
    %and3A_1169 = arith.andi %add3A_1166, %and3A_1168 : vector<128x2048xi32>
    %bitcast_convert_type3A_1170 = tpu.bitcast %and3A_1169 : vector<128x2048xi32> -> vector<128x2048xf32>
    %slice3A_1171 = vector.extract_strided_slice %bitcast_convert_type3A_33 {offsets = [0, 25], sizes = [128, 1], strides = [1, 1]} : vector<128x32xf32> to vector<128x1xf32>
    %mul3A_1172 = vector.broadcast %slice3A_1171 : vector<128x1xf32> to vector<128x2048xf32>
    %mul3A_1173 = arith.mulf %bitcast_convert_type3A_1170, %mul3A_1172 : vector<128x2048xf32>
    %add3A_1174 = arith.addf %add3A_1130, %mul3A_1173 : vector<128x2048xf32>
    %slice3A_1175 = vector.extract_strided_slice %get3A_1 {offsets = [0, 3328], sizes = [128, 128], strides = [1, 1]} : vector<128x4096xf32> to vector<128x128xf32>
    %bitcast_convert_type3A_1176 = tpu.bitcast %slice3A_1175 : vector<128x128xf32> -> vector<128x128xi32>
    %add3A_1177 = arith.constant 32767 : i32
    %add3A_1178 = vector.broadcast %add3A_1177 : i32 to vector<128x128xi32>
    %add3A_1179 = arith.addi %bitcast_convert_type3A_1176, %add3A_1178 : vector<128x128xi32>
    %shift_right_arithmetic3A_1180 = arith.constant 16 : i32
    %shift_right_arithmetic3A_1181 = vector.broadcast %shift_right_arithmetic3A_1180 : i32 to vector<128x128xi32>
    %shift_right_arithmetic3A_1182 = arith.shrsi %bitcast_convert_type3A_1176, %shift_right_arithmetic3A_1181 : vector<128x128xi32>
    %and3A_1183 = arith.constant 1 : i32
    %and3A_1184 = vector.broadcast %and3A_1183 : i32 to vector<128x128xi32>
    %and3A_1185 = arith.andi %shift_right_arithmetic3A_1182, %and3A_1184 : vector<128x128xi32>
    %add3A_1186 = arith.addi %add3A_1179, %and3A_1185 : vector<128x128xi32>
    %and3A_1187 = arith.constant -65536 : i32
    %and3A_1188 = vector.broadcast %and3A_1187 : i32 to vector<128x128xi32>
    %and3A_1189 = arith.andi %add3A_1186, %and3A_1188 : vector<128x128xi32>
    %bitcast_convert_type3A_1190 = tpu.bitcast %and3A_1189 : vector<128x128xi32> -> vector<128x128xf32>
    %convert_element_type3A_1191 = arith.truncf %bitcast_convert_type3A_1190 : vector<128x128xf32> to vector<128x128xbf16>
    %dot_general3A_1192 = arith.constant dense<0.000000e+00> : vector<128x2048xf32>
    %dot_general3A_1193 = tpu.matmul %convert_element_type3A_1191, %convert_element_type3A, %dot_general3A_1192 {dimension_numbers = #tpu.dot_dimension_numbers<[1], [1], [0], [0], [0, 0, 1, 0], [], []>, transpose_lhs_hint = false} : vector<128x128xbf16>, vector<2048x128xbf16>, vector<128x2048xf32> -> vector<128x2048xf32>
    %mul3A_1194 = arith.constant 0.0883883461 : f32
    %mul3A_1195 = vector.broadcast %mul3A_1194 : f32 to vector<128x2048xf32>
    %mul3A_1196 = arith.mulf %dot_general3A_1193, %mul3A_1195 : vector<128x2048xf32>
    %max3A_1197 = arith.constant 0.000000e+00 : f32
    %max3A_1198 = vector.broadcast %max3A_1197 : f32 to vector<128x2048xf32>
    %max3A_1199 = arith.maximumf %mul3A_1196, %max3A_1198 : vector<128x2048xf32>
    %bitcast_convert_type3A_1200 = tpu.bitcast %max3A_1199 : vector<128x2048xf32> -> vector<128x2048xi32>
    %add3A_1201 = arith.constant 32767 : i32
    %add3A_1202 = vector.broadcast %add3A_1201 : i32 to vector<128x2048xi32>
    %add3A_1203 = arith.addi %bitcast_convert_type3A_1200, %add3A_1202 : vector<128x2048xi32>
    %shift_right_arithmetic3A_1204 = arith.constant 16 : i32
    %shift_right_arithmetic3A_1205 = vector.broadcast %shift_right_arithmetic3A_1204 : i32 to vector<128x2048xi32>
    %shift_right_arithmetic3A_1206 = arith.shrsi %bitcast_convert_type3A_1200, %shift_right_arithmetic3A_1205 : vector<128x2048xi32>
    %and3A_1207 = arith.constant 1 : i32
    %and3A_1208 = vector.broadcast %and3A_1207 : i32 to vector<128x2048xi32>
    %and3A_1209 = arith.andi %shift_right_arithmetic3A_1206, %and3A_1208 : vector<128x2048xi32>
    %add3A_1210 = arith.addi %add3A_1203, %and3A_1209 : vector<128x2048xi32>
    %and3A_1211 = arith.constant -65536 : i32
    %and3A_1212 = vector.broadcast %and3A_1211 : i32 to vector<128x2048xi32>
    %and3A_1213 = arith.andi %add3A_1210, %and3A_1212 : vector<128x2048xi32>
    %bitcast_convert_type3A_1214 = tpu.bitcast %and3A_1213 : vector<128x2048xi32> -> vector<128x2048xf32>
    %slice3A_1215 = vector.extract_strided_slice %bitcast_convert_type3A_33 {offsets = [0, 26], sizes = [128, 1], strides = [1, 1]} : vector<128x32xf32> to vector<128x1xf32>
    %mul3A_1216 = vector.broadcast %slice3A_1215 : vector<128x1xf32> to vector<128x2048xf32>
    %mul3A_1217 = arith.mulf %bitcast_convert_type3A_1214, %mul3A_1216 : vector<128x2048xf32>
    %add3A_1218 = arith.addf %add3A_1174, %mul3A_1217 : vector<128x2048xf32>
    %slice3A_1219 = vector.extract_strided_slice %get3A_1 {offsets = [0, 3456], sizes = [128, 128], strides = [1, 1]} : vector<128x4096xf32> to vector<128x128xf32>
    %bitcast_convert_type3A_1220 = tpu.bitcast %slice3A_1219 : vector<128x128xf32> -> vector<128x128xi32>
    %add3A_1221 = arith.constant 32767 : i32
    %add3A_1222 = vector.broadcast %add3A_1221 : i32 to vector<128x128xi32>
    %add3A_1223 = arith.addi %bitcast_convert_type3A_1220, %add3A_1222 : vector<128x128xi32>
    %shift_right_arithmetic3A_1224 = arith.constant 16 : i32
    %shift_right_arithmetic3A_1225 = vector.broadcast %shift_right_arithmetic3A_1224 : i32 to vector<128x128xi32>
    %shift_right_arithmetic3A_1226 = arith.shrsi %bitcast_convert_type3A_1220, %shift_right_arithmetic3A_1225 : vector<128x128xi32>
    %and3A_1227 = arith.constant 1 : i32
    %and3A_1228 = vector.broadcast %and3A_1227 : i32 to vector<128x128xi32>
    %and3A_1229 = arith.andi %shift_right_arithmetic3A_1226, %and3A_1228 : vector<128x128xi32>
    %add3A_1230 = arith.addi %add3A_1223, %and3A_1229 : vector<128x128xi32>
    %and3A_1231 = arith.constant -65536 : i32
    %and3A_1232 = vector.broadcast %and3A_1231 : i32 to vector<128x128xi32>
    %and3A_1233 = arith.andi %add3A_1230, %and3A_1232 : vector<128x128xi32>
    %bitcast_convert_type3A_1234 = tpu.bitcast %and3A_1233 : vector<128x128xi32> -> vector<128x128xf32>
    %convert_element_type3A_1235 = arith.truncf %bitcast_convert_type3A_1234 : vector<128x128xf32> to vector<128x128xbf16>
    %dot_general3A_1236 = arith.constant dense<0.000000e+00> : vector<128x2048xf32>
    %dot_general3A_1237 = tpu.matmul %convert_element_type3A_1235, %convert_element_type3A, %dot_general3A_1236 {dimension_numbers = #tpu.dot_dimension_numbers<[1], [1], [0], [0], [0, 0, 1, 0], [], []>, transpose_lhs_hint = false} : vector<128x128xbf16>, vector<2048x128xbf16>, vector<128x2048xf32> -> vector<128x2048xf32>
    %mul3A_1238 = arith.constant 0.0883883461 : f32
    %mul3A_1239 = vector.broadcast %mul3A_1238 : f32 to vector<128x2048xf32>
    %mul3A_1240 = arith.mulf %dot_general3A_1237, %mul3A_1239 : vector<128x2048xf32>
    %max3A_1241 = arith.constant 0.000000e+00 : f32
    %max3A_1242 = vector.broadcast %max3A_1241 : f32 to vector<128x2048xf32>
    %max3A_1243 = arith.maximumf %mul3A_1240, %max3A_1242 : vector<128x2048xf32>
    %bitcast_convert_type3A_1244 = tpu.bitcast %max3A_1243 : vector<128x2048xf32> -> vector<128x2048xi32>
    %add3A_1245 = arith.constant 32767 : i32
    %add3A_1246 = vector.broadcast %add3A_1245 : i32 to vector<128x2048xi32>
    %add3A_1247 = arith.addi %bitcast_convert_type3A_1244, %add3A_1246 : vector<128x2048xi32>
    %shift_right_arithmetic3A_1248 = arith.constant 16 : i32
    %shift_right_arithmetic3A_1249 = vector.broadcast %shift_right_arithmetic3A_1248 : i32 to vector<128x2048xi32>
    %shift_right_arithmetic3A_1250 = arith.shrsi %bitcast_convert_type3A_1244, %shift_right_arithmetic3A_1249 : vector<128x2048xi32>
    %and3A_1251 = arith.constant 1 : i32
    %and3A_1252 = vector.broadcast %and3A_1251 : i32 to vector<128x2048xi32>
    %and3A_1253 = arith.andi %shift_right_arithmetic3A_1250, %and3A_1252 : vector<128x2048xi32>
    %add3A_1254 = arith.addi %add3A_1247, %and3A_1253 : vector<128x2048xi32>
    %and3A_1255 = arith.constant -65536 : i32
    %and3A_1256 = vector.broadcast %and3A_1255 : i32 to vector<128x2048xi32>
    %and3A_1257 = arith.andi %add3A_1254, %and3A_1256 : vector<128x2048xi32>
    %bitcast_convert_type3A_1258 = tpu.bitcast %and3A_1257 : vector<128x2048xi32> -> vector<128x2048xf32>
    %slice3A_1259 = vector.extract_strided_slice %bitcast_convert_type3A_33 {offsets = [0, 27], sizes = [128, 1], strides = [1, 1]} : vector<128x32xf32> to vector<128x1xf32>
    %mul3A_1260 = vector.broadcast %slice3A_1259 : vector<128x1xf32> to vector<128x2048xf32>
    %mul3A_1261 = arith.mulf %bitcast_convert_type3A_1258, %mul3A_1260 : vector<128x2048xf32>
    %add3A_1262 = arith.addf %add3A_1218, %mul3A_1261 : vector<128x2048xf32>
    %slice3A_1263 = vector.extract_strided_slice %get3A_1 {offsets = [0, 3584], sizes = [128, 128], strides = [1, 1]} : vector<128x4096xf32> to vector<128x128xf32>
    %bitcast_convert_type3A_1264 = tpu.bitcast %slice3A_1263 : vector<128x128xf32> -> vector<128x128xi32>
    %add3A_1265 = arith.constant 32767 : i32
    %add3A_1266 = vector.broadcast %add3A_1265 : i32 to vector<128x128xi32>
    %add3A_1267 = arith.addi %bitcast_convert_type3A_1264, %add3A_1266 : vector<128x128xi32>
    %shift_right_arithmetic3A_1268 = arith.constant 16 : i32
    %shift_right_arithmetic3A_1269 = vector.broadcast %shift_right_arithmetic3A_1268 : i32 to vector<128x128xi32>
    %shift_right_arithmetic3A_1270 = arith.shrsi %bitcast_convert_type3A_1264, %shift_right_arithmetic3A_1269 : vector<128x128xi32>
    %and3A_1271 = arith.constant 1 : i32
    %and3A_1272 = vector.broadcast %and3A_1271 : i32 to vector<128x128xi32>
    %and3A_1273 = arith.andi %shift_right_arithmetic3A_1270, %and3A_1272 : vector<128x128xi32>
    %add3A_1274 = arith.addi %add3A_1267, %and3A_1273 : vector<128x128xi32>
    %and3A_1275 = arith.constant -65536 : i32
    %and3A_1276 = vector.broadcast %and3A_1275 : i32 to vector<128x128xi32>
    %and3A_1277 = arith.andi %add3A_1274, %and3A_1276 : vector<128x128xi32>
    %bitcast_convert_type3A_1278 = tpu.bitcast %and3A_1277 : vector<128x128xi32> -> vector<128x128xf32>
    %convert_element_type3A_1279 = arith.truncf %bitcast_convert_type3A_1278 : vector<128x128xf32> to vector<128x128xbf16>
    %dot_general3A_1280 = arith.constant dense<0.000000e+00> : vector<128x2048xf32>
    %dot_general3A_1281 = tpu.matmul %convert_element_type3A_1279, %convert_element_type3A, %dot_general3A_1280 {dimension_numbers = #tpu.dot_dimension_numbers<[1], [1], [0], [0], [0, 0, 1, 0], [], []>, transpose_lhs_hint = false} : vector<128x128xbf16>, vector<2048x128xbf16>, vector<128x2048xf32> -> vector<128x2048xf32>
    %mul3A_1282 = arith.constant 0.0883883461 : f32
    %mul3A_1283 = vector.broadcast %mul3A_1282 : f32 to vector<128x2048xf32>
    %mul3A_1284 = arith.mulf %dot_general3A_1281, %mul3A_1283 : vector<128x2048xf32>
    %max3A_1285 = arith.constant 0.000000e+00 : f32
    %max3A_1286 = vector.broadcast %max3A_1285 : f32 to vector<128x2048xf32>
    %max3A_1287 = arith.maximumf %mul3A_1284, %max3A_1286 : vector<128x2048xf32>
    %bitcast_convert_type3A_1288 = tpu.bitcast %max3A_1287 : vector<128x2048xf32> -> vector<128x2048xi32>
    %add3A_1289 = arith.constant 32767 : i32
    %add3A_1290 = vector.broadcast %add3A_1289 : i32 to vector<128x2048xi32>
    %add3A_1291 = arith.addi %bitcast_convert_type3A_1288, %add3A_1290 : vector<128x2048xi32>
    %shift_right_arithmetic3A_1292 = arith.constant 16 : i32
    %shift_right_arithmetic3A_1293 = vector.broadcast %shift_right_arithmetic3A_1292 : i32 to vector<128x2048xi32>
    %shift_right_arithmetic3A_1294 = arith.shrsi %bitcast_convert_type3A_1288, %shift_right_arithmetic3A_1293 : vector<128x2048xi32>
    %and3A_1295 = arith.constant 1 : i32
    %and3A_1296 = vector.broadcast %and3A_1295 : i32 to vector<128x2048xi32>
    %and3A_1297 = arith.andi %shift_right_arithmetic3A_1294, %and3A_1296 : vector<128x2048xi32>
    %add3A_1298 = arith.addi %add3A_1291, %and3A_1297 : vector<128x2048xi32>
    %and3A_1299 = arith.constant -65536 : i32
    %and3A_1300 = vector.broadcast %and3A_1299 : i32 to vector<128x2048xi32>
    %and3A_1301 = arith.andi %add3A_1298, %and3A_1300 : vector<128x2048xi32>
    %bitcast_convert_type3A_1302 = tpu.bitcast %and3A_1301 : vector<128x2048xi32> -> vector<128x2048xf32>
    %slice3A_1303 = vector.extract_strided_slice %bitcast_convert_type3A_33 {offsets = [0, 28], sizes = [128, 1], strides = [1, 1]} : vector<128x32xf32> to vector<128x1xf32>
    %mul3A_1304 = vector.broadcast %slice3A_1303 : vector<128x1xf32> to vector<128x2048xf32>
    %mul3A_1305 = arith.mulf %bitcast_convert_type3A_1302, %mul3A_1304 : vector<128x2048xf32>
    %add3A_1306 = arith.addf %add3A_1262, %mul3A_1305 : vector<128x2048xf32>
    %slice3A_1307 = vector.extract_strided_slice %get3A_1 {offsets = [0, 3712], sizes = [128, 128], strides = [1, 1]} : vector<128x4096xf32> to vector<128x128xf32>
    %bitcast_convert_type3A_1308 = tpu.bitcast %slice3A_1307 : vector<128x128xf32> -> vector<128x128xi32>
    %add3A_1309 = arith.constant 32767 : i32
    %add3A_1310 = vector.broadcast %add3A_1309 : i32 to vector<128x128xi32>
    %add3A_1311 = arith.addi %bitcast_convert_type3A_1308, %add3A_1310 : vector<128x128xi32>
    %shift_right_arithmetic3A_1312 = arith.constant 16 : i32
    %shift_right_arithmetic3A_1313 = vector.broadcast %shift_right_arithmetic3A_1312 : i32 to vector<128x128xi32>
    %shift_right_arithmetic3A_1314 = arith.shrsi %bitcast_convert_type3A_1308, %shift_right_arithmetic3A_1313 : vector<128x128xi32>
    %and3A_1315 = arith.constant 1 : i32
    %and3A_1316 = vector.broadcast %and3A_1315 : i32 to vector<128x128xi32>
    %and3A_1317 = arith.andi %shift_right_arithmetic3A_1314, %and3A_1316 : vector<128x128xi32>
    %add3A_1318 = arith.addi %add3A_1311, %and3A_1317 : vector<128x128xi32>
    %and3A_1319 = arith.constant -65536 : i32
    %and3A_1320 = vector.broadcast %and3A_1319 : i32 to vector<128x128xi32>
    %and3A_1321 = arith.andi %add3A_1318, %and3A_1320 : vector<128x128xi32>
    %bitcast_convert_type3A_1322 = tpu.bitcast %and3A_1321 : vector<128x128xi32> -> vector<128x128xf32>
    %convert_element_type3A_1323 = arith.truncf %bitcast_convert_type3A_1322 : vector<128x128xf32> to vector<128x128xbf16>
    %dot_general3A_1324 = arith.constant dense<0.000000e+00> : vector<128x2048xf32>
    %dot_general3A_1325 = tpu.matmul %convert_element_type3A_1323, %convert_element_type3A, %dot_general3A_1324 {dimension_numbers = #tpu.dot_dimension_numbers<[1], [1], [0], [0], [0, 0, 1, 0], [], []>, transpose_lhs_hint = false} : vector<128x128xbf16>, vector<2048x128xbf16>, vector<128x2048xf32> -> vector<128x2048xf32>
    %mul3A_1326 = arith.constant 0.0883883461 : f32
    %mul3A_1327 = vector.broadcast %mul3A_1326 : f32 to vector<128x2048xf32>
    %mul3A_1328 = arith.mulf %dot_general3A_1325, %mul3A_1327 : vector<128x2048xf32>
    %max3A_1329 = arith.constant 0.000000e+00 : f32
    %max3A_1330 = vector.broadcast %max3A_1329 : f32 to vector<128x2048xf32>
    %max3A_1331 = arith.maximumf %mul3A_1328, %max3A_1330 : vector<128x2048xf32>
    %bitcast_convert_type3A_1332 = tpu.bitcast %max3A_1331 : vector<128x2048xf32> -> vector<128x2048xi32>
    %add3A_1333 = arith.constant 32767 : i32
    %add3A_1334 = vector.broadcast %add3A_1333 : i32 to vector<128x2048xi32>
    %add3A_1335 = arith.addi %bitcast_convert_type3A_1332, %add3A_1334 : vector<128x2048xi32>
    %shift_right_arithmetic3A_1336 = arith.constant 16 : i32
    %shift_right_arithmetic3A_1337 = vector.broadcast %shift_right_arithmetic3A_1336 : i32 to vector<128x2048xi32>
    %shift_right_arithmetic3A_1338 = arith.shrsi %bitcast_convert_type3A_1332, %shift_right_arithmetic3A_1337 : vector<128x2048xi32>
    %and3A_1339 = arith.constant 1 : i32
    %and3A_1340 = vector.broadcast %and3A_1339 : i32 to vector<128x2048xi32>
    %and3A_1341 = arith.andi %shift_right_arithmetic3A_1338, %and3A_1340 : vector<128x2048xi32>
    %add3A_1342 = arith.addi %add3A_1335, %and3A_1341 : vector<128x2048xi32>
    %and3A_1343 = arith.constant -65536 : i32
    %and3A_1344 = vector.broadcast %and3A_1343 : i32 to vector<128x2048xi32>
    %and3A_1345 = arith.andi %add3A_1342, %and3A_1344 : vector<128x2048xi32>
    %bitcast_convert_type3A_1346 = tpu.bitcast %and3A_1345 : vector<128x2048xi32> -> vector<128x2048xf32>
    %slice3A_1347 = vector.extract_strided_slice %bitcast_convert_type3A_33 {offsets = [0, 29], sizes = [128, 1], strides = [1, 1]} : vector<128x32xf32> to vector<128x1xf32>
    %mul3A_1348 = vector.broadcast %slice3A_1347 : vector<128x1xf32> to vector<128x2048xf32>
    %mul3A_1349 = arith.mulf %bitcast_convert_type3A_1346, %mul3A_1348 : vector<128x2048xf32>
    %add3A_1350 = arith.addf %add3A_1306, %mul3A_1349 : vector<128x2048xf32>
    %slice3A_1351 = vector.extract_strided_slice %get3A_1 {offsets = [0, 3840], sizes = [128, 128], strides = [1, 1]} : vector<128x4096xf32> to vector<128x128xf32>
    %bitcast_convert_type3A_1352 = tpu.bitcast %slice3A_1351 : vector<128x128xf32> -> vector<128x128xi32>
    %add3A_1353 = arith.constant 32767 : i32
    %add3A_1354 = vector.broadcast %add3A_1353 : i32 to vector<128x128xi32>
    %add3A_1355 = arith.addi %bitcast_convert_type3A_1352, %add3A_1354 : vector<128x128xi32>
    %shift_right_arithmetic3A_1356 = arith.constant 16 : i32
    %shift_right_arithmetic3A_1357 = vector.broadcast %shift_right_arithmetic3A_1356 : i32 to vector<128x128xi32>
    %shift_right_arithmetic3A_1358 = arith.shrsi %bitcast_convert_type3A_1352, %shift_right_arithmetic3A_1357 : vector<128x128xi32>
    %and3A_1359 = arith.constant 1 : i32
    %and3A_1360 = vector.broadcast %and3A_1359 : i32 to vector<128x128xi32>
    %and3A_1361 = arith.andi %shift_right_arithmetic3A_1358, %and3A_1360 : vector<128x128xi32>
    %add3A_1362 = arith.addi %add3A_1355, %and3A_1361 : vector<128x128xi32>
    %and3A_1363 = arith.constant -65536 : i32
    %and3A_1364 = vector.broadcast %and3A_1363 : i32 to vector<128x128xi32>
    %and3A_1365 = arith.andi %add3A_1362, %and3A_1364 : vector<128x128xi32>
    %bitcast_convert_type3A_1366 = tpu.bitcast %and3A_1365 : vector<128x128xi32> -> vector<128x128xf32>
    %convert_element_type3A_1367 = arith.truncf %bitcast_convert_type3A_1366 : vector<128x128xf32> to vector<128x128xbf16>
    %dot_general3A_1368 = arith.constant dense<0.000000e+00> : vector<128x2048xf32>
    %dot_general3A_1369 = tpu.matmul %convert_element_type3A_1367, %convert_element_type3A, %dot_general3A_1368 {dimension_numbers = #tpu.dot_dimension_numbers<[1], [1], [0], [0], [0, 0, 1, 0], [], []>, transpose_lhs_hint = false} : vector<128x128xbf16>, vector<2048x128xbf16>, vector<128x2048xf32> -> vector<128x2048xf32>
    %mul3A_1370 = arith.constant 0.0883883461 : f32
    %mul3A_1371 = vector.broadcast %mul3A_1370 : f32 to vector<128x2048xf32>
    %mul3A_1372 = arith.mulf %dot_general3A_1369, %mul3A_1371 : vector<128x2048xf32>
    %max3A_1373 = arith.constant 0.000000e+00 : f32
    %max3A_1374 = vector.broadcast %max3A_1373 : f32 to vector<128x2048xf32>
    %max3A_1375 = arith.maximumf %mul3A_1372, %max3A_1374 : vector<128x2048xf32>
    %bitcast_convert_type3A_1376 = tpu.bitcast %max3A_1375 : vector<128x2048xf32> -> vector<128x2048xi32>
    %add3A_1377 = arith.constant 32767 : i32
    %add3A_1378 = vector.broadcast %add3A_1377 : i32 to vector<128x2048xi32>
    %add3A_1379 = arith.addi %bitcast_convert_type3A_1376, %add3A_1378 : vector<128x2048xi32>
    %shift_right_arithmetic3A_1380 = arith.constant 16 : i32
    %shift_right_arithmetic3A_1381 = vector.broadcast %shift_right_arithmetic3A_1380 : i32 to vector<128x2048xi32>
    %shift_right_arithmetic3A_1382 = arith.shrsi %bitcast_convert_type3A_1376, %shift_right_arithmetic3A_1381 : vector<128x2048xi32>
    %and3A_1383 = arith.constant 1 : i32
    %and3A_1384 = vector.broadcast %and3A_1383 : i32 to vector<128x2048xi32>
    %and3A_1385 = arith.andi %shift_right_arithmetic3A_1382, %and3A_1384 : vector<128x2048xi32>
    %add3A_1386 = arith.addi %add3A_1379, %and3A_1385 : vector<128x2048xi32>
    %and3A_1387 = arith.constant -65536 : i32
    %and3A_1388 = vector.broadcast %and3A_1387 : i32 to vector<128x2048xi32>
    %and3A_1389 = arith.andi %add3A_1386, %and3A_1388 : vector<128x2048xi32>
    %bitcast_convert_type3A_1390 = tpu.bitcast %and3A_1389 : vector<128x2048xi32> -> vector<128x2048xf32>
    %slice3A_1391 = vector.extract_strided_slice %bitcast_convert_type3A_33 {offsets = [0, 30], sizes = [128, 1], strides = [1, 1]} : vector<128x32xf32> to vector<128x1xf32>
    %mul3A_1392 = vector.broadcast %slice3A_1391 : vector<128x1xf32> to vector<128x2048xf32>
    %mul3A_1393 = arith.mulf %bitcast_convert_type3A_1390, %mul3A_1392 : vector<128x2048xf32>
    %add3A_1394 = arith.addf %add3A_1350, %mul3A_1393 : vector<128x2048xf32>
    %slice3A_1395 = vector.extract_strided_slice %get3A_1 {offsets = [0, 3968], sizes = [128, 128], strides = [1, 1]} : vector<128x4096xf32> to vector<128x128xf32>
    %bitcast_convert_type3A_1396 = tpu.bitcast %slice3A_1395 : vector<128x128xf32> -> vector<128x128xi32>
    %add3A_1397 = arith.constant 32767 : i32
    %add3A_1398 = vector.broadcast %add3A_1397 : i32 to vector<128x128xi32>
    %add3A_1399 = arith.addi %bitcast_convert_type3A_1396, %add3A_1398 : vector<128x128xi32>
    %shift_right_arithmetic3A_1400 = arith.constant 16 : i32
    %shift_right_arithmetic3A_1401 = vector.broadcast %shift_right_arithmetic3A_1400 : i32 to vector<128x128xi32>
    %shift_right_arithmetic3A_1402 = arith.shrsi %bitcast_convert_type3A_1396, %shift_right_arithmetic3A_1401 : vector<128x128xi32>
    %and3A_1403 = arith.constant 1 : i32
    %and3A_1404 = vector.broadcast %and3A_1403 : i32 to vector<128x128xi32>
    %and3A_1405 = arith.andi %shift_right_arithmetic3A_1402, %and3A_1404 : vector<128x128xi32>
    %add3A_1406 = arith.addi %add3A_1399, %and3A_1405 : vector<128x128xi32>
    %and3A_1407 = arith.constant -65536 : i32
    %and3A_1408 = vector.broadcast %and3A_1407 : i32 to vector<128x128xi32>
    %and3A_1409 = arith.andi %add3A_1406, %and3A_1408 : vector<128x128xi32>
    %bitcast_convert_type3A_1410 = tpu.bitcast %and3A_1409 : vector<128x128xi32> -> vector<128x128xf32>
    %convert_element_type3A_1411 = arith.truncf %bitcast_convert_type3A_1410 : vector<128x128xf32> to vector<128x128xbf16>
    %dot_general3A_1412 = arith.constant dense<0.000000e+00> : vector<128x2048xf32>
    %dot_general3A_1413 = tpu.matmul %convert_element_type3A_1411, %convert_element_type3A, %dot_general3A_1412 {dimension_numbers = #tpu.dot_dimension_numbers<[1], [1], [0], [0], [0, 0, 1, 0], [], []>, transpose_lhs_hint = false} : vector<128x128xbf16>, vector<2048x128xbf16>, vector<128x2048xf32> -> vector<128x2048xf32>
    %mul3A_1414 = arith.constant 0.0883883461 : f32
    %mul3A_1415 = vector.broadcast %mul3A_1414 : f32 to vector<128x2048xf32>
    %mul3A_1416 = arith.mulf %dot_general3A_1413, %mul3A_1415 : vector<128x2048xf32>
    %max3A_1417 = arith.constant 0.000000e+00 : f32
    %max3A_1418 = vector.broadcast %max3A_1417 : f32 to vector<128x2048xf32>
    %max3A_1419 = arith.maximumf %mul3A_1416, %max3A_1418 : vector<128x2048xf32>
    %bitcast_convert_type3A_1420 = tpu.bitcast %max3A_1419 : vector<128x2048xf32> -> vector<128x2048xi32>
    %add3A_1421 = arith.constant 32767 : i32
    %add3A_1422 = vector.broadcast %add3A_1421 : i32 to vector<128x2048xi32>
    %add3A_1423 = arith.addi %bitcast_convert_type3A_1420, %add3A_1422 : vector<128x2048xi32>
    %shift_right_arithmetic3A_1424 = arith.constant 16 : i32
    %shift_right_arithmetic3A_1425 = vector.broadcast %shift_right_arithmetic3A_1424 : i32 to vector<128x2048xi32>
    %shift_right_arithmetic3A_1426 = arith.shrsi %bitcast_convert_type3A_1420, %shift_right_arithmetic3A_1425 : vector<128x2048xi32>
    %and3A_1427 = arith.constant 1 : i32
    %and3A_1428 = vector.broadcast %and3A_1427 : i32 to vector<128x2048xi32>
    %and3A_1429 = arith.andi %shift_right_arithmetic3A_1426, %and3A_1428 : vector<128x2048xi32>
    %add3A_1430 = arith.addi %add3A_1423, %and3A_1429 : vector<128x2048xi32>
    %and3A_1431 = arith.constant -65536 : i32
    %and3A_1432 = vector.broadcast %and3A_1431 : i32 to vector<128x2048xi32>
    %and3A_1433 = arith.andi %add3A_1430, %and3A_1432 : vector<128x2048xi32>
    %bitcast_convert_type3A_1434 = tpu.bitcast %and3A_1433 : vector<128x2048xi32> -> vector<128x2048xf32>
    %slice3A_1435 = vector.extract_strided_slice %bitcast_convert_type3A_33 {offsets = [0, 31], sizes = [128, 1], strides = [1, 1]} : vector<128x32xf32> to vector<128x1xf32>
    %mul3A_1436 = vector.broadcast %slice3A_1435 : vector<128x1xf32> to vector<128x2048xf32>
    %mul3A_1437 = arith.mulf %bitcast_convert_type3A_1434, %mul3A_1436 : vector<128x2048xf32>
    %add3A_1438 = arith.addf %add3A_1394, %mul3A_1437 : vector<128x2048xf32>
    %mul3A_1439 = arith.constant 128 : i32
    %mul3A_1440 = arith.muli %arg0, %mul3A_1439 : i32
    %iota3A = tpu.iota {dimensions = array<i32: 0>} : vector<128x2048xi32>
    %add3A_1441 = vector.broadcast %mul3A_1440 : i32 to vector<128x2048xi32>
    %add3A_1442 = arith.addi %add3A_1441, %iota3A : vector<128x2048xi32>
    %iota3A_1443 = tpu.iota {dimensions = array<i32: 1>} : vector<128x2048xi32>
    %le3A = arith.cmpi sle, %iota3A_1443, %add3A_1442 : vector<128x2048xi32>
    %jit3A = arith.constant -1.000000e+09 : f32
    %broadcast_in_dim3A_1444 = vector.broadcast %jit3A : f32 to vector<128x2048xf32>
    %select_n3A = arith.select %le3A, %add3A_1438, %broadcast_in_dim3A_1444 : vector<128x2048xi1>, vector<128x2048xf32>
    %bitcast_convert_type3A_1445 = tpu.bitcast %select_n3A : vector<128x2048xf32> -> vector<128x2048xi32>
    %shift_right_arithmetic3A_1446 = arith.constant 31 : i32
    %shift_right_arithmetic3A_1447 = vector.broadcast %shift_right_arithmetic3A_1446 : i32 to vector<128x2048xi32>
    %shift_right_arithmetic3A_1448 = arith.shrsi %bitcast_convert_type3A_1445, %shift_right_arithmetic3A_1447 : vector<128x2048xi32>
    %and3A_1449 = arith.constant 2147483647 : i32
    %and3A_1450 = vector.broadcast %and3A_1449 : i32 to vector<128x2048xi32>
    %and3A_1451 = arith.andi %and3A_1450, %shift_right_arithmetic3A_1448 : vector<128x2048xi32>
    %xor3A = arith.xori %bitcast_convert_type3A_1445, %and3A_1451 : vector<128x2048xi32>
    %swap3A = arith.constant 0 : index
    %swap3A_1452 = arith.constant 0 : index
    %swap3A_1453 = vector.load %arg4[%swap3A, %swap3A_1452] : memref<128x2048xi32, #tpu.memory_space<vmem>>, vector<128x2048xi32>
    tpu.vector_store %arg4[%swap3A, %swap3A_1452], %xor3A {strides = array<i32>} : memref<128x2048xi32, #tpu.memory_space<vmem>>, vector<128x2048xi32>,
    return
  }
  func.func @transform_0(%arg0: i32) -> (i32, i32) {
    %c0_i32 = arith.constant 0 : i32
    %c0_i32_0 = arith.constant 0 : i32
    return %arg0, %c0_i32 : i32, i32
  }
  func.func @transform_1(%arg0: i32) -> (i32, i32) {
    %c0_i32 = arith.constant 0 : i32
    %c0_i32_0 = arith.constant 0 : i32
    %c0_i32_1 = arith.constant 0 : i32
    return %c0_i32, %c0_i32_0 : i32, i32
  }
  func.func @transform_2(%arg0: i32) -> (i32, i32) {
    %c0_i32 = arith.constant 0 : i32
    %c0_i32_0 = arith.constant 0 : i32
    return %arg0, %c0_i32 : i32, i32
  }
  func.func @transform_3(%arg0: i32) -> (i32, i32) {
    %c0_i32 = arith.constant 0 : i32
    %c0_i32_0 = arith.constant 0 : i32
    return %arg0, %c0_i32 : i32, i32
  }
}

</mosaic_0001>

<sc_bundles>
// kernel: kernel.4.cloned.1.call-start
scs
__scs_entry_jumppad:
0x0: {  	(pc) =	sbr.rel $0x88, $3  }
0x1: {  	(tag) =	ssettag $0x0;
	lr =	simm.s32 $0x1  }
0x2: {  	[smem:$0x3F9B] =	sst lr;
	_ =	strace $0xD0000000  }
0x3: {  	_ = 	snop  }
0x4: {  	_ = 	snop  }
0x5: {  	_ = 	snop  }
0x6: {  	_ = 	snop  }
0x7: {  	_ = 	snop  }
__scs_overlays_trampoline_lowered:
0x8: {  	[smem:$0x3FAA] =	sst s0  }
0x9: {  	[smem:$0x3FAB] =	sst s1  }
0xa: {  	[smem:$0x3FAC] =	sst s2  }
0xb: {  	[smem:$0x3FAD] =	sst s3  }
0xc: {  	[smem:$0x3FAE] =	sst s4  }
0xd: {  	[smem:$0x3FAF] =	sst s5  }
0xe: {  	[smem:$0x3FB0] =	sst s6  }
0xf: {  	[smem:$0x3FB1] =	sst s7  }
0x10: {  	[smem:$0x3FB2] =	sst s8  }
0x11: {  	[smem:$0x3FB3] =	sst s9;
	s0 =	simm.s32 @!p0 $0x0  }
0x12: {  	s1 =	sld [smem:$0x3F99];
	s0 =	simm.s32 @p0 $0x1  }
0x13: {  	[smem:$0x3FB4] =	sst s0;
	s0 =	simm.s32 @!p1 $0x0  }
0x14: {  	s2 =	sld [smem:$0x3F98];
	s0 =	simm.s32 @p1 $0x1  }
0x15: {  	[smem:$0x3FB5] =	sst s0;
	s0 =	simm.s32 @!p2 $0x0  }
0x16: {  	s3 =	sld [smem:$0x3FDB];
	s0 =	simm.s32 @p2 $0x1  }
0x17: {  	s4 =	simm.s32 $0x1BF5;
	[smem:$0x3FB7] =	sst s0  }
0x18: {  	s0 =	sld [smem:$0x3F9A];
	_ =	swait.ge [sflag:s4], $0x0  }
0x19: {  	s7 =	sld [smem:$0x3F9B]  }
0x1a: {  	s8 =	sadd.s32 $0xFFFFE003, lr  }
0x1b: {  	s9 =	sadd.s32 $0xFFFFFEF7, lr;
	s5 =	simm.s32 $0xFFFFFFFF;
	p2 =	slt.u32 s8, $0xFFFFF086  }
0x1c: {  	p1 =	slt.u32 s9, $0xF7A;
	s5 =	simm.s32 @!p2 $0x0  }
0x1d: {  	s5 =	simm.s32 @p1 $0x1;
	p0 =	seq.s32 s7, s2  }
0x1e: {  	s7 =	smul.u32 @!p0 $0xF7A, s2;
	p2 =	seq.s32 @!p0 s5, $0x0  }
0x1f: {  	s9 =	smul.u32 $0xF7A, s1;
	s8 =	simm.s32 @!p0 $0x1BF5;
	p2 =	por !p2, p0  }
0x20: {  	[sflag:s8] =	ssyncset.s32 @!p0 $0xFFFFF086;
	s6 =	sadd.s32 @!p0 s3, s7;
	s7 =	simm.s32 @!p0 $0x108  }
0x21: {  	s3 =	sadd.s32 s3, s9;
	s6 =	sadd.s32 @!p0 $0x88, s6;
	s7 =	simm.s32 @p2 $0x1082  }
0x22: {  	[simem:s7], [sflag:s8] =	dma.local @!p0 [hbm:s6], $0xF7A  }
0x23: {  	s9 =	sor.u32 $0xD0000000, s2;
	s6 =	simm.s32 $0x108;
	_ =	swait.ge @!p0 [sflag:s8], $0x0  }
0x24: {  	s3 =	sadd.s32 $0x88, s3;
	s6 =	simm.s32 @!p1 $0x1082;
	[sflag:s4] =	ssyncset.s32 $0xFFFFF086  }
0x25: {  	[simem:s6], [sflag:s4] =	dma.local [hbm:s3], $0xF7A  }
0x26: {  	[smem:$0x3F9B] =	sst s1;
	(tag) =	ssettag s2;
	_ =	strace s9  }
0x27: {  	s1 =	sld [smem:$0x3FAB]  }
0x28: {  	s2 =	sld [smem:$0x3FAC]  }
0x29: {  	s4 =	sld [smem:$0x3FAE]  }
0x2a: {  	p0 =	seq.s32 s5, $0x0;
	s5 =	sld [smem:$0x3FAF]  }
0x2b: {  	s6 =	sld [smem:$0x3FB0]  }
0x2c: {  	s7 =	sld [smem:$0x3FB1]  }
0x2d: {  	s3 =	simm.s32 $0x108;
	s8 =	sld [smem:$0x3FB2]  }
0x2e: {  	s3 =	simm.s32 @!p0 $0x1082;
	s9 =	sld [smem:$0x3FB3]  }
0x2f: {  	lr =	sadd.s32 s0, s3;
	s0 =	sld [smem:$0x3FAA]  }
0x30: {  	s3 =	sld [smem:$0x3FAD]  }
0x31: {  	[smem:$0x3FB6] =	sst s10  }
0x32: {  	s10 =	sld [smem:$0x3FB4];
	_ =	sdelay $0x3  }
0x33: {  	p0 =	seq.s32 s10, $0x1;
	s10 =	sld [smem:$0x3FB6];
	_ =	sdelay $0x3  }
0x34: {  	[smem:$0x3FB6] =	sst s10  }
0x35: {  	s10 =	sld [smem:$0x3FB5];
	_ =	sdelay $0x3  }
0x36: {  	p1 =	seq.s32 s10, $0x1;
	s10 =	sld [smem:$0x3FB6];
	_ =	sdelay $0x3  }
0x37: {  	[smem:$0x3FB6] =	sst s10  }
0x38: {  	s10 =	sld [smem:$0x3FB7]  }
0x39: {  	_ = 	snop;
	(pc) =	sbr.ind lr, $3  }
0x3a: {  	_ = 	snop  }
0x3b: {  	_ = 	snop  }
0x3c: {  	p2 =	seq.s32 s10, $0x1;
	s10 =	sld [smem:$0x3FB6]  }
0x3d: {  	_ =	shalt  }
0x3e: {  	_ =	shalt  }
0x3f: {  	_ =	shalt  }
0x40: {  	_ =	shalt  }
0x41: {  	_ =	shalt  }
0x42: {  	_ =	shalt  }
0x43: {  	_ =	shalt  }
0x44: {  	_ =	shalt  }
0x45: {  	_ =	shalt  }
0x46: {  	_ =	shalt  }
0x47: {  	_ =	shalt  }
0x48: {  	_ =	shalt  }
0x49: {  	_ =	shalt  }
0x4a: {  	_ =	shalt  }
0x4b: {  	_ =	shalt  }
0x4c: {  	_ =	shalt  }
0x4d: {  	_ =	shalt  }
0x4e: {  	_ =	shalt  }
0x4f: {  	_ =	shalt  }
0x50: {  	_ =	shalt  }
0x51: {  	_ =	shalt  }
0x52: {  	_ =	shalt  }
0x53: {  	_ =	shalt  }
0x54: {  	_ =	shalt  }
0x55: {  	_ =	shalt  }
0x56: {  	_ =	shalt  }
0x57: {  	_ =	shalt  }
0x58: {  	_ =	shalt  }
0x59: {  	_ =	shalt  }
0x5a: {  	_ =	shalt  }
0x5b: {  	_ =	shalt  }
0x5c: {  	_ =	shalt  }
0x5d: {  	_ =	shalt  }
0x5e: {  	_ =	shalt  }
0x5f: {  	_ =	shalt  }
0x60: {  	_ =	shalt  }
0x61: {  	_ =	shalt  }
0x62: {  	_ =	shalt  }
0x63: {  	_ =	shalt  }
0x64: {  	_ =	shalt  }
0x65: {  	_ =	shalt  }
0x66: {  	_ =	shalt  }
0x67: {  	_ =	shalt  }
0x68: {  	_ =	shalt  }
0x69: {  	_ =	shalt  }
0x6a: {  	_ =	shalt  }
0x6b: {  	_ =	shalt  }
0x6c: {  	_ =	shalt  }
0x6d: {  	_ =	shalt  }
0x6e: {  	_ =	shalt  }
0x6f: {  	_ =	shalt  }
0x70: {  	_ =	shalt  }
0x71: {  	_ =	shalt  }
0x72: {  	_ =	shalt  }
0x73: {  	_ =	shalt  }
0x74: {  	_ =	shalt  }
0x75: {  	_ =	shalt  }
0x76: {  	_ =	shalt  }
0x77: {  	_ =	shalt  }
0x78: {  	_ =	shalt  }
0x79: {  	_ =	shalt  }
0x7a: {  	_ =	shalt  }
0x7b: {  	_ =	shalt  }
0x7c: {  	_ =	shalt  }
0x7d: {  	_ =	shalt  }
0x7e: {  	_ =	shalt  }
0x7f: {  	_ =	shalt  }
0x80: {  	_ =	shalt  }
0x81: {  	_ =	shalt  }
0x82: {  	_ =	shalt  }
0x83: {  	_ =	shalt  }
0x84: {  	_ =	shalt  }
0x85: {  	_ =	shalt  }
0x86: {  	_ =	shalt  }
0x87: {  	_ =	shalt  }
.Lfunc_end0:
.L_simem_size_0:
called_computation.2_lowered:
.L_overlay_start_0:
0x88: {  	s2 =	sld [smem:$0x3FD9]  }
0x89: {  	s3 =	sld [smem:$0x3FFE];
	_ =	sdelay $0x1  }
0x8a: {  	s1 =	srdreg.scid  }
0x8b: {  	s0 =	sand.u32 $0x1, s1  }
0x8c: {  	s14 =	sshll.u32 s0, $0xA;
	s2 =	sadd.s32 s3, s2  }
0x8d: {  	s2 =	sadd.s32 s2, s14  }
0x8e: {  	[smem:$0x3FC2] =	sst s2  }
0x8f: {  	_ = 	snop  }
0x90: {  	s2 =	sld [smem:$0x3FD0];
	_ =	sdelay $0x2  }
0x91: {  	s15 =	simm.s32 $0xA;
	s4 =	simm.s32 $0x10  }
0x92: {  	[smem:s4], [sflag:s15] =	dma.local [hbm:s2], $0x1  }
0x93: {  	_ =	swait.eq [sflag:s15], $0x1  }
0x94: {  	[sflag:s15] =	ssyncset.done $0x0  }
0x95: {  	s16 =	sld [smem:$0x10];
	[sflag:s15] =	ssyncadd.s32 $0xFFFFFFFF  }
0x96: {  	s17 =	sld [smem:$0x11];
	(tm) =	ssettm $0x1  }
0x97: {  	s18 =	sld [smem:$0x3FFB];
	_ =	sdelay $0x3  }
0x98: {  	_ =	strace s18  }
0x99: {  	s4 =	sld [smem:$0x3FFC];
	_ =	sdelay $0x3  }
0x9a: {  	_ =	strace s4  }
0x9b: {  	s4 =	sld [smem:$0x3FFD];
	_ =	sdelay $0x3  }
0x9c: {  	_ =	strace s4  }
0x9d: {  	_ =	strace $0x8FFFFFFF  }
0x9e: {  	s19 =	sld [smem:$0x3FDB];
	_ =	sdelay $0x1  }
0x9f: {  	s5 =	simm.s32 $_scs_section_size  }
0xa0: {  	s6 =	simm.s32 $_size__tile_overlayer_lowered;
	s7 =	simm.s32 $_tile_overlayer_lowered  }
0xa1: {  	s22 =	simm.s32 $0x1BFF;
	s21 =	sshll.u32 s7, $0x1;
	s4 =	sadd.s32 s5, s19  }
0xa2: {  	s8 =	simm.s32 $0x0;
	s20 =	sshll.u32 s6, $0x1;
	s6 =	sadd.s32 s21, s4  }
0xa3: {  	[timem:s8], [sflag:s22] =	dma.local [hbm:s6], s20  }
0xa4: {  	_ =	swait.ge [sflag:s22], s20  }
0xa5: {  	s5 =	ssub.s32 $0x0, s20;
	[sflag:s22] =	ssyncset.done $0x0  }
0xa6: {  	[sflag:s22] =	ssyncadd.s32 s5;
	_ =	sdelay $0x1  }
0xa7: {  	s23 =	simm.s32 $0x1B8B  }
0xa8: {  	_ =	swait.ge [sflag:s23], $0x1  }
0xa9: {  	[sflag:s23] =	ssyncset.done $0x0  }
0xaa: {  	s25 =	simm.s32 $0x1B8E;
	s24 =	sld [smem:$0x3FFE];
	[sflag:s23] =	ssyncadd.s32 $0xFFFFFFFF  }
0xab: {  	s26 =	simm.s32 $execute0_lowered;
	[smem:$0x3FD2] =	sst s25  }
0xac: {  	s6 =	sshll.u32 s26, $0x1;
	_ =	strace $0x8000004C;
	[dreg:$0x1] =	wrdreg $0xFFFFFFFF  }
0xad: {  	s28 =	simm.s32 $_size_execute0_lowered;
	s4 =	sadd.s32 s4, s6;
	[dreg:$0x0] =	wrdreg $0x0  }
0xae: {  	s6 =	sshll.u32 s28, $0x1;
	[dreg:$0x2] =	wrdreg s4  }
0xaf: {  	[dreg:$0x3] =	wrdreg s6  }
0xb0: {  	[dreg:$0x4] =	wrdreg $0xC0  }
0xb1: {  	_ =	task [dreg:s8], $0x5FFFF  }
0xb2: {  	[dreg:$0x1] =	wrdreg $0xFFFFFFFF  }
0xb3: {  	[dreg:$0x0] =	wrdreg $0x60  }
0xb4: {  	[dreg:$0x2] =	wrdreg s24  }
0xb5: {  	[dreg:$0x3] =	wrdreg s16  }
0xb6: {  	[dreg:$0x4] =	wrdreg s17  }
0xb7: {  	[dreg:$0x5] =	wrdreg $0x9  }
0xb8: {  	_ =	task.clear_ibuf [dreg:s8], $0x6FFFF;
	_ =	strace $0x9000004C  }
0xb9: {  	s29 =	simm.s32 $0x9;
	_ =	strace $0x8000004E  }
0xba: {  	_ =	swait.ge [sflag:s29], $0x1  }
0xbb: {  	[sflag:s29] =	ssyncadd.s32 $0xFFFFFFFF  }
0xbc: {  	_ =	strace $0x9000004E  }
0xbd: {  	_ =	sfence  }
0xbe: {  	s30 =	sld [smem:$0x0];
	_ =	sdelay $0x2  }
0xbf: {  	s31 =	sshll.u32 s1, $0xD;
	s1 =	sshrl.u32 s1, $0x2  }
0xc0: {  	s3 =	sand.u32 $0x4000, s31;
	s1 =	sadd.s32 s1, s30  }
0xc1: {  	s0 =	sor.u32 s3, s0;
	s1 =	sshll.u32 s1, $0x11  }
0xc2: {  	s0 =	sor.u32 s1, s0  }
0xc3: {  	s0 =	sadd.s32 $0x8F2B, s0  }
0xc4: {  	[sflag:s0] =	ssyncadd.remote.s32 $0x1  }
0xc5: {  	_ =	sfence.sel $0xFFFF  }
0xc6: {  	[dreg:$0x0] =	wrdreg $0xFFFFFFFF;
	(pc) =	sbr.abs _section_cstart, $3  }
0xc7: {  	[dreg:$0x1] =	wrdreg $0xFFFFFFFF  }
0xc8: {  	_ =	task.clear_ibuf [dreg:s8], $0x2FFFF;
	_ =	strace $0x9FFFFFFF  }
0xc9: {  	(tm) =	ssettm $0x7FFFFFFF  }
tec
execute0_lowered:
.L_overlay_start_1:
0x0: {  	(tag) =	ssettag $0x1  }
0x1: {  	s6 =	rddreg [dreg:$0x0]  }
0x2: {  	s2 =	rddreg [dreg:$0x1]  }
0x3: {  	s3 =	rddreg [dreg:$0x2];
	s4 =	srdreg.scid  }
0x4: {  	s0 =	rddreg [dreg:$0x3];
	s1 =	stileid.u32;
	s10 =	simm.s32 $0x400  }
0x5: {  	s11 =	simm.s32 $0x1;
	s12 =	simm.s32 $0x10;
	s13 =	simm.s32 $0x1000  }
0x6: {  	s14 =	simm.s32 $0x1200;
	s7 =	sand.u32 $0x1, s4;
	s4 =	simm.s32 $0x0  }
0x7: {  	v0 =	vlaneseq.u32;
	s5 =	sshll.u32 s1, $0x1;
	s6 =	sadd.s32 $0x4000, s6;
	s8 =	ssub.s32 $0x2, s7  }
0x8: {  	v1 =	vmul.u32 $0xFFFFFFFF, v0;
	[smem:$0x7FF] =	sst s4;
	s7 =	sor.u32 s7, s5;
	s9 =	sshrl.u32 s8, $0x1  }
0x9: {  	v2 =	vimm.s32 $0x0;
	_ =	strace $0x8000004D;
	s7 =	sshll.u32 s7, $0x7;
	s8 =	ssub.s32 s8, s9  }
0xa: {  	v3 =	vimm.s32 $0x7FFFFFFF;
	v4 =	vimm.s32 $0x80000000;
	v1 =	vadd.s32 $0xB19194D6, v1;
	s7 =	sand.u32 $0x380, s7;
	s9 =	simm.s32 $0x80;
	s8 =	smax.u32 s8, $0x1  }
.LBB2_1:
0xb: {  	s15 =	simm.s32 $0x0  }
.LBB2_2:
0xc: {  	s16 =	sshll.u32 s15, $0x5  }
0xd: {  	s16 =	sor.u32 s5, s16  }
0xe: {  	s16 =	sshrl.u32 s16, $0x3  }
0xf: {  	s17 =	sshll.u32 s16, $0xE  }
0x10: {  	s17 =	sor.u32 s7, s17  }
0x11: {  	s17 =	sshrl.u32 s17, $0x3  }
0x12: {  	s18 =	sadd.s32 s6, s17;
	s17 =	simm.s32 $0x0  }
0x13: {  	[tilespmem:s17], [sflag:$0x1] =	stream.strided.gather [hbm4b:s18+s9], $0x200, s10, s9, $0x38;
	[tilespmem:$0x1400] =	vst v63  }
0x14: {  	_ =	swait.ge [sflag:s11], $0x200  }
0x15: {  	[sflag:s11] =	ssyncset.done $0x0  }
0x16: {  	s18 =	simm.s32 $0x800;
	v5 =	vor.u32 s17, v0;
	[sflag:s11] =	ssyncadd.s32 $0xFFFFFE00  }
0x17: {  	[tilespmem:s18+$0x0] =	vst v5  }
0x18: {  	v5 =	vld [tilespmem:s17+$0x0];
	_ =	sdelay $0x3  }
0x19: {  	v6 =	vmov s17  }
0x1a: {  	v6 =	vsub.s32 v1, v6;
	vm0 =	veq.s32 v5, $0xB19194D7  }
0x1b: {  	s19 =	simm.s32 $0x10;
	s20 =	simm.s32 $0x20;
	v6 =	vsel vm0, v6, v5  }
0x1c: {  	s22 =	simm.s32 $0x810;
	s23 =	simm.s32 $0x0;
	s21 =	simm.s32 $0x10;
	v5 =	vor.u32 s19, v0;
	[tilespmem:s17+$0x0] =	vst v6  }
.LBB2_3:
0x1d: {  	p0 =	sne.s32 s20, $0x1F0;
	[tilespmem:s22+$0x0] =	vst v5;
	s23 =	sadd.s32 $0x10, s23  }
0x1e: {  	v5 =	vld [tilespmem:s23+$0x0];
	_ =	sdelay $0x2  }
.Ltmp0:
0x1f: {  	(pc) =	sbr.rel @p0 .LBB2_3-.Ltmp0, $4  }
0x20: {  	v6 =	vmov s21;
	s21 =	smov.u32 s20  }
0x21: {  	v6 =	vsub.s32 v1, v6;
	vm0 =	veq.s32 v5, $0xB19194D7  }
0x22: {  	v6 =	vsel vm0, v6, v5  }
0x23: {  	s20 =	sadd.s32 $0x10, s20;
	s22 =	sadd.s32 $0x10, s22;
	v5 =	vor.u32 s21, v0;
	[tilespmem:s23+$0x0] =	vst v6  }
0x24: {  	[tilespmem:s22+$0x0] =	vst v5;
	s20 =	sadd.s32 $0x10, s23  }
0x25: {  	v5 =	vld [tilespmem:s20+$0x0];
	_ =	sdelay $0x2  }
0x26: {  	v6 =	vmov s17  }
0x27: {  	v7 =	vmov s21;
	v6 =	vand.u32 $0x10, v6  }
0x28: {  	v7 =	vsub.s32 v1, v7;
	vm1 =	veq.s32 v6, $0x0;
	vm0 =	veq.s32 v5, $0xB19194D7  }
0x29: {  	v6 =	vsel vm1, $0x1, v2;
	v5 =	vsel vm0, v7, v5  }
0x2a: {  	[tilespmem:s20+$0x0] =	vst v5;
	v5 =	vbroadcast v6, $0x0  }
0x2b: {  	v6 =	vld [tilespmem:s17+$0x0]  }
0x2c: {  	v5 =	vand.u32 $0x1, v5  }
0x2d: {  	vm14 =	veq.s32 v5, $0x1;
	v5 =	vld [tilespmem:s18+$0x0]  }
0x2e: {  	vm15 =	vmneg vm14  }
0x2f: {  	v7 =	vsel vm15, $0xFFFFFFFF, v2  }
0x30: {  	v6 =	vxor.u32 v7, v6  }
0x31: {  	v6 =	vxor.u32 $0x80000000, v6  }
0x32: {  	(xrf1) =	vsort.dscd.msk.u32 $0xffff, v6, v5;
	_ =	sdelay $0x9  }
0x33: {  	v5 =	vmov s19;
	_ =	sdelay $0x3  }
0x34: {  	v7 =	vsel vm14, $0x80000000, v3;
	s19 =	simm.s32 $0x20;
	v6 =	vand.u32 $0x10, v5;
	v8, v5, _ =	vpop (xrf1)  }
.LBB2_5:
0x35: {  	p0 =	sne.s32 s19, $0x1F0;
	vm0 =	veq.s32 v6, $0x0;
	v6 =	vxor.u32 v7, v8  }
0x36: {  	v7 =	vsel vm0, $0x1, v2;
	[tilespmem:s17+$0x0] =	vst v6  }
0x37: {  	s17 =	sadd.s32 $0x10, s17;
	v6 =	vbroadcast v7, $0x0;
	[tilespmem:s18+$0x0] =	vst v5  }
0x38: {  	v5 =	vld [tilespmem:s17+$0x0]  }
0x39: {  	s18 =	sadd.s32 $0x10, s18;
	v6 =	vand.u32 $0x1, v6  }
0x3a: {  	vm0 =	veq.s32 v6, $0x1;
	v6 =	vld [tilespmem:s18+$0x0]  }
0x3b: {  	vm1 =	vmneg vm0  }
0x3c: {  	v7 =	vsel vm1, $0xFFFFFFFF, v2  }
0x3d: {  	v5 =	vxor.u32 v7, v5  }
0x3e: {  	v5 =	vxor.u32 $0x80000000, v5  }
0x3f: {  	(xrf1) =	vsort.dscd.msk.u32 $0xffff, v5, v6;
	_ =	sdelay $0x9  }
.Ltmp1:
0x40: {  	(pc) =	sbr.rel @p0 .LBB2_5-.Ltmp1, $3  }
0x41: {  	_ =	sdelay $0x1  }
0x42: {  	v9 =	vmov s19  }
0x43: {  	s19 =	sadd.s32 $0x10, s19;
	v7 =	vsel vm0, $0x80000000, v3;
	v6 =	vand.u32 $0x10, v9;
	v8, v5, _ =	vpop (xrf1)  }
0x44: {  	vm0 =	veq.s32 v6, $0x0;
	v6 =	vxor.u32 v7, v8  }
0x45: {  	v7 =	vsel vm0, $0x1, v2;
	[tilespmem:s17+$0x0] =	vst v6  }
0x46: {  	s30 =	sadd.s32 $0x10, s17;
	v6 =	vbroadcast v7, $0x0;
	[tilespmem:s18+$0x0] =	vst v5  }
0x47: {  	v5 =	vld [tilespmem:s30+$0x0]  }
0x48: {  	s31 =	sadd.s32 $0x10, s18;
	v6 =	vand.u32 $0x1, v6  }
0x49: {  	vm15 =	veq.s32 v6, $0x1;
	v6 =	vld [tilespmem:s31+$0x0]  }
0x4a: {  	vm1 =	vmneg vm15  }
0x4b: {  	v7 =	vsel vm1, $0xFFFFFFFF, v2  }
0x4c: {  	v5 =	vxor.u32 v7, v5  }
0x4d: {  	v5 =	vxor.u32 $0x80000000, v5  }
0x4e: {  	(xrf1) =	vsort.dscd.msk.u32 $0xffff, v5, v6;
	_ =	sdelay $0xd  }
0x4f: {  	v5 =	vsel vm15, $0x80000000, v3;
	v6, v7, _ =	vpop (xrf1)  }
0x50: {  	v5 =	vxor.u32 v5, v6  }
0x51: {  	[tilespmem:s30+$0x0] =	vst v5  }
0x52: {  	s17 =	simm.s32 $0x5;
	s18 =	simm.s32 $0x1;
	[tilespmem:s31+$0x0] =	vst v7  }
.LBB2_7:
0x53: {  	s19 =	sshll.u32 s11, s17  }
0x54: {  	s20 =	simm.s32 $0x0;
	v5 =	vmov s19;
	s19 =	simm.s32 $0x0  }
.LBB2_8:
0x55: {  	s21 =	ssub.s32 s17, s20  }
0x56: {  	s21 =	sadd.s32 $0xFFFFFFFB, s21  }
0x57: {  	s22 =	sshll.u32 s12, s21;
	s23 =	sshll.u32 s11, s21  }
0x58: {  	v6 =	vmov s22;
	s21 =	sadd.s32 $0xFFFFFFF, s23;
	s22 =	ssub.s32 $0x0, s23  }
0x59: {  	s23 =	sand.u32 s22, s19;
	s24 =	sand.u32 s21, s19  }
0x5a: {  	s23 =	sshll.u32 s23, $0x5;
	s24 =	sshll.u32 s24, $0x4  }
0x5b: {  	s23 =	sor.u32 s24, s23  }
0x5c: {  	v8 =	vld [tilespmem:s23+$0x0]  }
0x5d: {  	v7 =	vld.idx.msk [tilespmem:v6+s23+$0x0 ss:$0x1], $0xffff;
	_ =	sdelay $0x2  }
0x5e: {  	v9 =	vor.u32 s23, v0;
	v11 =	vld [tilespmem:s23+$0x800]  }
0x5f: {  	v10 =	vld.idx.msk [tilespmem:v6+s23+$0x800 ss:$0x1], $0xffff;
	v9 =	vand.u32 v5, v9  }
0x60: {  	vm1 =	vne.s32 v9, $0x0;
	vm0 =	vgt.s32 v8, v7  }
0x61: {  	vm0 =	vmxor vm1, vm0  }
0x62: {  	v63 =	vsel vm0, v8, v7  }
0x63: {  	s31 =	simm.s32 $0x1;
	v7 =	vsel vm0, v7, v8;
	[tilespmem:s23+$0x0] =	vst v63  }
0x64: {  	s25 =	sand.u32 s22, s31;
	s26 =	sand.u32 s21, s31;
	[tilespmem:v6+s23+$0x0 ss:$0x1] =	vst.idx.msk $0xffff, v7;
	v7 =	vsel vm0, v11, v10  }
0x65: {  	s25 =	sshll.u32 s25, $0x5;
	s26 =	sshll.u32 s26, $0x4;
	s24 =	simm.s32 $0x2;
	[tilespmem:s23+$0x800] =	vst v7;
	v7 =	vsel vm0, v10, v11  }
.LBB2_9:
0x66: {  	p0 =	sne.s32 s24, $0xF  }
0x67: {  	[tilespmem:v6+s23+$0x800 ss:$0x1] =	vst.idx.msk $0xffff, v7;
	s23 =	sor.u32 s26, s25;
	s25 =	smov.u32 s24;
	s24 =	sadd.s32 $0x1, s24  }
0x68: {  	v7 =	vld.idx.msk [tilespmem:v6+s23+$0x0 ss:$0x1], $0xffff;
	v8 =	vor.u32 s23, v0  }
0x69: {  	v9 =	vld [tilespmem:s23+$0x0];
	v8 =	vand.u32 v5, v8;
	_ =	sdelay $0x2  }
0x6a: {  	v10 =	vld.idx.msk [tilespmem:v6+s23+$0x800 ss:$0x1], $0xffff  }
0x6b: {  	v11 =	vld [tilespmem:s23+$0x800]  }
0x6c: {  	vm1 =	vne.s32 v8, $0x0;
	vm0 =	vgt.s32 v9, v7  }
.Ltmp2:
0x6d: {  	vm0 =	vmxor vm1, vm0;
	(pc) =	sbr.rel @p0 .LBB2_9-.Ltmp2, $4  }
0x6e: {  	v8 =	vsel vm0, v9, v7;
	v7 =	vsel vm0, v7, v9  }
0x6f: {  	[tilespmem:s23+$0x0] =	vst v8  }
0x70: {  	s26 =	sand.u32 s22, s25;
	s28 =	sand.u32 s21, s25;
	[tilespmem:v6+s23+$0x0 ss:$0x1] =	vst.idx.msk $0xffff, v7;
	v7 =	vsel vm0, v11, v10  }
0x71: {  	s25 =	sshll.u32 s26, $0x5;
	s26 =	sshll.u32 s28, $0x4;
	[tilespmem:s23+$0x800] =	vst v7;
	v7 =	vsel vm0, v10, v11  }
0x72: {  	_ =	sdelay $0x3  }
0x73: {  	s21 =	sor.u32 s26, s25;
	[tilespmem:v6+s23+$0x800 ss:$0x1] =	vst.idx.msk $0xffff, v7  }
0x74: {  	v7 =	vld.idx.msk [tilespmem:v6+s21+$0x0 ss:$0x1], $0xffff  }
0x75: {  	v8 =	vld [tilespmem:s21+$0x0];
	_ =	sdelay $0x2  }
0x76: {  	v9 =	vor.u32 s21, v0;
	v10 =	vld.idx.msk [tilespmem:v6+s21+$0x800 ss:$0x1], $0xffff  }
0x77: {  	v11 =	vld [tilespmem:s21+$0x800];
	v9 =	vand.u32 v5, v9  }
0x78: {  	s20 =	sadd.s32 $0x1, s20;
	vm1 =	vne.s32 v9, $0x0;
	vm0 =	vgt.s32 v8, v7  }
0x79: {  	p0 =	sne.s32 s20, s18;
	vm0 =	vmxor vm1, vm0  }
.Ltmp3:
0x7a: {  	v63 =	vsel vm0, v8, v7;
	(pc) =	sbr.rel @p0 .LBB2_8-.Ltmp3, $4  }
0x7b: {  	v7 =	vsel vm0, v7, v8;
	[tilespmem:s21+$0x0] =	vst v63  }
0x7c: {  	[tilespmem:v6+s21+$0x0 ss:$0x1] =	vst.idx.msk $0xffff, v7;
	v7 =	vsel vm0, v11, v10  }
0x7d: {  	[tilespmem:s21+$0x800] =	vst v7;
	v7 =	vsel vm0, v10, v11  }
0x7e: {  	[tilespmem:v6+s21+$0x800 ss:$0x1] =	vst.idx.msk $0xffff, v7  }
0x7f: {  	s20 =	simm.s32 $0x0  }
0x80: {  	v6 =	vld [tilespmem:s20+$0x0]  }
0x81: {  	s19 =	simm.s32 $0x800;
	s21 =	simm.s32 $0x10;
	v7 =	vor.u32 s20, v0  }
.LBB2_12:
0x82: {  	p0 =	sne.s32 s21, $0x1F0;
	v7 =	vand.u32 v5, v7;
	v8 =	vld [tilespmem:s19+$0x0]  }
0x83: {  	vm0 =	vne.s32 v7, $0x0  }
0x84: {  	v7 =	vsel vm0, $0xFFFFFFFF, v2  }
0x85: {  	v6 =	vxor.u32 v7, v6  }
0x86: {  	v6 =	vxor.u32 $0x80000000, v6  }
0x87: {  	(xrf1) =	vsort.dscd.msk.u32 $0xffff, v6, v8;
	_ =	sdelay $0xd  }
0x88: {  	v6 =	vsel vm0, $0x7FFFFFFF, v4;
	v7, v8, _ =	vpop (xrf1)  }
.Ltmp4:
0x89: {  	v6 =	vxor.u32 v6, v7;
	(pc) =	sbr.rel @p0 .LBB2_12-.Ltmp4, $4  }
0x8a: {  	[tilespmem:s20+$0x0] =	vst v6  }
0x8b: {  	s20 =	sadd.s32 $0x10, s20;
	[tilespmem:s19+$0x0] =	vst v8  }
0x8c: {  	v6 =	vld [tilespmem:s20+$0x0]  }
0x8d: {  	v7 =	vor.u32 s21, v0;
	s21 =	sadd.s32 $0x10, s21;
	s19 =	sadd.s32 $0x10, s19  }
0x8e: {  	v5 =	vand.u32 v5, v7;
	v7 =	vld [tilespmem:s19+$0x0]  }
0x8f: {  	vm0 =	vne.s32 v5, $0x0  }
0x90: {  	v5 =	vsel vm0, $0xFFFFFFFF, v2  }
0x91: {  	v5 =	vxor.u32 v5, v6  }
0x92: {  	v5 =	vxor.u32 $0x80000000, v5  }
0x93: {  	(xrf1) =	vsort.dscd.msk.u32 $0xffff, v5, v7;
	_ =	sdelay $0xa  }
0x94: {  	s18 =	sadd.s32 $0x1, s18  }
0x95: {  	p0 =	sne.s32 s18, $0x6  }
.Ltmp5:
0x96: {  	_ = 	snop;
	(pc) =	sbr.rel @p0 .LBB2_7-.Ltmp5, $4  }
0x97: {  	v5 =	vsel vm0, $0x7FFFFFFF, v4;
	v6, v7, _ =	vpop (xrf1)  }
0x98: {  	v5 =	vxor.u32 v5, v6  }
0x99: {  	[tilespmem:s20+$0x0] =	vst v5  }
0x9a: {  	s17 =	sadd.s32 $0x1, s17;
	[tilespmem:s19+$0x0] =	vst v7  }
0x9b: {  	s17 =	simm.s32 $0x0  }
0x9c: {  	v5 =	vld [tilespmem:s17+$0x0]  }
0x9d: {  	v6 =	vld [tilespmem:s17+$0x800];
	_ =	sdelay $0x1  }
0x9e: {  	s18 =	simm.s32 $0x40  }
.LBB2_15:
0x9f: {  	p0 =	sne.s32 s18, $0x7C0  }
.Ltmp6:
0xa0: {  	s19 =	sshra.s32 s18, $0x2;
	s18 =	sadd.s32 $0x40, s18;
	v7 =	vshra.s32 v5, $0x1F;
	v8 =	vmov v5;
	(pc) =	sbr.rel @p0 .LBB2_15-.Ltmp6, $4  }
0xa1: {  	v5 =	vld [tilespmem:s19+$0x0];
	v7 =	vand.u32 $0x7FFFFFFF, v7;
	[tilespmem:s17+$0x1200] =	vst v6  }
0xa2: {  	vm0 =	vlt.s32 v8, $0xB19194D7;
	v6 =	vld [tilespmem:s19+$0x800];
	v7 =	vxor.u32 v8, v7  }
0xa3: {  	v7 =	vsel vm0, $0xCE6E6B28, v7  }
0xa4: {  	[tilespmem:s17+$0x1000] =	vst v7;
	s17 =	smov.u32 s19  }
0xa5: {  	_ = 	snop  }
0xa6: {  	v7 =	vshra.s32 v5, $0x1F  }
0xa7: {  	s16 =	sshll.u32 s16, $0xC;
	v7 =	vand.u32 $0x7FFFFFFF, v7  }
0xa8: {  	vm0 =	vlt.s32 v5, $0xB19194D7;
	s16 =	sor.u32 s7, s16;
	v7 =	vxor.u32 v5, v7  }
0xa9: {  	[tilespmem:s17+$0x1200] =	vst v6;
	s16 =	sshrl.u32 s16, $0x3;
	v5 =	vsel vm0, $0xCE6E6B28, v7  }
0xaa: {  	s31 =	sadd.s32 s2, s16;
	[tilespmem:s17+$0x1000] =	vst v5  }
0xab: {  	[hbm4b:s31+s9] =	stream.strided.scatter [tilespmem:s13], [sflag:$0x1], $0x200, s10, s9, $0x38;
	[tilespmem:$0x1400] =	vst v63  }
0xac: {  	s15 =	sadd.s32 $0x1, s15;
	_ =	swait.ge [sflag:s11], $0x200  }
0xad: {  	p0 =	sne.s32 s15, $0x10;
	[sflag:s11] =	ssyncset.done $0x0  }
.Ltmp7:
0xae: {  	s16 =	sadd.s32 s3, s16;
	[sflag:s11] =	ssyncadd.s32 $0xFFFFFE00;
	(pc) =	sbr.rel @p0 .LBB2_2-.Ltmp7, $4  }
0xaf: {  	[hbm4b:s16+s9] =	stream.strided.scatter [tilespmem:s14], [sflag:$0x1], $0x200, s10, s9, $0x38;
	[tilespmem:$0x1400] =	vst v63  }
0xb0: {  	_ =	swait.ge [sflag:s11], $0x200  }
0xb1: {  	[sflag:s11] =	ssyncset.done $0x0  }
0xb2: {  	[sflag:s11] =	ssyncadd.s32 $0xFFFFFE00  }
0xb3: {  	s15 =	simm.s32 $0x10  }
.LBB2_18:
0xb4: {  	s16 =	sshll.u32 s15, $0x5  }
0xb5: {  	s16 =	sor.u32 s5, s16  }
0xb6: {  	s16 =	sshrl.u32 s16, $0x3  }
0xb7: {  	s17 =	sshll.u32 s16, $0xE  }
0xb8: {  	s17 =	sor.u32 s7, s17  }
0xb9: {  	s17 =	sshrl.u32 s17, $0x3  }
0xba: {  	s18 =	sadd.s32 s6, s17;
	s17 =	simm.s32 $0x0  }
0xbb: {  	[tilespmem:s17], [sflag:$0x1] =	stream.strided.gather [hbm4b:s18+s9], $0x400, s10, s9, $0x38;
	[tilespmem:$0x1400] =	vst v63  }
0xbc: {  	_ =	swait.ge [sflag:s11], $0x400  }
0xbd: {  	[sflag:s11] =	ssyncset.done $0x0  }
0xbe: {  	s18 =	simm.s32 $0x800;
	v5 =	vor.u32 s17, v0;
	[sflag:s11] =	ssyncadd.s32 $0xFFFFFC00  }
0xbf: {  	[tilespmem:s18+$0x0] =	vst v5  }
0xc0: {  	v5 =	vld [tilespmem:s17+$0x0];
	_ =	sdelay $0x3  }
0xc1: {  	v6 =	vmov s17  }
0xc2: {  	v6 =	vsub.s32 v1, v6;
	vm0 =	veq.s32 v5, $0xB19194D7  }
0xc3: {  	s19 =	simm.s32 $0x10;
	s20 =	simm.s32 $0x20;
	v6 =	vsel vm0, v6, v5  }
0xc4: {  	s22 =	simm.s32 $0x810;
	s23 =	simm.s32 $0x0;
	s21 =	simm.s32 $0x10;
	v5 =	vor.u32 s19, v0;
	[tilespmem:s17+$0x0] =	vst v6  }
.LBB2_19:
0xc5: {  	p0 =	sne.s32 s20, $0x3F0;
	[tilespmem:s22+$0x0] =	vst v5;
	s23 =	sadd.s32 $0x10, s23  }
0xc6: {  	v5 =	vld [tilespmem:s23+$0x0];
	_ =	sdelay $0x2  }
.Ltmp8:
0xc7: {  	(pc) =	sbr.rel @p0 .LBB2_19-.Ltmp8, $4  }
0xc8: {  	v6 =	vmov s21;
	s21 =	smov.u32 s20  }
0xc9: {  	v6 =	vsub.s32 v1, v6;
	vm0 =	veq.s32 v5, $0xB19194D7  }
0xca: {  	v6 =	vsel vm0, v6, v5  }
0xcb: {  	s20 =	sadd.s32 $0x10, s20;
	s22 =	sadd.s32 $0x10, s22;
	v5 =	vor.u32 s21, v0;
	[tilespmem:s23+$0x0] =	vst v6  }
0xcc: {  	[tilespmem:s22+$0x0] =	vst v5;
	s20 =	sadd.s32 $0x10, s23  }
0xcd: {  	v5 =	vld [tilespmem:s20+$0x0];
	_ =	sdelay $0x2  }
0xce: {  	v6 =	vmov s17  }
0xcf: {  	v7 =	vmov s21;
	v6 =	vand.u32 $0x10, v6  }
0xd0: {  	v7 =	vsub.s32 v1, v7;
	vm1 =	veq.s32 v6, $0x0;
	vm0 =	veq.s32 v5, $0xB19194D7  }
0xd1: {  	v6 =	vsel vm1, $0x1, v2;
	v5 =	vsel vm0, v7, v5  }
0xd2: {  	[tilespmem:s20+$0x0] =	vst v5;
	v5 =	vbroadcast v6, $0x0  }
0xd3: {  	v6 =	vld [tilespmem:s17+$0x0]  }
0xd4: {  	v5 =	vand.u32 $0x1, v5  }
0xd5: {  	vm14 =	veq.s32 v5, $0x1;
	v5 =	vld [tilespmem:s18+$0x0]  }
0xd6: {  	vm15 =	vmneg vm14  }
0xd7: {  	v7 =	vsel vm15, $0xFFFFFFFF, v2  }
0xd8: {  	v6 =	vxor.u32 v7, v6  }
0xd9: {  	v6 =	vxor.u32 $0x80000000, v6  }
0xda: {  	(xrf1) =	vsort.dscd.msk.u32 $0xffff, v6, v5;
	_ =	sdelay $0x9  }
0xdb: {  	v5 =	vmov s19;
	_ =	sdelay $0x3  }
0xdc: {  	v7 =	vsel vm14, $0x80000000, v3;
	s19 =	simm.s32 $0x20;
	v6 =	vand.u32 $0x10, v5;
	v8, v5, _ =	vpop (xrf1)  }
.LBB2_21:
0xdd: {  	p0 =	sne.s32 s19, $0x3F0;
	vm0 =	veq.s32 v6, $0x0;
	v6 =	vxor.u32 v7, v8  }
0xde: {  	v7 =	vsel vm0, $0x1, v2;
	[tilespmem:s17+$0x0] =	vst v6  }
0xdf: {  	s17 =	sadd.s32 $0x10, s17;
	v6 =	vbroadcast v7, $0x0;
	[tilespmem:s18+$0x0] =	vst v5  }
0xe0: {  	v5 =	vld [tilespmem:s17+$0x0]  }
0xe1: {  	s18 =	sadd.s32 $0x10, s18;
	v6 =	vand.u32 $0x1, v6  }
0xe2: {  	vm0 =	veq.s32 v6, $0x1;
	v6 =	vld [tilespmem:s18+$0x0]  }
0xe3: {  	vm1 =	vmneg vm0  }
0xe4: {  	v7 =	vsel vm1, $0xFFFFFFFF, v2  }
0xe5: {  	v5 =	vxor.u32 v7, v5  }
0xe6: {  	v5 =	vxor.u32 $0x80000000, v5  }
0xe7: {  	(xrf1) =	vsort.dscd.msk.u32 $0xffff, v5, v6;
	_ =	sdelay $0x9  }
.Ltmp9:
0xe8: {  	(pc) =	sbr.rel @p0 .LBB2_21-.Ltmp9, $3  }
0xe9: {  	_ =	sdelay $0x1  }
0xea: {  	v9 =	vmov s19  }
0xeb: {  	s19 =	sadd.s32 $0x10, s19;
	v7 =	vsel vm0, $0x80000000, v3;
	v6 =	vand.u32 $0x10, v9;
	v8, v5, _ =	vpop (xrf1)  }
0xec: {  	vm0 =	veq.s32 v6, $0x0;
	v6 =	vxor.u32 v7, v8  }
0xed: {  	v7 =	vsel vm0, $0x1, v2;
	[tilespmem:s17+$0x0] =	vst v6  }
0xee: {  	s30 =	sadd.s32 $0x10, s17;
	v6 =	vbroadcast v7, $0x0;
	[tilespmem:s18+$0x0] =	vst v5  }
0xef: {  	v5 =	vld [tilespmem:s30+$0x0]  }
0xf0: {  	s31 =	sadd.s32 $0x10, s18;
	v6 =	vand.u32 $0x1, v6  }
0xf1: {  	vm15 =	veq.s32 v6, $0x1;
	v6 =	vld [tilespmem:s31+$0x0]  }
0xf2: {  	vm1 =	vmneg vm15  }
0xf3: {  	v7 =	vsel vm1, $0xFFFFFFFF, v2  }
0xf4: {  	v5 =	vxor.u32 v7, v5  }
0xf5: {  	v5 =	vxor.u32 $0x80000000, v5  }
0xf6: {  	(xrf1) =	vsort.dscd.msk.u32 $0xffff, v5, v6;
	_ =	sdelay $0xd  }
0xf7: {  	v5 =	vsel vm15, $0x80000000, v3;
	v6, v7, _ =	vpop (xrf1)  }
0xf8: {  	v5 =	vxor.u32 v5, v6  }
0xf9: {  	[tilespmem:s30+$0x0] =	vst v5  }
0xfa: {  	s17 =	simm.s32 $0x5;
	s18 =	simm.s32 $0x1;
	[tilespmem:s31+$0x0] =	vst v7  }
.LBB2_23:
0xfb: {  	s19 =	sshll.u32 s11, s17  }
0xfc: {  	s20 =	simm.s32 $0x0;
	v5 =	vmov s19;
	s19 =	simm.s32 $0x0  }
.LBB2_24:
0xfd: {  	s21 =	ssub.s32 s17, s20  }
0xfe: {  	s21 =	sadd.s32 $0xFFFFFFFB, s21  }
0xff: {  	s22 =	sshll.u32 s12, s21;
	s23 =	sshll.u32 s11, s21  }
0x100: {  	v6 =	vmov s22;
	s21 =	sadd.s32 $0xFFFFFFF, s23;
	s22 =	ssub.s32 $0x0, s23  }
0x101: {  	s23 =	sand.u32 s22, s19;
	s24 =	sand.u32 s21, s19  }
0x102: {  	s23 =	sshll.u32 s23, $0x5;
	s24 =	sshll.u32 s24, $0x4  }
0x103: {  	s23 =	sor.u32 s24, s23  }
0x104: {  	v8 =	vld [tilespmem:s23+$0x0]  }
0x105: {  	v7 =	vld.idx.msk [tilespmem:v6+s23+$0x0 ss:$0x1], $0xffff;
	_ =	sdelay $0x2  }
0x106: {  	v9 =	vor.u32 s23, v0;
	v11 =	vld [tilespmem:s23+$0x800]  }
0x107: {  	v10 =	vld.idx.msk [tilespmem:v6+s23+$0x800 ss:$0x1], $0xffff;
	v9 =	vand.u32 v5, v9  }
0x108: {  	vm1 =	vne.s32 v9, $0x0;
	vm0 =	vgt.s32 v8, v7  }
0x109: {  	vm0 =	vmxor vm1, vm0  }
0x10a: {  	v63 =	vsel vm0, v8, v7  }
0x10b: {  	s31 =	simm.s32 $0x1;
	v7 =	vsel vm0, v7, v8;
	[tilespmem:s23+$0x0] =	vst v63  }
0x10c: {  	s25 =	sand.u32 s22, s31;
	s26 =	sand.u32 s21, s31;
	[tilespmem:v6+s23+$0x0 ss:$0x1] =	vst.idx.msk $0xffff, v7;
	v7 =	vsel vm0, v11, v10  }
0x10d: {  	s25 =	sshll.u32 s25, $0x5;
	s26 =	sshll.u32 s26, $0x4;
	s24 =	simm.s32 $0x2;
	[tilespmem:s23+$0x800] =	vst v7;
	v7 =	vsel vm0, v10, v11  }
.LBB2_25:
0x10e: {  	p0 =	sne.s32 s24, $0x1F  }
0x10f: {  	[tilespmem:v6+s23+$0x800 ss:$0x1] =	vst.idx.msk $0xffff, v7;
	s23 =	sor.u32 s26, s25;
	s25 =	smov.u32 s24;
	s24 =	sadd.s32 $0x1, s24  }
0x110: {  	v7 =	vld.idx.msk [tilespmem:v6+s23+$0x0 ss:$0x1], $0xffff;
	v8 =	vor.u32 s23, v0  }
0x111: {  	v9 =	vld [tilespmem:s23+$0x0];
	v8 =	vand.u32 v5, v8;
	_ =	sdelay $0x2  }
0x112: {  	v10 =	vld.idx.msk [tilespmem:v6+s23+$0x800 ss:$0x1], $0xffff  }
0x113: {  	v11 =	vld [tilespmem:s23+$0x800]  }
0x114: {  	vm1 =	vne.s32 v8, $0x0;
	vm0 =	vgt.s32 v9, v7  }
.Ltmp10:
0x115: {  	vm0 =	vmxor vm1, vm0;
	(pc) =	sbr.rel @p0 .LBB2_25-.Ltmp10, $4  }
0x116: {  	v8 =	vsel vm0, v9, v7;
	v7 =	vsel vm0, v7, v9  }
0x117: {  	[tilespmem:s23+$0x0] =	vst v8  }
0x118: {  	s26 =	sand.u32 s22, s25;
	s28 =	sand.u32 s21, s25;
	[tilespmem:v6+s23+$0x0 ss:$0x1] =	vst.idx.msk $0xffff, v7;
	v7 =	vsel vm0, v11, v10  }
0x119: {  	s25 =	sshll.u32 s26, $0x5;
	s26 =	sshll.u32 s28, $0x4;
	[tilespmem:s23+$0x800] =	vst v7;
	v7 =	vsel vm0, v10, v11  }
0x11a: {  	_ =	sdelay $0x3  }
0x11b: {  	s21 =	sor.u32 s26, s25;
	[tilespmem:v6+s23+$0x800 ss:$0x1] =	vst.idx.msk $0xffff, v7  }
0x11c: {  	v7 =	vld.idx.msk [tilespmem:v6+s21+$0x0 ss:$0x1], $0xffff  }
0x11d: {  	v8 =	vld [tilespmem:s21+$0x0];
	_ =	sdelay $0x2  }
0x11e: {  	v9 =	vor.u32 s21, v0;
	v10 =	vld.idx.msk [tilespmem:v6+s21+$0x800 ss:$0x1], $0xffff  }
0x11f: {  	v11 =	vld [tilespmem:s21+$0x800];
	v9 =	vand.u32 v5, v9  }
0x120: {  	s20 =	sadd.s32 $0x1, s20;
	vm1 =	vne.s32 v9, $0x0;
	vm0 =	vgt.s32 v8, v7  }
0x121: {  	p0 =	sne.s32 s20, s18;
	vm0 =	vmxor vm1, vm0  }
.Ltmp11:
0x122: {  	v63 =	vsel vm0, v8, v7;
	(pc) =	sbr.rel @p0 .LBB2_24-.Ltmp11, $4  }
0x123: {  	v7 =	vsel vm0, v7, v8;
	[tilespmem:s21+$0x0] =	vst v63  }
0x124: {  	[tilespmem:v6+s21+$0x0 ss:$0x1] =	vst.idx.msk $0xffff, v7;
	v7 =	vsel vm0, v11, v10  }
0x125: {  	[tilespmem:s21+$0x800] =	vst v7;
	v7 =	vsel vm0, v10, v11  }
0x126: {  	[tilespmem:v6+s21+$0x800 ss:$0x1] =	vst.idx.msk $0xffff, v7  }
0x127: {  	s20 =	simm.s32 $0x0  }
0x128: {  	v6 =	vld [tilespmem:s20+$0x0]  }
0x129: {  	s19 =	simm.s32 $0x800;
	s21 =	simm.s32 $0x10;
	v7 =	vor.u32 s20, v0  }
.LBB2_28:
0x12a: {  	p0 =	sne.s32 s21, $0x3F0;
	v7 =	vand.u32 v5, v7;
	v8 =	vld [tilespmem:s19+$0x0]  }
0x12b: {  	vm0 =	vne.s32 v7, $0x0  }
0x12c: {  	v7 =	vsel vm0, $0xFFFFFFFF, v2  }
0x12d: {  	v6 =	vxor.u32 v7, v6  }
0x12e: {  	v6 =	vxor.u32 $0x80000000, v6  }
0x12f: {  	(xrf1) =	vsort.dscd.msk.u32 $0xffff, v6, v8;
	_ =	sdelay $0xd  }
0x130: {  	v6 =	vsel vm0, $0x7FFFFFFF, v4;
	v7, v8, _ =	vpop (xrf1)  }
.Ltmp12:
0x131: {  	v6 =	vxor.u32 v6, v7;
	(pc) =	sbr.rel @p0 .LBB2_28-.Ltmp12, $4  }
0x132: {  	[tilespmem:s20+$0x0] =	vst v6  }
0x133: {  	s20 =	sadd.s32 $0x10, s20;
	[tilespmem:s19+$0x0] =	vst v8  }
0x134: {  	v6 =	vld [tilespmem:s20+$0x0]  }
0x135: {  	v7 =	vor.u32 s21, v0;
	s21 =	sadd.s32 $0x10, s21;
	s19 =	sadd.s32 $0x10, s19  }
0x136: {  	v5 =	vand.u32 v5, v7;
	v7 =	vld [tilespmem:s19+$0x0]  }
0x137: {  	vm0 =	vne.s32 v5, $0x0  }
0x138: {  	v5 =	vsel vm0, $0xFFFFFFFF, v2  }
0x139: {  	v5 =	vxor.u32 v5, v6  }
0x13a: {  	v5 =	vxor.u32 $0x80000000, v5  }
0x13b: {  	(xrf1) =	vsort.dscd.msk.u32 $0xffff, v5, v7;
	_ =	sdelay $0xa  }
0x13c: {  	s18 =	sadd.s32 $0x1, s18  }
0x13d: {  	p0 =	sne.s32 s18, $0x7  }
.Ltmp13:
0x13e: {  	_ = 	snop;
	(pc) =	sbr.rel @p0 .LBB2_23-.Ltmp13, $4  }
0x13f: {  	v5 =	vsel vm0, $0x7FFFFFFF, v4;
	v6, v7, _ =	vpop (xrf1)  }
0x140: {  	v5 =	vxor.u32 v5, v6  }
0x141: {  	[tilespmem:s20+$0x0] =	vst v5  }
0x142: {  	s17 =	sadd.s32 $0x1, s17;
	[tilespmem:s19+$0x0] =	vst v7  }
0x143: {  	s17 =	simm.s32 $0x0  }
0x144: {  	v5 =	vld [tilespmem:s17+$0x0]  }
0x145: {  	v6 =	vld [tilespmem:s17+$0x800];
	_ =	sdelay $0x1  }
0x146: {  	s18 =	simm.s32 $0x40  }
.LBB2_31:
0x147: {  	p0 =	sne.s32 s18, $0x7C0  }
.Ltmp14:
0x148: {  	s19 =	sshra.s32 s18, $0x2;
	s18 =	sadd.s32 $0x40, s18;
	v7 =	vshra.s32 v5, $0x1F;
	v8 =	vmov v5;
	(pc) =	sbr.rel @p0 .LBB2_31-.Ltmp14, $4  }
0x149: {  	v5 =	vld [tilespmem:s19+$0x0];
	v7 =	vand.u32 $0x7FFFFFFF, v7;
	[tilespmem:s17+$0x1200] =	vst v6  }
0x14a: {  	vm0 =	vlt.s32 v8, $0xB19194D7;
	v6 =	vld [tilespmem:s19+$0x800];
	v7 =	vxor.u32 v8, v7  }
0x14b: {  	v7 =	vsel vm0, $0xCE6E6B28, v7  }
0x14c: {  	[tilespmem:s17+$0x1000] =	vst v7;
	s17 =	smov.u32 s19  }
0x14d: {  	_ = 	snop  }
0x14e: {  	v7 =	vshra.s32 v5, $0x1F  }
0x14f: {  	s16 =	sshll.u32 s16, $0xC;
	v7 =	vand.u32 $0x7FFFFFFF, v7  }
0x150: {  	vm0 =	vlt.s32 v5, $0xB19194D7;
	s16 =	sor.u32 s7, s16;
	v7 =	vxor.u32 v5, v7  }
0x151: {  	[tilespmem:s17+$0x1200] =	vst v6;
	s16 =	sshrl.u32 s16, $0x3;
	v5 =	vsel vm0, $0xCE6E6B28, v7  }
0x152: {  	s31 =	sadd.s32 s2, s16;
	[tilespmem:s17+$0x1000] =	vst v5  }
0x153: {  	[hbm4b:s31+s9] =	stream.strided.scatter [tilespmem:s13], [sflag:$0x1], $0x200, s10, s9, $0x38;
	[tilespmem:$0x1400] =	vst v63  }
0x154: {  	s15 =	sadd.s32 $0x1, s15;
	_ =	swait.ge [sflag:s11], $0x200  }
0x155: {  	p0 =	sne.s32 s15, $0x20;
	[sflag:s11] =	ssyncset.done $0x0  }
.Ltmp15:
0x156: {  	s16 =	sadd.s32 s3, s16;
	[sflag:s11] =	ssyncadd.s32 $0xFFFFFE00;
	(pc) =	sbr.rel @p0 .LBB2_18-.Ltmp15, $4  }
0x157: {  	[hbm4b:s16+s9] =	stream.strided.scatter [tilespmem:s14], [sflag:$0x1], $0x200, s10, s9, $0x38;
	[tilespmem:$0x1400] =	vst v63  }
0x158: {  	_ =	swait.ge [sflag:s11], $0x200  }
0x159: {  	[sflag:s11] =	ssyncset.done $0x0  }
0x15a: {  	[sflag:s11] =	ssyncadd.s32 $0xFFFFFE00  }
0x15b: {  	s15 =	simm.s32 $0x20  }
.LBB2_34:
0x15c: {  	s16 =	sshll.u32 s15, $0x5  }
0x15d: {  	s16 =	sor.u32 s5, s16  }
0x15e: {  	s16 =	sshrl.u32 s16, $0x3  }
0x15f: {  	s17 =	sshll.u32 s16, $0xE  }
0x160: {  	s17 =	sor.u32 s7, s17  }
0x161: {  	s17 =	sshrl.u32 s17, $0x3  }
0x162: {  	s18 =	sadd.s32 s6, s17;
	s17 =	simm.s32 $0x0  }
0x163: {  	[tilespmem:s17], [sflag:$0x1] =	stream.strided.gather [hbm4b:s18+s9], $0x800, s10, s9, $0x38;
	[tilespmem:$0x1400] =	vst v63  }
0x164: {  	_ =	swait.ge [sflag:s11], $0x800  }
0x165: {  	[sflag:s11] =	ssyncset.done $0x0  }
0x166: {  	s18 =	simm.s32 $0x800;
	v5 =	vor.u32 s17, v0;
	[sflag:s11] =	ssyncadd.s32 $0xFFFFF800  }
0x167: {  	[tilespmem:s18+$0x0] =	vst v5  }
0x168: {  	v5 =	vld [tilespmem:s17+$0x0];
	_ =	sdelay $0x3  }
0x169: {  	v6 =	vmov s17  }
0x16a: {  	v6 =	vsub.s32 v1, v6;
	vm0 =	veq.s32 v5, $0xB19194D7  }
0x16b: {  	s19 =	simm.s32 $0x10;
	s20 =	simm.s32 $0x20;
	v6 =	vsel vm0, v6, v5  }
0x16c: {  	s22 =	simm.s32 $0x810;
	s23 =	simm.s32 $0x0;
	s21 =	simm.s32 $0x10;
	v5 =	vor.u32 s19, v0;
	[tilespmem:s17+$0x0] =	vst v6  }
.LBB2_35:
0x16d: {  	p0 =	sne.s32 s20, $0x7F0;
	[tilespmem:s22+$0x0] =	vst v5;
	s23 =	sadd.s32 $0x10, s23  }
0x16e: {  	v5 =	vld [tilespmem:s23+$0x0];
	_ =	sdelay $0x2  }
.Ltmp16:
0x16f: {  	(pc) =	sbr.rel @p0 .LBB2_35-.Ltmp16, $4  }
0x170: {  	v6 =	vmov s21;
	s21 =	smov.u32 s20  }
0x171: {  	v6 =	vsub.s32 v1, v6;
	vm0 =	veq.s32 v5, $0xB19194D7  }
0x172: {  	v6 =	vsel vm0, v6, v5  }
0x173: {  	s20 =	sadd.s32 $0x10, s20;
	s22 =	sadd.s32 $0x10, s22;
	v5 =	vor.u32 s21, v0;
	[tilespmem:s23+$0x0] =	vst v6  }
0x174: {  	[tilespmem:s22+$0x0] =	vst v5;
	s20 =	sadd.s32 $0x10, s23  }
0x175: {  	v5 =	vld [tilespmem:s20+$0x0];
	_ =	sdelay $0x2  }
0x176: {  	v6 =	vmov s17  }
0x177: {  	v7 =	vmov s21;
	v6 =	vand.u32 $0x10, v6  }
0x178: {  	v7 =	vsub.s32 v1, v7;
	vm1 =	veq.s32 v6, $0x0;
	vm0 =	veq.s32 v5, $0xB19194D7  }
0x179: {  	v6 =	vsel vm1, $0x1, v2;
	v5 =	vsel vm0, v7, v5  }
0x17a: {  	[tilespmem:s20+$0x0] =	vst v5;
	v5 =	vbroadcast v6, $0x0  }
0x17b: {  	v6 =	vld [tilespmem:s17+$0x0]  }
0x17c: {  	v5 =	vand.u32 $0x1, v5  }
0x17d: {  	vm14 =	veq.s32 v5, $0x1;
	v5 =	vld [tilespmem:s18+$0x0]  }
0x17e: {  	vm15 =	vmneg vm14  }
0x17f: {  	v7 =	vsel vm15, $0xFFFFFFFF, v2  }
0x180: {  	v6 =	vxor.u32 v7, v6  }
0x181: {  	v6 =	vxor.u32 $0x80000000, v6  }
0x182: {  	(xrf1) =	vsort.dscd.msk.u32 $0xffff, v6, v5;
	_ =	sdelay $0x9  }
0x183: {  	v5 =	vmov s19;
	_ =	sdelay $0x3  }
0x184: {  	v7 =	vsel vm14, $0x80000000, v3;
	s19 =	simm.s32 $0x20;
	v6 =	vand.u32 $0x10, v5;
	v8, v5, _ =	vpop (xrf1)  }
.LBB2_37:
0x185: {  	p0 =	sne.s32 s19, $0x7F0;
	vm0 =	veq.s32 v6, $0x0;
	v6 =	vxor.u32 v7, v8  }
0x186: {  	v7 =	vsel vm0, $0x1, v2;
	[tilespmem:s17+$0x0] =	vst v6  }
0x187: {  	s17 =	sadd.s32 $0x10, s17;
	v6 =	vbroadcast v7, $0x0;
	[tilespmem:s18+$0x0] =	vst v5  }
0x188: {  	v5 =	vld [tilespmem:s17+$0x0]  }
0x189: {  	s18 =	sadd.s32 $0x10, s18;
	v6 =	vand.u32 $0x1, v6  }
0x18a: {  	vm0 =	veq.s32 v6, $0x1;
	v6 =	vld [tilespmem:s18+$0x0]  }
0x18b: {  	vm1 =	vmneg vm0  }
0x18c: {  	v7 =	vsel vm1, $0xFFFFFFFF, v2  }
0x18d: {  	v5 =	vxor.u32 v7, v5  }
0x18e: {  	v5 =	vxor.u32 $0x80000000, v5  }
0x18f: {  	(xrf1) =	vsort.dscd.msk.u32 $0xffff, v5, v6;
	_ =	sdelay $0x9  }
.Ltmp17:
0x190: {  	(pc) =	sbr.rel @p0 .LBB2_37-.Ltmp17, $3  }
0x191: {  	_ =	sdelay $0x1  }
0x192: {  	v9 =	vmov s19  }
0x193: {  	s19 =	sadd.s32 $0x10, s19;
	v7 =	vsel vm0, $0x80000000, v3;
	v6 =	vand.u32 $0x10, v9;
	v8, v5, _ =	vpop (xrf1)  }
0x194: {  	vm0 =	veq.s32 v6, $0x0;
	v6 =	vxor.u32 v7, v8  }
0x195: {  	v7 =	vsel vm0, $0x1, v2;
	[tilespmem:s17+$0x0] =	vst v6  }
0x196: {  	s30 =	sadd.s32 $0x10, s17;
	v6 =	vbroadcast v7, $0x0;
	[tilespmem:s18+$0x0] =	vst v5  }
0x197: {  	v5 =	vld [tilespmem:s30+$0x0]  }
0x198: {  	s31 =	sadd.s32 $0x10, s18;
	v6 =	vand.u32 $0x1, v6  }
0x199: {  	vm15 =	veq.s32 v6, $0x1;
	v6 =	vld [tilespmem:s31+$0x0]  }
0x19a: {  	vm1 =	vmneg vm15  }
0x19b: {  	v7 =	vsel vm1, $0xFFFFFFFF, v2  }
0x19c: {  	v5 =	vxor.u32 v7, v5  }
0x19d: {  	v5 =	vxor.u32 $0x80000000, v5  }
0x19e: {  	(xrf1) =	vsort.dscd.msk.u32 $0xffff, v5, v6;
	_ =	sdelay $0xd  }
0x19f: {  	v5 =	vsel vm15, $0x80000000, v3;
	v6, v7, _ =	vpop (xrf1)  }
0x1a0: {  	v5 =	vxor.u32 v5, v6  }
0x1a1: {  	[tilespmem:s30+$0x0] =	vst v5  }
0x1a2: {  	s17 =	simm.s32 $0x5;
	s18 =	simm.s32 $0x1;
	[tilespmem:s31+$0x0] =	vst v7  }
.LBB2_39:
0x1a3: {  	s19 =	sshll.u32 s11, s17  }
0x1a4: {  	s20 =	simm.s32 $0x0;
	v5 =	vmov s19;
	s19 =	simm.s32 $0x0  }
.LBB2_40:
0x1a5: {  	s21 =	ssub.s32 s17, s20  }
0x1a6: {  	s21 =	sadd.s32 $0xFFFFFFFB, s21  }
0x1a7: {  	s22 =	sshll.u32 s12, s21;
	s23 =	sshll.u32 s11, s21  }
0x1a8: {  	v6 =	vmov s22;
	s21 =	sadd.s32 $0xFFFFFFF, s23;
	s22 =	ssub.s32 $0x0, s23  }
0x1a9: {  	s23 =	sand.u32 s22, s19;
	s24 =	sand.u32 s21, s19  }
0x1aa: {  	s23 =	sshll.u32 s23, $0x5;
	s24 =	sshll.u32 s24, $0x4  }
0x1ab: {  	s23 =	sor.u32 s24, s23  }
0x1ac: {  	v8 =	vld [tilespmem:s23+$0x0]  }
0x1ad: {  	v7 =	vld.idx.msk [tilespmem:v6+s23+$0x0 ss:$0x1], $0xffff;
	_ =	sdelay $0x2  }
0x1ae: {  	v9 =	vor.u32 s23, v0;
	v11 =	vld [tilespmem:s23+$0x800]  }
0x1af: {  	v10 =	vld.idx.msk [tilespmem:v6+s23+$0x800 ss:$0x1], $0xffff;
	v9 =	vand.u32 v5, v9  }
0x1b0: {  	vm1 =	vne.s32 v9, $0x0;
	vm0 =	vgt.s32 v8, v7  }
0x1b1: {  	vm0 =	vmxor vm1, vm0  }
0x1b2: {  	v63 =	vsel vm0, v8, v7  }
0x1b3: {  	s31 =	simm.s32 $0x1;
	v7 =	vsel vm0, v7, v8;
	[tilespmem:s23+$0x0] =	vst v63  }
0x1b4: {  	s25 =	sand.u32 s22, s31;
	s26 =	sand.u32 s21, s31;
	[tilespmem:v6+s23+$0x0 ss:$0x1] =	vst.idx.msk $0xffff, v7;
	v7 =	vsel vm0, v11, v10  }
0x1b5: {  	s25 =	sshll.u32 s25, $0x5;
	s26 =	sshll.u32 s26, $0x4;
	s24 =	simm.s32 $0x2;
	[tilespmem:s23+$0x800] =	vst v7;
	v7 =	vsel vm0, v10, v11  }
.LBB2_41:
0x1b6: {  	p0 =	sne.s32 s24, $0x3F  }
0x1b7: {  	[tilespmem:v6+s23+$0x800 ss:$0x1] =	vst.idx.msk $0xffff, v7;
	s23 =	sor.u32 s26, s25;
	s25 =	smov.u32 s24;
	s24 =	sadd.s32 $0x1, s24  }
0x1b8: {  	v7 =	vld.idx.msk [tilespmem:v6+s23+$0x0 ss:$0x1], $0xffff;
	v8 =	vor.u32 s23, v0  }
0x1b9: {  	v9 =	vld [tilespmem:s23+$0x0];
	v8 =	vand.u32 v5, v8;
	_ =	sdelay $0x2  }
0x1ba: {  	v10 =	vld.idx.msk [tilespmem:v6+s23+$0x800 ss:$0x1], $0xffff  }
0x1bb: {  	v11 =	vld [tilespmem:s23+$0x800]  }
0x1bc: {  	vm1 =	vne.s32 v8, $0x0;
	vm0 =	vgt.s32 v9, v7  }
.Ltmp18:
0x1bd: {  	vm0 =	vmxor vm1, vm0;
	(pc) =	sbr.rel @p0 .LBB2_41-.Ltmp18, $4  }
0x1be: {  	v8 =	vsel vm0, v9, v7;
	v7 =	vsel vm0, v7, v9  }
0x1bf: {  	[tilespmem:s23+$0x0] =	vst v8  }
0x1c0: {  	s26 =	sand.u32 s22, s25;
	s28 =	sand.u32 s21, s25;
	[tilespmem:v6+s23+$0x0 ss:$0x1] =	vst.idx.msk $0xffff, v7;
	v7 =	vsel vm0, v11, v10  }
0x1c1: {  	s25 =	sshll.u32 s26, $0x5;
	s26 =	sshll.u32 s28, $0x4;
	[tilespmem:s23+$0x800] =	vst v7;
	v7 =	vsel vm0, v10, v11  }
0x1c2: {  	_ =	sdelay $0x3  }
0x1c3: {  	s21 =	sor.u32 s26, s25;
	[tilespmem:v6+s23+$0x800 ss:$0x1] =	vst.idx.msk $0xffff, v7  }
0x1c4: {  	v7 =	vld.idx.msk [tilespmem:v6+s21+$0x0 ss:$0x1], $0xffff  }
0x1c5: {  	v8 =	vld [tilespmem:s21+$0x0];
	_ =	sdelay $0x2  }
0x1c6: {  	v9 =	vor.u32 s21, v0;
	v10 =	vld.idx.msk [tilespmem:v6+s21+$0x800 ss:$0x1], $0xffff  }
0x1c7: {  	v11 =	vld [tilespmem:s21+$0x800];
	v9 =	vand.u32 v5, v9  }
0x1c8: {  	s20 =	sadd.s32 $0x1, s20;
	vm1 =	vne.s32 v9, $0x0;
	vm0 =	vgt.s32 v8, v7  }
0x1c9: {  	p0 =	sne.s32 s20, s18;
	vm0 =	vmxor vm1, vm0  }
.Ltmp19:
0x1ca: {  	v63 =	vsel vm0, v8, v7;
	(pc) =	sbr.rel @p0 .LBB2_40-.Ltmp19, $4  }
0x1cb: {  	v7 =	vsel vm0, v7, v8;
	[tilespmem:s21+$0x0] =	vst v63  }
0x1cc: {  	[tilespmem:v6+s21+$0x0 ss:$0x1] =	vst.idx.msk $0xffff, v7;
	v7 =	vsel vm0, v11, v10  }
0x1cd: {  	[tilespmem:s21+$0x800] =	vst v7;
	v7 =	vsel vm0, v10, v11  }
0x1ce: {  	[tilespmem:v6+s21+$0x800 ss:$0x1] =	vst.idx.msk $0xffff, v7  }
0x1cf: {  	s20 =	simm.s32 $0x0  }
0x1d0: {  	v6 =	vld [tilespmem:s20+$0x0]  }
0x1d1: {  	s19 =	simm.s32 $0x800;
	s21 =	simm.s32 $0x10;
	v7 =	vor.u32 s20, v0  }
.LBB2_44:
0x1d2: {  	p0 =	sne.s32 s21, $0x7F0;
	v7 =	vand.u32 v5, v7;
	v8 =	vld [tilespmem:s19+$0x0]  }
0x1d3: {  	vm0 =	vne.s32 v7, $0x0  }
0x1d4: {  	v7 =	vsel vm0, $0xFFFFFFFF, v2  }
0x1d5: {  	v6 =	vxor.u32 v7, v6  }
0x1d6: {  	v6 =	vxor.u32 $0x80000000, v6  }
0x1d7: {  	(xrf1) =	vsort.dscd.msk.u32 $0xffff, v6, v8;
	_ =	sdelay $0xd  }
0x1d8: {  	v6 =	vsel vm0, $0x7FFFFFFF, v4;
	v7, v8, _ =	vpop (xrf1)  }
.Ltmp20:
0x1d9: {  	v6 =	vxor.u32 v6, v7;
	(pc) =	sbr.rel @p0 .LBB2_44-.Ltmp20, $4  }
0x1da: {  	[tilespmem:s20+$0x0] =	vst v6  }
0x1db: {  	s20 =	sadd.s32 $0x10, s20;
	[tilespmem:s19+$0x0] =	vst v8  }
0x1dc: {  	v6 =	vld [tilespmem:s20+$0x0]  }
0x1dd: {  	v7 =	vor.u32 s21, v0;
	s21 =	sadd.s32 $0x10, s21;
	s19 =	sadd.s32 $0x10, s19  }
0x1de: {  	v5 =	vand.u32 v5, v7;
	v7 =	vld [tilespmem:s19+$0x0]  }
0x1df: {  	vm0 =	vne.s32 v5, $0x0  }
0x1e0: {  	v5 =	vsel vm0, $0xFFFFFFFF, v2  }
0x1e1: {  	v5 =	vxor.u32 v5, v6  }
0x1e2: {  	v5 =	vxor.u32 $0x80000000, v5  }
0x1e3: {  	(xrf1) =	vsort.dscd.msk.u32 $0xffff, v5, v7;
	_ =	sdelay $0xa  }
0x1e4: {  	s18 =	sadd.s32 $0x1, s18  }
0x1e5: {  	p0 =	sne.s32 s18, $0x8  }
.Ltmp21:
0x1e6: {  	_ = 	snop;
	(pc) =	sbr.rel @p0 .LBB2_39-.Ltmp21, $4  }
0x1e7: {  	v5 =	vsel vm0, $0x7FFFFFFF, v4;
	v6, v7, _ =	vpop (xrf1)  }
0x1e8: {  	v5 =	vxor.u32 v5, v6  }
0x1e9: {  	[tilespmem:s20+$0x0] =	vst v5  }
0x1ea: {  	s17 =	sadd.s32 $0x1, s17;
	[tilespmem:s19+$0x0] =	vst v7  }
0x1eb: {  	s17 =	simm.s32 $0x0  }
0x1ec: {  	v5 =	vld [tilespmem:s17+$0x0]  }
0x1ed: {  	v6 =	vld [tilespmem:s17+$0x800];
	_ =	sdelay $0x1  }
0x1ee: {  	s18 =	simm.s32 $0x40  }
.LBB2_47:
0x1ef: {  	p0 =	sne.s32 s18, $0x7C0  }
.Ltmp22:
0x1f0: {  	s19 =	sshra.s32 s18, $0x2;
	s18 =	sadd.s32 $0x40, s18;
	v7 =	vshra.s32 v5, $0x1F;
	v8 =	vmov v5;
	(pc) =	sbr.rel @p0 .LBB2_47-.Ltmp22, $4  }
0x1f1: {  	v5 =	vld [tilespmem:s19+$0x0];
	v7 =	vand.u32 $0x7FFFFFFF, v7;
	[tilespmem:s17+$0x1200] =	vst v6  }
0x1f2: {  	vm0 =	vlt.s32 v8, $0xB19194D7;
	v6 =	vld [tilespmem:s19+$0x800];
	v7 =	vxor.u32 v8, v7  }
0x1f3: {  	v7 =	vsel vm0, $0xCE6E6B28, v7  }
0x1f4: {  	[tilespmem:s17+$0x1000] =	vst v7;
	s17 =	smov.u32 s19  }
0x1f5: {  	_ = 	snop  }
0x1f6: {  	v7 =	vshra.s32 v5, $0x1F  }
0x1f7: {  	s16 =	sshll.u32 s16, $0xC;
	v7 =	vand.u32 $0x7FFFFFFF, v7  }
0x1f8: {  	vm0 =	vlt.s32 v5, $0xB19194D7;
	s16 =	sor.u32 s7, s16;
	v7 =	vxor.u32 v5, v7  }
0x1f9: {  	[tilespmem:s17+$0x1200] =	vst v6;
	s16 =	sshrl.u32 s16, $0x3;
	v5 =	vsel vm0, $0xCE6E6B28, v7  }
0x1fa: {  	s31 =	sadd.s32 s2, s16;
	[tilespmem:s17+$0x1000] =	vst v5  }
0x1fb: {  	[hbm4b:s31+s9] =	stream.strided.scatter [tilespmem:s13], [sflag:$0x1], $0x200, s10, s9, $0x38;
	[tilespmem:$0x1400] =	vst v63  }
0x1fc: {  	s15 =	sadd.s32 $0x1, s15;
	_ =	swait.ge [sflag:s11], $0x200  }
0x1fd: {  	p0 =	sne.s32 s15, $0x40;
	[sflag:s11] =	ssyncset.done $0x0  }
.Ltmp23:
0x1fe: {  	s16 =	sadd.s32 s3, s16;
	[sflag:s11] =	ssyncadd.s32 $0xFFFFFE00;
	(pc) =	sbr.rel @p0 .LBB2_34-.Ltmp23, $4  }
0x1ff: {  	[hbm4b:s16+s9] =	stream.strided.scatter [tilespmem:s14], [sflag:$0x1], $0x200, s10, s9, $0x38;
	[tilespmem:$0x1400] =	vst v63  }
0x200: {  	_ =	swait.ge [sflag:s11], $0x200  }
0x201: {  	[sflag:s11] =	ssyncset.done $0x0  }
0x202: {  	[sflag:s11] =	ssyncadd.s32 $0xFFFFFE00  }
0x203: {  	s4 =	sadd.s32 $0x1, s4  }
0x204: {  	p0 =	sne.s32 s4, s8  }
.Ltmp24:
0x205: {  	_ = 	snop;
	(pc) =	sbr.rel @p0 .LBB2_1-.Ltmp24, $1  }
0x206: {  	_ =	sdelay $0x3  }
0x207: {  	_ =	sfence.sel $0x180000  }
0x208: {  	[bflag:$0x0] =	sbarrier.arrive $0xFFFF  }
0x209: {  	p0 =	sne.s32 s1, $0x0;
	_ =	strace $0x9000004D  }
0x20a: {  	s0 =	sadd.s32 @!p0 $0x100000, s0;
	[bflag:$0x2] =	sbarrier.arrive $0xFFFF  }
0x20b: {  	[sflag:s0] =	ssyncadd.tile.s32 @!p0 $0x1;
	_ =	shalt  }
.Lfunc_end2:
_tile_overlayer_lowered:
.L_overlay_start_2:
0x20c: {  	(tag) =	ssettag $0x2  }
0x20d: {  	s0 =	rddreg [dreg:$0x0];
	s2 =	stileid.u32  }
0x20e: {  	s1 =	rddreg [dreg:$0x1];
	p0 =	sne.s32 s2, $0x0  }
0x20f: {  	s3 =	rddreg [dreg:$0x2];
	[bflag:$0x3] =	sbarrier.arrive $0xFFFF;
	s2 =	simm.s32 @!p0 $0x1C01  }
0x210: {  	[timem:s3], [sflag:s2] =	dma.local @!p0 [hbm:s0], s1  }
0x211: {  	s0 =	simm.s32 @!p0 $0x1  }
0x212: {  	_ =	swait.ge @!p0 [sflag:s0], s1  }
0x213: {  	s1 =	ssub.s32 @!p0 $0x0, s1;
	[sflag:s0] =	ssyncset.done @!p0 $0x0  }
0x214: {  	[sflag:s0] =	ssyncadd.s32 @!p0 s1  }
0x215: {  	[bflag:$0x3] =	sbarrier.arrive $0xFFFF  }
0x216: {  	_ =	shalt  }

// kernel: sparse-core-data-format-call.1.cloned.1.call-start
scs
called_computation.1_lowered:
.L_overlay_start_0:
0x0: {  	s1 =	sld [smem:$0x3FD9]  }
0x1: {  	s2 =	sld [smem:$0x3FFE];
	_ =	sdelay $0x1  }
0x2: {  	s3 =	srdreg.scid  }
0x3: {  	s0 =	sand.u32 $0x1, s3  }
0x4: {  	s17 =	sshll.u32 s0, $0xA;
	s1 =	sadd.s32 s2, s1  }
0x5: {  	s1 =	sadd.s32 s1, s17  }
0x6: {  	[smem:$0x3FC2] =	sst s1  }
0x7: {  	_ = 	snop  }
0x8: {  	(tm) =	ssettm $0x1  }
0x9: {  	s18 =	sld [smem:$0x3FFB];
	_ =	sdelay $0x3  }
0xa: {  	_ =	strace s18  }
0xb: {  	s1 =	sld [smem:$0x3FFC];
	_ =	sdelay $0x3  }
0xc: {  	_ =	strace s1  }
0xd: {  	s1 =	sld [smem:$0x3FFD];
	_ =	sdelay $0x3  }
0xe: {  	_ =	strace s1  }
0xf: {  	_ =	strace $0x8FFFFFFF  }
0x10: {  	s19 =	sld [smem:$0x3FDB];
	_ =	sdelay $0x1  }
0x11: {  	s20 =	simm.s32 $_scs_section_size  }
0x12: {  	s4 =	simm.s32 $_size__tile_overlayer_lowered;
	s5 =	simm.s32 $_tile_overlayer_lowered  }
0x13: {  	s23 =	simm.s32 $0x1BFF;
	s22 =	sshll.u32 s5, $0x1;
	s1 =	sadd.s32 s20, s19  }
0x14: {  	s6 =	simm.s32 $0x0;
	s21 =	sshll.u32 s4, $0x1;
	s4 =	sadd.s32 s22, s1  }
0x15: {  	[timem:s6], [sflag:s23] =	dma.local [hbm:s4], s21  }
0x16: {  	_ =	swait.ge [sflag:s23], s21  }
0x17: {  	s2 =	ssub.s32 $0x0, s21;
	[sflag:s23] =	ssyncset.done $0x0  }
0x18: {  	[sflag:s23] =	ssyncadd.s32 s2;
	_ =	sdelay $0x1  }
0x19: {  	s24 =	simm.s32 $0x1B8B  }
0x1a: {  	_ =	swait.ge [sflag:s24], $0x1  }
0x1b: {  	[sflag:s24] =	ssyncset.done $0x0  }
0x1c: {  	s26 =	simm.s32 $0x1B8E;
	s25 =	sld [smem:$0x3FFE];
	[sflag:s24] =	ssyncadd.s32 $0xFFFFFFFF  }
0x1d: {  	s27 =	simm.s32 $execute0_lowered;
	[smem:$0x3FD2] =	sst s26  }
0x1e: {  	s4 =	sshll.u32 s27, $0x1;
	_ =	strace $0x80000046;
	[dreg:$0x1] =	wrdreg $0xFFFFFFFF  }
0x1f: {  	s28 =	simm.s32 $_size_execute0_lowered;
	s1 =	sadd.s32 s1, s4;
	[dreg:$0x0] =	wrdreg $0x0  }
0x20: {  	s4 =	sshll.u32 s28, $0x1;
	[dreg:$0x2] =	wrdreg s1  }
0x21: {  	[dreg:$0x3] =	wrdreg s4  }
0x22: {  	[dreg:$0x4] =	wrdreg $0xC0  }
0x23: {  	_ =	task [dreg:s6], $0x5FFFF  }
0x24: {  	[dreg:$0x1] =	wrdreg $0xFFFFFFFF  }
0x25: {  	[dreg:$0x0] =	wrdreg $0x60  }
0x26: {  	[dreg:$0x2] =	wrdreg s25  }
0x27: {  	[dreg:$0x3] =	wrdreg $0x9  }
0x28: {  	_ =	task.clear_ibuf [dreg:s6], $0x4FFFF;
	_ =	strace $0x90000046  }
0x29: {  	s29 =	simm.s32 $0x9;
	_ =	strace $0x80000048  }
0x2a: {  	_ =	swait.ge [sflag:s29], $0x1  }
0x2b: {  	[sflag:s29] =	ssyncadd.s32 $0xFFFFFFFF  }
0x2c: {  	_ =	strace $0x90000048  }
0x2d: {  	_ =	sfence  }
0x2e: {  	s30 =	sld [smem:$0x0];
	_ =	sdelay $0x2  }
0x2f: {  	s31 =	sshll.u32 s3, $0xD;
	s3 =	sshrl.u32 s3, $0x2  }
0x30: {  	s2 =	sand.u32 $0x4000, s31;
	s1 =	sadd.s32 s3, s30  }
0x31: {  	s0 =	sor.u32 s2, s0;
	s1 =	sshll.u32 s1, $0x11  }
0x32: {  	s0 =	sor.u32 s1, s0  }
0x33: {  	s0 =	sadd.s32 $0x8F2B, s0  }
0x34: {  	[sflag:s0] =	ssyncadd.remote.s32 $0x1  }
0x35: {  	_ =	sfence.sel $0xFFFF  }
0x36: {  	[dreg:$0x0] =	wrdreg $0xFFFFFFFF;
	(pc) =	sbr.abs _section_cstart, $3  }
0x37: {  	[dreg:$0x1] =	wrdreg $0xFFFFFFFF  }
0x38: {  	_ =	task.clear_ibuf [dreg:s6], $0x2FFFF;
	_ =	strace $0x9FFFFFFF  }
0x39: {  	(tm) =	ssettm $0x7FFFFFFF  }
tec
execute0_lowered:
.L_overlay_start_1:
0x0: {  	(tag) =	ssettag $0x1  }
0x1: {  	s1 =	rddreg [dreg:$0x0]  }
0x2: {  	s0 =	rddreg [dreg:$0x1]  }
0x3: {  	_ =	strace $0x80000047;
	s4 =	srdreg.scid;
	s6 =	simm.s32 $0x2  }
0x4: {  	s11 =	simm.s32 $0x0;
	p0 =	por $0x0, $0x0;
	s7 =	simm.s32 $0x1000  }
.Ltmp0:
0x5: {  	s12 =	simm.s32 $0x0;
	s9 =	simm.s32 $0x0;
	(pc) =	sbr.rel .LBB1_1-.Ltmp0, $4  }
0x6: {  	s2 =	sadd.s32 $0x4000, s1;
	s3 =	sadd.s32 $0x104000, s1;
	s5 =	sshll.u32 s4, $0x4  }
0x7: {  	s1 =	stileid.u32;
	s4 =	simm.s32 $0x1;
	s5 =	sand.u32 $0x10, s5  }
0x8: {  	s8 =	simm.s32 $0x0;
	[sflag:s4] =	ssyncpa.u1 $0x0;
	s5 =	sor.u32 s1, s5  }
0x9: {  	[sflag:s6] =	ssyncpa.u1 $0x0;
	s6 =	simm.s32 $0x800;
	s10 =	smov.u32 s5  }
.LBB1_7:
0xa: {  	s13 =	sadd.s32 $0x10, s9  }
0xb: {  	s11 =	sadd.s32 $0x20, s10;
	s15 =	smov.u32 s10;
	p2 =	sgt.s32 s13, $0x1F  }
0xc: {  	p1 =	slt.u32 s8, $0x2;
	s15 =	smov.u32 @p2 s11  }
0xd: {  	s8 =	sadd.s32 $0x1, s8;
	s13 =	simm.s32 @p2 $0x0;
	p2 =	sgt.s32 s15, $0xFF  }
0xe: {  	s15 =	smov.u32 @p2 s5;
	p2 =	sne.s32 s8, $0x12  }
.Ltmp1:
0xf: {  	_ = 	snop;
	(pc) =	sbr.rel @!p2 .LBB1_8-.Ltmp1, $4  }
0x10: {  	s14 =	simm.s32 @!p1 $0x2  }
0x11: {  	s12 =	smov.u32 s10;
	_ =	swait.ge @!p1 [sflag:s14], $0x4000  }
0x12: {  	p0 =	por !p0, !p0;
	s11 =	smov.u32 s9;
	[sflag:s14] =	ssyncset.done @!p1 $0x0  }
0x13: {  	s9 =	smov.u32 s13;
	[sflag:s14] =	ssyncadd.s32 @!p1 $0xFFFFC000;
	s10 =	smov.u32 s15  }
.LBB1_1:
0x14: {  	p1 =	sgt.u32 s8, $0xF  }
0x15: {  	s13 =	sxor.u32 @!p1 $0xFFFFFFFF, s8;
	s14 =	sshll.u32 @!p1 s10, $0xC  }
0x16: {  	s15 =	sshll.u32 @!p1 s9, $0x7;
	s13 =	sshll.u32 @!p1 s13, $0xE;
	s14 =	sadd.s32 @!p1 s2, s14  }
0x17: {  	s13 =	sand.u32 @!p1 $0x4000, s13;
	s14 =	sadd.s32 @!p1 s15, s14;
	s15 =	simm.s32 @!p1 $0x0  }
0x18: {  	[tilespmem:s13], [sflag:$0x1] =	stream.linear.gather @!p1 [hbm4b:s14+s15], $0x4000, $0x38;
	[tilespmem:$0x10000] =	vst v63  }
0x19: {  	p1 =	seq.s32 s8, $0x0  }
0x1a: {  	p2 =	seq.s32 @!p1 s8, $0x11  }
0x1b: {  	p1 =	por p1, p2  }
.Ltmp2:
0x1c: {  	_ = 	snop;
	(pc) =	sbr.rel @p1 .LBB1_7-.Ltmp2, $1  }
0x1d: {  	_ =	sdelay $0x3  }
0x1e: {  	s13 =	simm.s32 $0x1;
	_ =	swait.ge [sflag:s4], $0x4000;
	s16 =	sshll.u32 s8, $0xE  }
0x1f: {  	s13 =	simm.s32 @!p0 $0x0;
	[sflag:s4] =	ssyncset.done $0x0;
	s31 =	sand.u32 $0x4000, s16  }
0x20: {  	s16 =	simm.s32 $0x0;
	s14 =	sshll.u32 s13, $0xE;
	[sflag:s4] =	ssyncadd.s32 $0xFFFFC000  }
0x21: {  	s13 =	sor.u32 $0x8040, s14;
	s15 =	sor.u32 $0x40, s14;
	s14 =	sor.u32 $0x8000, s31  }
.LBB1_3:
0x22: {  	v0 =	vmov s15;
	_ =	sdelay $0x3  }
0x23: {  	s18 =	simm.s32 $0x0  }
0x24: {  	v6 =	vld.idx.msk [tilespmem:v0+s18+$0x30 ss:$0x1], $0xffff  }
0x25: {  	v7 =	vld.idx.msk [tilespmem:v0+s18+$0xFFFFFFC0 ss:$0x1], $0xffff  }
0x26: {  	v5 =	vld.idx.msk [tilespmem:v0+s18+$0xFFFFFFD0 ss:$0x1], $0xffff  }
0x27: {  	v4 =	vld.idx.msk [tilespmem:v0+s18+$0xFFFFFFE0 ss:$0x1], $0xffff  }
0x28: {  	v3 =	vld.idx.msk [tilespmem:v0+s18+$0xFFFFFFF0 ss:$0x1], $0xffff  }
0x29: {  	v1 =	vld.idx.msk [tilespmem:v0+s18+$0x0 ss:$0x1], $0xffff  }
0x2a: {  	v2 =	vld.idx.msk [tilespmem:v0+s18+$0x10 ss:$0x1], $0xffff;
	[tilespmem:s13+$0x30] =	vst v6  }
0x2b: {  	s17 =	simm.s32 $0x80;
	s19 =	simm.s32 $0x400;
	[tilespmem:s13+$0xFFFFFFC0] =	vst v7;
	v6 =	vld.idx.msk [tilespmem:v0+s18+$0x20 ss:$0x1], $0xffff;
	s18 =	smov.u32 s13  }
.LBB1_4:
0x2c: {  	p1 =	sne.s32 s19, $0xE00;
	v7 =	vld.idx.msk [tilespmem:v0+s17+$0x30 ss:$0x1], $0xffff;
	[tilespmem:s18+$0xFFFFFFD0] =	vst v5  }
0x2d: {  	v8 =	vld.idx.msk [tilespmem:v0+s17+$0xFFFFFFC0 ss:$0x1], $0xffff;
	[tilespmem:s18+$0xFFFFFFE0] =	vst v4  }
0x2e: {  	v5 =	vld.idx.msk [tilespmem:v0+s17+$0xFFFFFFD0 ss:$0x1], $0xffff;
	[tilespmem:s18+$0xFFFFFFF0] =	vst v3  }
.Ltmp3:
0x2f: {  	v4 =	vld.idx.msk [tilespmem:v0+s17+$0xFFFFFFE0 ss:$0x1], $0xffff;
	[tilespmem:s18+$0x0] =	vst v1;
	(pc) =	sbr.rel @p1 .LBB1_4-.Ltmp3, $4  }
0x30: {  	v3 =	vld.idx.msk [tilespmem:v0+s17+$0xFFFFFFF0 ss:$0x1], $0xffff;
	[tilespmem:s18+$0x10] =	vst v2  }
0x31: {  	v1 =	vld.idx.msk [tilespmem:v0+s17+$0x0 ss:$0x1], $0xffff;
	[tilespmem:s18+$0x20] =	vst v6;
	s18 =	sadd.s32 $0x800, s18  }
0x32: {  	v2 =	vld.idx.msk [tilespmem:v0+s17+$0x10 ss:$0x1], $0xffff;
	[tilespmem:s18+$0x30] =	vst v7  }
0x33: {  	[tilespmem:s18+$0xFFFFFFC0] =	vst v8;
	v6 =	vld.idx.msk [tilespmem:v0+s17+$0x20 ss:$0x1], $0xffff;
	s17 =	sshra.s32 s19, $0x2;
	s19 =	sadd.s32 $0x200, s19  }
0x34: {  	_ =	sdelay $0x2  }
0x35: {  	[tilespmem:s18+$0xFFFFFFD0] =	vst v5  }
0x36: {  	v56 =	vld.idx.msk [tilespmem:v0+s17+$0x30 ss:$0x1], $0xffff;
	[tilespmem:s18+$0xFFFFFFE0] =	vst v4  }
0x37: {  	v57 =	vld.idx.msk [tilespmem:v0+s17+$0xFFFFFFC0 ss:$0x1], $0xffff;
	[tilespmem:s18+$0xFFFFFFF0] =	vst v3  }
0x38: {  	v58 =	vld.idx.msk [tilespmem:v0+s17+$0xFFFFFFD0 ss:$0x1], $0xffff;
	[tilespmem:s18+$0x0] =	vst v1  }
0x39: {  	v59 =	vld.idx.msk [tilespmem:v0+s17+$0xFFFFFFE0 ss:$0x1], $0xffff;
	[tilespmem:s18+$0x10] =	vst v2  }
0x3a: {  	v60 =	vld.idx.msk [tilespmem:v0+s17+$0xFFFFFFF0 ss:$0x1], $0xffff;
	s31 =	sadd.s32 $0x800, s18;
	[tilespmem:s18+$0x20] =	vst v6  }
0x3b: {  	v61 =	vld.idx.msk [tilespmem:v0+s17+$0x0 ss:$0x1], $0xffff;
	[tilespmem:s31+$0x30] =	vst v56  }
0x3c: {  	v62 =	vld.idx.msk [tilespmem:v0+s17+$0x10 ss:$0x1], $0xffff;
	s16 =	sadd.s32 $0x1, s16;
	[tilespmem:s31+$0xFFFFFFC0] =	vst v57  }
0x3d: {  	v63 =	vld.idx.msk [tilespmem:v0+s17+$0x20 ss:$0x1], $0xffff;
	p1 =	sne.s32 s16, $0x10;
	[tilespmem:s31+$0xFFFFFFD0] =	vst v58  }
.Ltmp4:
0x3e: {  	[tilespmem:s31+$0xFFFFFFE0] =	vst v59;
	(pc) =	sbr.rel @p1 .LBB1_3-.Ltmp4, $4  }
0x3f: {  	[tilespmem:s31+$0xFFFFFFF0] =	vst v60  }
0x40: {  	[tilespmem:s31+$0x0] =	vst v61  }
0x41: {  	[tilespmem:s31+$0x10] =	vst v62  }
0x42: {  	s13 =	sadd.s32 $0x80, s13;
	s15 =	sadd.s32 $0x400, s15;
	[tilespmem:s31+$0x20] =	vst v63  }
.Ltmp5:
0x43: {  	(pc) =	sbr.rel .LBB1_7-.Ltmp5, $4  }
0x44: {  	s12 =	sshll.u32 s12, $0xC;
	s11 =	sshll.u32 s11, $0x4  }
0x45: {  	s11 =	sand.u32 $0x1F0, s11;
	s12 =	sadd.s32 s3, s12  }
0x46: {  	s11 =	sadd.s32 s11, s12  }
0x47: {  	[hbm4b:s11+s6] =	stream.strided.scatter [tilespmem:s14], [sflag:$0x2], $0x4000, s7, s6, $0x38;
	[tilespmem:$0x10000] =	vst v63  }
.LBB1_8:
0x48: {  	_ =	sfence.sel $0x180000  }
0x49: {  	s2 =	simm.s32 $0x1;
	[bflag:$0x0] =	sbarrier.arrive $0xFFFF  }
0x4a: {  	s31 =	simm.s32 $0x2;
	[sflag:s2] =	ssyncpa.u1 $0x1  }
0x4b: {  	[sflag:s31] =	ssyncpa.u1 $0x1  }
0x4c: {  	p0 =	sne.s32 s1, $0x0;
	_ =	strace $0x90000047  }
0x4d: {  	s0 =	sadd.s32 @!p0 $0x100000, s0;
	[bflag:$0x2] =	sbarrier.arrive $0xFFFF  }
0x4e: {  	[sflag:s0] =	ssyncadd.tile.s32 @!p0 $0x1;
	_ =	shalt  }
.Lfunc_end1:
_tile_overlayer_lowered:
.L_overlay_start_2:
0x4f: {  	(tag) =	ssettag $0x2  }
0x50: {  	s0 =	rddreg [dreg:$0x0];
	s2 =	stileid.u32  }
0x51: {  	s1 =	rddreg [dreg:$0x1];
	p0 =	sne.s32 s2, $0x0  }
0x52: {  	s3 =	rddreg [dreg:$0x2];
	[bflag:$0x3] =	sbarrier.arrive $0xFFFF;
	s2 =	simm.s32 @!p0 $0x1C01  }
0x53: {  	[timem:s3], [sflag:s2] =	dma.local @!p0 [hbm:s0], s1  }
0x54: {  	s0 =	simm.s32 @!p0 $0x1  }
0x55: {  	_ =	swait.ge @!p0 [sflag:s0], s1  }
0x56: {  	s1 =	ssub.s32 @!p0 $0x0, s1;
	[sflag:s0] =	ssyncset.done @!p0 $0x0  }
0x57: {  	[sflag:s0] =	ssyncadd.s32 @!p0 s1  }
0x58: {  	[bflag:$0x3] =	sbarrier.arrive $0xFFFF  }
0x59: {  	_ =	shalt  }

// kernel: sparse-core-data-format-call.cloned.1.call-start
scs
called_computation_lowered:
.L_overlay_start_0:
0x0: {  	s1 =	sld [smem:$0x3FD9]  }
0x1: {  	s2 =	sld [smem:$0x3FFE];
	_ =	sdelay $0x1  }
0x2: {  	s3 =	srdreg.scid  }
0x3: {  	s0 =	sand.u32 $0x1, s3  }
0x4: {  	s17 =	sshll.u32 s0, $0xA;
	s1 =	sadd.s32 s2, s1  }
0x5: {  	s1 =	sadd.s32 s1, s17  }
0x6: {  	[smem:$0x3FC2] =	sst s1  }
0x7: {  	_ = 	snop  }
0x8: {  	(tm) =	ssettm $0x1  }
0x9: {  	s18 =	sld [smem:$0x3FFB];
	_ =	sdelay $0x3  }
0xa: {  	_ =	strace s18  }
0xb: {  	s1 =	sld [smem:$0x3FFC];
	_ =	sdelay $0x3  }
0xc: {  	_ =	strace s1  }
0xd: {  	s1 =	sld [smem:$0x3FFD];
	_ =	sdelay $0x3  }
0xe: {  	_ =	strace s1  }
0xf: {  	_ =	strace $0x8FFFFFFF  }
0x10: {  	s19 =	sld [smem:$0x3FDB];
	_ =	sdelay $0x1  }
0x11: {  	s20 =	simm.s32 $_scs_section_size  }
0x12: {  	s4 =	simm.s32 $_size__tile_overlayer_lowered;
	s5 =	simm.s32 $_tile_overlayer_lowered  }
0x13: {  	s23 =	simm.s32 $0x1BFF;
	s22 =	sshll.u32 s5, $0x1;
	s1 =	sadd.s32 s20, s19  }
0x14: {  	s6 =	simm.s32 $0x0;
	s21 =	sshll.u32 s4, $0x1;
	s4 =	sadd.s32 s22, s1  }
0x15: {  	[timem:s6], [sflag:s23] =	dma.local [hbm:s4], s21  }
0x16: {  	_ =	swait.ge [sflag:s23], s21  }
0x17: {  	s2 =	ssub.s32 $0x0, s21;
	[sflag:s23] =	ssyncset.done $0x0  }
0x18: {  	[sflag:s23] =	ssyncadd.s32 s2;
	_ =	sdelay $0x1  }
0x19: {  	s24 =	simm.s32 $0x1B8B  }
0x1a: {  	_ =	swait.ge [sflag:s24], $0x1  }
0x1b: {  	[sflag:s24] =	ssyncset.done $0x0  }
0x1c: {  	s26 =	simm.s32 $0x1B8E;
	s25 =	sld [smem:$0x3FFE];
	[sflag:s24] =	ssyncadd.s32 $0xFFFFFFFF  }
0x1d: {  	s27 =	simm.s32 $execute0_lowered;
	[smem:$0x3FD2] =	sst s26  }
0x1e: {  	s4 =	sshll.u32 s27, $0x1;
	_ =	strace $0x80000049;
	[dreg:$0x1] =	wrdreg $0xFFFFFFFF  }
0x1f: {  	s28 =	simm.s32 $_size_execute0_lowered;
	s1 =	sadd.s32 s1, s4;
	[dreg:$0x0] =	wrdreg $0x0  }
0x20: {  	s4 =	sshll.u32 s28, $0x1;
	[dreg:$0x2] =	wrdreg s1  }
0x21: {  	[dreg:$0x3] =	wrdreg s4  }
0x22: {  	[dreg:$0x4] =	wrdreg $0xC0  }
0x23: {  	_ =	task [dreg:s6], $0x5FFFF  }
0x24: {  	[dreg:$0x1] =	wrdreg $0xFFFFFFFF  }
0x25: {  	[dreg:$0x0] =	wrdreg $0x60  }
0x26: {  	[dreg:$0x2] =	wrdreg s25  }
0x27: {  	[dreg:$0x3] =	wrdreg $0x9  }
0x28: {  	_ =	task.clear_ibuf [dreg:s6], $0x4FFFF;
	_ =	strace $0x90000049  }
0x29: {  	s29 =	simm.s32 $0x9;
	_ =	strace $0x8000004B  }
0x2a: {  	_ =	swait.ge [sflag:s29], $0x1  }
0x2b: {  	[sflag:s29] =	ssyncadd.s32 $0xFFFFFFFF  }
0x2c: {  	_ =	strace $0x9000004B  }
0x2d: {  	_ =	sfence  }
0x2e: {  	s30 =	sld [smem:$0x0];
	_ =	sdelay $0x2  }
0x2f: {  	s31 =	sshll.u32 s3, $0xD;
	s3 =	sshrl.u32 s3, $0x2  }
0x30: {  	s2 =	sand.u32 $0x4000, s31;
	s1 =	sadd.s32 s3, s30  }
0x31: {  	s0 =	sor.u32 s2, s0;
	s1 =	sshll.u32 s1, $0x11  }
0x32: {  	s0 =	sor.u32 s1, s0  }
0x33: {  	s0 =	sadd.s32 $0x8F2B, s0  }
0x34: {  	[sflag:s0] =	ssyncadd.remote.s32 $0x1  }
0x35: {  	_ =	sfence.sel $0xFFFF  }
0x36: {  	[dreg:$0x0] =	wrdreg $0xFFFFFFFF;
	(pc) =	sbr.abs _section_cstart, $3  }
0x37: {  	[dreg:$0x1] =	wrdreg $0xFFFFFFFF  }
0x38: {  	_ =	task.clear_ibuf [dreg:s6], $0x2FFFF;
	_ =	strace $0x9FFFFFFF  }
0x39: {  	(tm) =	ssettm $0x7FFFFFFF  }
tec
execute0_lowered:
.L_overlay_start_1:
0x0: {  	(tag) =	ssettag $0x1  }
0x1: {  	s1 =	rddreg [dreg:$0x0]  }
0x2: {  	s0 =	rddreg [dreg:$0x1]  }
0x3: {  	_ =	strace $0x8000004A;
	s4 =	srdreg.scid;
	s6 =	simm.s32 $0x2  }
0x4: {  	s11 =	simm.s32 $0x0;
	p0 =	por $0x0, $0x0;
	s7 =	simm.s32 $0x400  }
.Ltmp0:
0x5: {  	s12 =	simm.s32 $0x0;
	s9 =	simm.s32 $0x0;
	(pc) =	sbr.rel .LBB1_1-.Ltmp0, $4  }
0x6: {  	s2 =	sadd.s32 $0x4000, s1;
	s3 =	sadd.s32 $0x104000, s1;
	s5 =	sshll.u32 s4, $0x4  }
0x7: {  	s1 =	stileid.u32;
	s4 =	simm.s32 $0x1;
	s5 =	sand.u32 $0x10, s5  }
0x8: {  	s8 =	simm.s32 $0x0;
	[sflag:s4] =	ssyncpa.u1 $0x0;
	s5 =	sor.u32 s1, s5  }
0x9: {  	[sflag:s6] =	ssyncpa.u1 $0x0;
	s6 =	simm.s32 $0x200;
	s10 =	smov.u32 s5  }
.LBB1_7:
0xa: {  	s13 =	sadd.s32 $0x4, s9  }
0xb: {  	s11 =	sadd.s32 $0x20, s10;
	s15 =	smov.u32 s10;
	p2 =	sgt.s32 s13, $0x7  }
0xc: {  	p1 =	slt.u32 s8, $0x2;
	s15 =	smov.u32 @p2 s11  }
0xd: {  	s8 =	sadd.s32 $0x1, s8;
	s13 =	simm.s32 @p2 $0x0;
	p2 =	sgt.s32 s15, $0xFF  }
0xe: {  	s15 =	smov.u32 @p2 s5;
	p2 =	sne.s32 s8, $0x12  }
.Ltmp1:
0xf: {  	_ = 	snop;
	(pc) =	sbr.rel @!p2 .LBB1_8-.Ltmp1, $4  }
0x10: {  	s14 =	simm.s32 @!p1 $0x2  }
0x11: {  	s12 =	smov.u32 s10;
	_ =	swait.ge @!p1 [sflag:s14], $0x4000  }
0x12: {  	p0 =	por !p0, !p0;
	s11 =	smov.u32 s9;
	[sflag:s14] =	ssyncset.done @!p1 $0x0  }
0x13: {  	s9 =	smov.u32 s13;
	[sflag:s14] =	ssyncadd.s32 @!p1 $0xFFFFC000;
	s10 =	smov.u32 s15  }
.LBB1_1:
0x14: {  	p1 =	sgt.u32 s8, $0xF  }
0x15: {  	s13 =	sxor.u32 @!p1 $0xFFFFFFFF, s8;
	s14 =	sshll.u32 @!p1 s10, $0xC  }
0x16: {  	s15 =	sshll.u32 @!p1 s9, $0x9;
	s13 =	sshll.u32 @!p1 s13, $0xE;
	s14 =	sadd.s32 @!p1 s2, s14  }
0x17: {  	s13 =	sand.u32 @!p1 $0x4000, s13;
	s14 =	sadd.s32 @!p1 s15, s14;
	s15 =	simm.s32 @!p1 $0x0  }
0x18: {  	[tilespmem:s13], [sflag:$0x1] =	stream.linear.gather @!p1 [hbm4b:s14+s15], $0x4000, $0x38;
	[tilespmem:$0x10000] =	vst v63  }
0x19: {  	p1 =	seq.s32 s8, $0x0  }
0x1a: {  	p2 =	seq.s32 @!p1 s8, $0x11  }
0x1b: {  	p1 =	por p1, p2  }
.Ltmp2:
0x1c: {  	_ = 	snop;
	(pc) =	sbr.rel @p1 .LBB1_7-.Ltmp2, $1  }
0x1d: {  	_ =	sdelay $0x3  }
0x1e: {  	s13 =	simm.s32 $0x1;
	_ =	swait.ge [sflag:s4], $0x4000;
	s16 =	sshll.u32 s8, $0xE  }
0x1f: {  	s13 =	simm.s32 @!p0 $0x0;
	[sflag:s4] =	ssyncset.done $0x0;
	s31 =	sand.u32 $0x4000, s16  }
0x20: {  	s16 =	simm.s32 $0x0;
	s14 =	sshll.u32 s13, $0xE;
	[sflag:s4] =	ssyncadd.s32 $0xFFFFC000  }
0x21: {  	s13 =	sor.u32 $0x8040, s14;
	s15 =	sor.u32 $0x40, s14;
	s14 =	sor.u32 $0x8000, s31  }
.LBB1_3:
0x22: {  	v0 =	vmov s15;
	_ =	sdelay $0x3  }
0x23: {  	s18 =	simm.s32 $0x0  }
0x24: {  	v6 =	vld.idx.msk [tilespmem:v0+s18+$0x30 ss:$0x1], $0xffff  }
0x25: {  	v7 =	vld.idx.msk [tilespmem:v0+s18+$0xFFFFFFC0 ss:$0x1], $0xffff  }
0x26: {  	v5 =	vld.idx.msk [tilespmem:v0+s18+$0xFFFFFFD0 ss:$0x1], $0xffff  }
0x27: {  	v4 =	vld.idx.msk [tilespmem:v0+s18+$0xFFFFFFE0 ss:$0x1], $0xffff  }
0x28: {  	v3 =	vld.idx.msk [tilespmem:v0+s18+$0xFFFFFFF0 ss:$0x1], $0xffff  }
0x29: {  	v1 =	vld.idx.msk [tilespmem:v0+s18+$0x0 ss:$0x1], $0xffff  }
0x2a: {  	v2 =	vld.idx.msk [tilespmem:v0+s18+$0x10 ss:$0x1], $0xffff;
	[tilespmem:s13+$0x30] =	vst v6  }
0x2b: {  	s17 =	simm.s32 $0x80;
	s19 =	simm.s32 $0x400;
	[tilespmem:s13+$0xFFFFFFC0] =	vst v7;
	v6 =	vld.idx.msk [tilespmem:v0+s18+$0x20 ss:$0x1], $0xffff;
	s18 =	smov.u32 s13  }
.LBB1_4:
0x2c: {  	p1 =	sne.s32 s19, $0x3E00;
	v7 =	vld.idx.msk [tilespmem:v0+s17+$0x30 ss:$0x1], $0xffff;
	[tilespmem:s18+$0xFFFFFFD0] =	vst v5  }
0x2d: {  	v8 =	vld.idx.msk [tilespmem:v0+s17+$0xFFFFFFC0 ss:$0x1], $0xffff;
	[tilespmem:s18+$0xFFFFFFE0] =	vst v4  }
0x2e: {  	v5 =	vld.idx.msk [tilespmem:v0+s17+$0xFFFFFFD0 ss:$0x1], $0xffff;
	[tilespmem:s18+$0xFFFFFFF0] =	vst v3  }
.Ltmp3:
0x2f: {  	v4 =	vld.idx.msk [tilespmem:v0+s17+$0xFFFFFFE0 ss:$0x1], $0xffff;
	[tilespmem:s18+$0x0] =	vst v1;
	(pc) =	sbr.rel @p1 .LBB1_4-.Ltmp3, $4  }
0x30: {  	v3 =	vld.idx.msk [tilespmem:v0+s17+$0xFFFFFFF0 ss:$0x1], $0xffff;
	[tilespmem:s18+$0x10] =	vst v2  }
0x31: {  	v1 =	vld.idx.msk [tilespmem:v0+s17+$0x0 ss:$0x1], $0xffff;
	[tilespmem:s18+$0x20] =	vst v6;
	s18 =	sadd.s32 $0x200, s18  }
0x32: {  	v2 =	vld.idx.msk [tilespmem:v0+s17+$0x10 ss:$0x1], $0xffff;
	[tilespmem:s18+$0x30] =	vst v7  }
0x33: {  	[tilespmem:s18+$0xFFFFFFC0] =	vst v8;
	v6 =	vld.idx.msk [tilespmem:v0+s17+$0x20 ss:$0x1], $0xffff;
	s17 =	sshra.s32 s19, $0x2;
	s19 =	sadd.s32 $0x200, s19  }
0x34: {  	_ =	sdelay $0x2  }
0x35: {  	[tilespmem:s18+$0xFFFFFFD0] =	vst v5  }
0x36: {  	v56 =	vld.idx.msk [tilespmem:v0+s17+$0x30 ss:$0x1], $0xffff;
	[tilespmem:s18+$0xFFFFFFE0] =	vst v4  }
0x37: {  	v57 =	vld.idx.msk [tilespmem:v0+s17+$0xFFFFFFC0 ss:$0x1], $0xffff;
	[tilespmem:s18+$0xFFFFFFF0] =	vst v3  }
0x38: {  	v58 =	vld.idx.msk [tilespmem:v0+s17+$0xFFFFFFD0 ss:$0x1], $0xffff;
	[tilespmem:s18+$0x0] =	vst v1  }
0x39: {  	v59 =	vld.idx.msk [tilespmem:v0+s17+$0xFFFFFFE0 ss:$0x1], $0xffff;
	[tilespmem:s18+$0x10] =	vst v2  }
0x3a: {  	v60 =	vld.idx.msk [tilespmem:v0+s17+$0xFFFFFFF0 ss:$0x1], $0xffff;
	s31 =	sadd.s32 $0x200, s18;
	[tilespmem:s18+$0x20] =	vst v6  }
0x3b: {  	v61 =	vld.idx.msk [tilespmem:v0+s17+$0x0 ss:$0x1], $0xffff;
	[tilespmem:s31+$0x30] =	vst v56  }
0x3c: {  	v62 =	vld.idx.msk [tilespmem:v0+s17+$0x10 ss:$0x1], $0xffff;
	s16 =	sadd.s32 $0x1, s16;
	[tilespmem:s31+$0xFFFFFFC0] =	vst v57  }
0x3d: {  	v63 =	vld.idx.msk [tilespmem:v0+s17+$0x20 ss:$0x1], $0xffff;
	p1 =	sne.s32 s16, $0x4;
	[tilespmem:s31+$0xFFFFFFD0] =	vst v58  }
.Ltmp4:
0x3e: {  	[tilespmem:s31+$0xFFFFFFE0] =	vst v59;
	(pc) =	sbr.rel @p1 .LBB1_3-.Ltmp4, $4  }
0x3f: {  	[tilespmem:s31+$0xFFFFFFF0] =	vst v60  }
0x40: {  	[tilespmem:s31+$0x0] =	vst v61  }
0x41: {  	[tilespmem:s31+$0x10] =	vst v62  }
0x42: {  	s13 =	sadd.s32 $0x80, s13;
	s15 =	sadd.s32 $0x1000, s15;
	[tilespmem:s31+$0x20] =	vst v63  }
.Ltmp5:
0x43: {  	(pc) =	sbr.rel .LBB1_7-.Ltmp5, $4  }
0x44: {  	s12 =	sshll.u32 s12, $0xC;
	s11 =	sshll.u32 s11, $0x4  }
0x45: {  	s11 =	sand.u32 $0x70, s11;
	s12 =	sadd.s32 s3, s12  }
0x46: {  	s11 =	sadd.s32 s11, s12  }
0x47: {  	[hbm4b:s11+s6] =	stream.strided.scatter [tilespmem:s14], [sflag:$0x2], $0x4000, s7, s6, $0x38;
	[tilespmem:$0x10000] =	vst v63  }
.LBB1_8:
0x48: {  	_ =	sfence.sel $0x180000  }
0x49: {  	s2 =	simm.s32 $0x1;
	[bflag:$0x0] =	sbarrier.arrive $0xFFFF  }
0x4a: {  	s31 =	simm.s32 $0x2;
	[sflag:s2] =	ssyncpa.u1 $0x1  }
0x4b: {  	[sflag:s31] =	ssyncpa.u1 $0x1  }
0x4c: {  	p0 =	sne.s32 s1, $0x0;
	_ =	strace $0x9000004A  }
0x4d: {  	s0 =	sadd.s32 @!p0 $0x100000, s0;
	[bflag:$0x2] =	sbarrier.arrive $0xFFFF  }
0x4e: {  	[sflag:s0] =	ssyncadd.tile.s32 @!p0 $0x1;
	_ =	shalt  }
.Lfunc_end1:
_tile_overlayer_lowered:
.L_overlay_start_2:
0x4f: {  	(tag) =	ssettag $0x2  }
0x50: {  	s0 =	rddreg [dreg:$0x0];
	s2 =	stileid.u32  }
0x51: {  	s1 =	rddreg [dreg:$0x1];
	p0 =	sne.s32 s2, $0x0  }
0x52: {  	s3 =	rddreg [dreg:$0x2];
	[bflag:$0x3] =	sbarrier.arrive $0xFFFF;
	s2 =	simm.s32 @!p0 $0x1C01  }
0x53: {  	[timem:s3], [sflag:s2] =	dma.local @!p0 [hbm:s0], s1  }
0x54: {  	s0 =	simm.s32 @!p0 $0x1  }
0x55: {  	_ =	swait.ge @!p0 [sflag:s0], s1  }
0x56: {  	s1 =	ssub.s32 @!p0 $0x0, s1;
	[sflag:s0] =	ssyncset.done @!p0 $0x0  }
0x57: {  	[sflag:s0] =	ssyncadd.s32 @!p0 s1  }
0x58: {  	[bflag:$0x3] =	sbarrier.arrive $0xFFFF  }
0x59: {  	_ =	shalt  }

</sc_bundles>
